<compile_context>
chip_gen: v7x
topology: tpu7x:2x2x1
jax: 0.10.2.dev20260603
libtpu: 0.0.44.dev20260713+nightly
codegen_flags: <defaults>
</compile_context>

<pallas_src>
import functools

import jax
import jax.numpy as jnp
from jax import lax
from jax.experimental import pallas as pl
from jax.experimental.pallas import tpu as pltpu
from jax.experimental.pallas import tpu_sc as plsc

NC, NS, L = 2, 16, 16
NW = NC * NS
N = 10000
D = 128
DH = D // NC
G = 128
GH = G // NC
PN = 10240
CHUNK = 128
RPT = PN // NS

_MESH = plsc.VectorSubcoreMesh(
    core_axis_name="c", subcore_axis_name="s", num_cores=NC, num_subcores=NS)


def _pad_edges(idx, total, fill):
    return jnp.concatenate(
        [idx, jnp.full((total - idx.shape[0],), fill, dtype=idx.dtype)])


def _k1_body(dste_hbm, batp_hbm, zeros_hbm, degp_hbm, cntp_hbm,
             dst_v, bat_v, ones_v, deg_sh, cnt_sh, sem):
    cid = lax.axis_index("c")
    sid = lax.axis_index("s")
    wid = cid * NS + sid
    nde = dst_v.shape[0]
    nbt = bat_v.shape[0]

    pltpu.sync_copy(dste_hbm.at[wid], dst_v)
    pltpu.sync_copy(batp_hbm.at[wid], bat_v)
    for l in range(CHUNK // L):
        ones_v[pl.ds(l * L, L)] = jnp.ones((L,), jnp.float32)
    pltpu.sync_copy(zeros_hbm.at[pl.ds(0, PN // NS)],
                    deg_sh.at[pl.ds(sid * (PN // NS), PN // NS)])

    @pl.when(sid == 0)
    def _():
        pltpu.sync_copy(zeros_hbm.at[pl.ds(0, 256)], cnt_sh)

    plsc.subcore_barrier()

    def deg_step(j, _):
        pltpu.sync_copy(ones_v, deg_sh.at[dst_v.at[j]], add=True)
        return 0

    lax.fori_loop(0, nde, deg_step, 0)

    def cnt_step(j, _):
        pltpu.sync_copy(ones_v, cnt_sh.at[bat_v.at[j]], add=True)
        return 0

    lax.fori_loop(0, nbt, cnt_step, 0)
    plsc.subcore_barrier()

    pltpu.sync_copy(deg_sh.at[pl.ds(sid * (PN // NS), PN // NS)],
                    degp_hbm.at[cid, pl.ds(sid * (PN // NS), PN // NS)])

    @pl.when(sid == 0)
    def _():
        pltpu.sync_copy(cnt_sh, cntp_hbm.at[cid])


def _k1_call(dste, batp, zeros1d, n_dchunks, n_bchunks):
    return pl.kernel(
        _k1_body,
        out_type=[jax.ShapeDtypeStruct((NC, PN), jnp.float32),
                  jax.ShapeDtypeStruct((NC, 256), jnp.float32)],
        mesh=_MESH,
        scratch_types=[
            pltpu.VMEM((n_dchunks, CHUNK), jnp.int32),
            pltpu.VMEM((n_bchunks, CHUNK), jnp.int32),
            pltpu.VMEM((CHUNK,), jnp.float32),
            pltpu.VMEM_SHARED((PN,), jnp.float32),
            pltpu.VMEM_SHARED((256,), jnp.float32),
            pltpu.SemaphoreType.DMA,
        ],
    )(dste, batp, zeros1d)


def _k4_body(src_hbm, dst_hbm, ycat_hbm, zeros2d_hbm, accp_hbm,
             src_v, dst_v, rows_v, acc_sh, gsem, ssem):
    cid = lax.axis_index("c")
    sid = lax.axis_index("s")
    nch = src_v.shape[1]
    off = cid * PN

    pltpu.sync_copy(src_hbm.at[pl.ds(sid * 2, 2)], src_v)
    pltpu.sync_copy(dst_hbm.at[pl.ds(sid * 2, 2)], dst_v)
    pltpu.sync_copy(zeros2d_hbm, acc_sh.at[pl.ds(sid * RPT, RPT)])

    def bias_step(k, _):
        w = k // nch
        jj = k - w * nch
        for l in range(CHUNK // L):
            src_v[w, jj, pl.ds(l * L, L)] = (
                src_v[w, jj, pl.ds(l * L, L)] + off)
        return 0

    lax.fori_loop(0, 2 * nch, bias_step, 0)
    plsc.subcore_barrier()

    nt = 2 * nch

    def _gather(k, buf):
        w = k // nch
        jj = k - w * nch
        pltpu.async_copy(ycat_hbm.at[src_v.at[w, jj]], rows_v.at[buf], gsem)

    for b in range(3):
        _gather(b, b)

    def step(k, _):
        w = k // nch
        jj = k - w * nch
        cur = lax.rem(k, 4)
        pltpu.make_async_copy(ycat_hbm.at[src_v.at[w, jj]], rows_v.at[cur],
                              gsem).wait()
        pltpu.async_copy(rows_v.at[cur], acc_sh.at[dst_v.at[w, jj]], ssem,
                         add=True)

        @pl.when(k >= 1)
        def _():
            km = k - 1
            wm = km // nch
            jm = km - wm * nch
            pltpu.make_async_copy(rows_v.at[lax.rem(km, 4)],
                                  acc_sh.at[dst_v.at[wm, jm]], ssem).wait()

        @pl.when(k + 3 < nt)
        def _():
            k3 = k + 3
            w3 = k3 // nch
            j3 = k3 - w3 * nch
            pltpu.async_copy(ycat_hbm.at[src_v.at[w3, j3]],
                             rows_v.at[lax.rem(k3, 4)], gsem)

        return 0

    lax.fori_loop(0, nt, step, 0)
    pltpu.make_async_copy(rows_v.at[lax.rem(nt - 1, 4)],
                          acc_sh.at[dst_v.at[1, nch - 1]], ssem).wait()
    plsc.subcore_barrier()

    pltpu.sync_copy(acc_sh.at[pl.ds(sid * RPT, RPT)],
                    accp_hbm.at[cid, pl.ds(sid * RPT, RPT)])


def _k4_call(src1, dst1, ycat, zeros2d, n_chunks):
    return pl.kernel(
        _k4_body,
        out_type=jax.ShapeDtypeStruct((NC, PN, DH), jnp.float32),
        mesh=_MESH,
        scratch_types=[
            pltpu.VMEM((2, n_chunks, CHUNK), jnp.int32),
            pltpu.VMEM((2, n_chunks, CHUNK), jnp.int32),
            pltpu.VMEM((4, CHUNK, DH), jnp.float32),
            pltpu.VMEM_SHARED((PN, DH), jnp.float32),
            pltpu.SemaphoreType.DMA,
            pltpu.SemaphoreType.DMA,
        ],
        compiler_params=pltpu.CompilerParams(use_tc_tiling_on_sc=False),
    )(src1, dst1, ycat, zeros2d)


def _k3_body(src_hbm, dst_hbm, dinv_hbm, r_hbm, ibase_hbm, zeros_hbm, cp_hbm,
             src_v, dst_v, dvs_v, dvd_v, ib_v, val_v, idx_v, c_sh, gsem, ssem):
    cid = lax.axis_index("c")
    sid = lax.axis_index("s")
    wid = cid * NS + sid
    nt = src_v.shape[0]

    pltpu.sync_copy(src_hbm.at[wid], src_v)
    pltpu.sync_copy(dst_hbm.at[wid], dst_v)
    z = zeros_hbm.shape[0]
    csl = G * PN // NS
    for q in range(csl // z):
        pltpu.sync_copy(zeros_hbm,
                        c_sh.at[pl.ds(sid * csl + q * z, z)])
    plsc.subcore_barrier()

    def _gather(k, buf):
        pltpu.async_copy(dinv_hbm.at[src_v.at[k]], dvs_v.at[buf], gsem)
        pltpu.async_copy(r_hbm.at[dst_v.at[k]], dvd_v.at[buf], gsem)
        pltpu.async_copy(ibase_hbm.at[dst_v.at[k]], ib_v.at[buf], gsem)

    _gather(0, 0)
    _gather(1, 1)

    def step(j, _):
        cur = lax.rem(j, 2)
        pltpu.make_async_copy(dinv_hbm.at[src_v.at[j]], dvs_v.at[cur],
                              gsem).wait()
        pltpu.make_async_copy(r_hbm.at[dst_v.at[j]], dvd_v.at[cur],
                              gsem).wait()
        pltpu.make_async_copy(ibase_hbm.at[dst_v.at[j]], ib_v.at[cur],
                              gsem).wait()

        @pl.when(j >= 2)
        def _():
            pltpu.make_async_copy(val_v.at[cur], c_sh.at[idx_v.at[cur]],
                                  ssem).wait()

        for l in range(CHUNK // L):
            s = src_v[j, pl.ds(l * L, L)]
            ib = ib_v[cur, pl.ds(l * L, L)]
            v = dvs_v[cur, pl.ds(l * L, L)] * dvd_v[cur, pl.ds(l * L, L)]
            val_v[cur, pl.ds(l * L, L)] = v
            idx_v[cur, pl.ds(l * L, L)] = ib + s

        pltpu.async_copy(val_v.at[cur], c_sh.at[idx_v.at[cur]], ssem, add=True)

        @pl.when(j + 2 < nt)
        def _():
            _gather(j + 2, lax.rem(j + 2, 2))

        return 0

    lax.fori_loop(0, nt, step, 0)
    pltpu.make_async_copy(val_v.at[0], c_sh.at[idx_v.at[0]], ssem).wait()
    pltpu.make_async_copy(val_v.at[1], c_sh.at[idx_v.at[1]], ssem).wait()
    plsc.subcore_barrier()

    pltpu.sync_copy(c_sh.at[pl.ds(sid * csl, csl)],
                    cp_hbm.at[cid, pl.ds(sid * csl, csl)])


def _k3_call(srcx, dstx, dinv, r, ibase, zeros1d, n_chunks):
    return pl.kernel(
        _k3_body,
        out_type=jax.ShapeDtypeStruct((NC, G * PN), jnp.float32),
        mesh=_MESH,
        scratch_types=[
            pltpu.VMEM((n_chunks, CHUNK), jnp.int32),
            pltpu.VMEM((n_chunks, CHUNK), jnp.int32),
            pltpu.VMEM((2, CHUNK), jnp.float32),
            pltpu.VMEM((2, CHUNK), jnp.float32),
            pltpu.VMEM((2, CHUNK), jnp.int32),
            pltpu.VMEM((2, CHUNK), jnp.float32),
            pltpu.VMEM((2, CHUNK), jnp.int32),
            pltpu.VMEM_SHARED((G * PN,), jnp.float32),
            pltpu.SemaphoreType.DMA,
            pltpu.SemaphoreType.DMA,
        ],
        compiler_params=pltpu.CompilerParams(
            internal_scratch_in_bytes=3000000),
    )(srcx, dstx, dinv, r, ibase, zeros1d)


def _k2_body(x_ref, w1_ref, dinv_ref, bat_ref, icnt_ref, y_ref, r_ref):
    xw = jnp.dot(x_ref[...], w1_ref[...], preferred_element_type=jnp.float32)
    y = xw * dinv_ref[...]
    y_ref[0] = y[:, :DH]
    y_ref[1] = y[:, DH:]
    bm = bat_ref.shape[0]
    iota_g = lax.broadcasted_iota(jnp.int32, (bm, G), 1)
    oh = (bat_ref[...] == iota_g).astype(jnp.float32)
    icnt_node = jnp.dot(oh, icnt_ref[...], preferred_element_type=jnp.float32)
    r_ref[...] = dinv_ref[...] * icnt_node


def _k2_call(x_pad, w1, dinv_col, bat_col, icnt_col):
    bm = 512
    return pl.pallas_call(
        _k2_body,
        grid=(PN // bm,),
        in_specs=[
            pl.BlockSpec((bm, D), lambda i: (i, 0)),
            pl.BlockSpec((D, D), lambda i: (0, 0)),
            pl.BlockSpec((bm, 1), lambda i: (i, 0)),
            pl.BlockSpec((bm, 1), lambda i: (i, 0)),
            pl.BlockSpec((G, 1), lambda i: (0, 0)),
        ],
        out_specs=[pl.BlockSpec((2, bm, DH), lambda i: (0, i, 0)),
                   pl.BlockSpec((bm, 1), lambda i: (i, 0))],
        out_shape=[jax.ShapeDtypeStruct((2, PN, DH), jnp.float32),
                   jax.ShapeDtypeStruct((PN, 1), jnp.float32)],
    )(x_pad, w1, dinv_col, bat_col, icnt_col)


def _k6_body(c0_ref, c1_ref, accp_ref, y_ref, dinv_ref, b1_ref,
             w2_ref, b2_ref, mask_ref, wr_ref, br_ref, out_ref, qacc_ref):
    i = pl.program_id(0)

    @pl.when(i == 0)
    def _():
        qacc_ref[...] = jnp.zeros_like(qacc_ref)

    acc = jnp.concatenate([accp_ref[0], accp_ref[1]], axis=1)
    y = jnp.concatenate([y_ref[0], y_ref[1]], axis=1)
    h1 = jnp.maximum((acc + y) * dinv_ref[...] + b1_ref[...], 0.0)
    qacc_ref[...] += jnp.dot(c0_ref[...] + c1_ref[...], h1,
                             preferred_element_type=jnp.float32)

    @pl.when(i == pl.num_programs(0) - 1)
    def _():
        pooled = jnp.dot(qacc_ref[...], w2_ref[...],
                         preferred_element_type=jnp.float32) + b2_ref[...]
        pooled = pooled * mask_ref[...]
        h = jnp.maximum(pooled, 0.0)
        out_ref[...] = jnp.dot(h, wr_ref[...],
                               preferred_element_type=jnp.float32) + br_ref[...]


def _k6_call(c0, c1, accp, ycat, dinv_col, b1_2d, w2, b2_2d, maskcol, wr,
             br_2d):
    bk = 1280
    return pl.pallas_call(
        _k6_body,
        grid=(PN // bk,),
        in_specs=[
            pl.BlockSpec((G, bk), lambda i: (0, i)),
            pl.BlockSpec((G, bk), lambda i: (0, i)),
            pl.BlockSpec((2, bk, DH), lambda i: (0, i, 0)),
            pl.BlockSpec((2, bk, DH), lambda i: (0, i, 0)),
            pl.BlockSpec((bk, 1), lambda i: (i, 0)),
            pl.BlockSpec((1, D), lambda i: (0, 0)),
            pl.BlockSpec((D, D), lambda i: (0, 0)),
            pl.BlockSpec((1, D), lambda i: (0, 0)),
            pl.BlockSpec((G, 1), lambda i: (0, 0)),
            pl.BlockSpec((D, 1), lambda i: (0, 0)),
            pl.BlockSpec((1, 1), lambda i: (0, 0)),
        ],
        out_specs=pl.BlockSpec((G, 1), lambda i: (0, 0)),
        out_shape=jax.ShapeDtypeStruct((G, 1), jnp.float32),
        scratch_shapes=[pltpu.VMEM((G, D), jnp.float32)],
    )(c0, c1, accp, ycat, dinv_col, b1_2d, w2, b2_2d, maskcol, wr, br_2d)


@jax.jit
def kernel(x, edge_index, batch, W1, b1, W2, b2, Wr, br):
    src = edge_index[0].astype(jnp.int32)
    dst = edge_index[1].astype(jnp.int32)
    bat = batch.astype(jnp.int32)
    e = src.shape[0]

    loop = jnp.arange(N, dtype=jnp.int32)
    n1 = -(-e // (NW * CHUNK))
    pe1 = n1 * NW * CHUNK
    src1 = _pad_edges(src, pe1, N).reshape(NW, n1, CHUNK)
    dst1 = _pad_edges(dst, pe1, N).reshape(NW, n1, CHUNK)
    srcx = jnp.concatenate([src, loop])
    dstx = jnp.concatenate([dst, loop])
    n2 = -(-srcx.shape[0] // (NW * CHUNK))
    pe2 = n2 * NW * CHUNK
    srcx = _pad_edges(srcx, pe2, N).reshape(NW, n2, CHUNK)
    dstx = _pad_edges(dstx, pe2, N).reshape(NW, n2, CHUNK)
    nb = -(-N // (NW * CHUNK))
    pb = nb * NW * CHUNK
    batp = _pad_edges(bat, pb, G).reshape(NW, nb, CHUNK)
    bat_node = _pad_edges(bat, PN, 0)

    zeros1d = jnp.zeros((GH * PN // NS,), jnp.float32)
    zeros2d = jnp.zeros((RPT, DH), jnp.float32)
    x_pad = jnp.concatenate([x, jnp.zeros((PN - N, D), x.dtype)])

    degp, cntp = _k1_call(dstx, batp, zeros1d, n2, nb)

    deg = degp[0] + degp[1]
    node_ok = (jnp.arange(PN) < N) & (deg > 0)
    dinv = jnp.where(node_ok, lax.rsqrt(jnp.maximum(deg, 1.0)), 0.0)
    dinv_col = dinv.reshape(PN, 1)
    cnt = cntp[0, :G] + cntp[1, :G]
    invcnt = jnp.where(cnt > 0, 1.0 / jnp.maximum(cnt, 1.0), 0.0)
    maskcol = (cnt > 0).astype(jnp.float32).reshape(G, 1)

    ycat, r_col = _k2_call(x_pad, W1, dinv_col, bat_node.reshape(PN, 1),
                           invcnt.reshape(G, 1))
    accp = _k4_call(src1, dst1, ycat.reshape(2 * PN, DH), zeros2d, n1)
    cp = _k3_call(srcx, dstx, dinv, r_col.reshape(PN), bat_node * PN,
                  zeros1d, n2)
    out = _k6_call(cp[0].reshape(G, PN), cp[1].reshape(G, PN), accp, ycat,
                   dinv_col, b1.reshape(1, D), W2, b2.reshape(1, D), maskcol,
                   Wr, br.reshape(1, 1))
    return out

# --- scband reference (transcript-rebuilt; emitter-appended) ---
"""Pipeline reference for scband-gnn-52467320488064 (READ-ONLY COPY).

The authoritative reference and input builder live on the scoring server;
editing this copy changes nothing except your own understanding.
"""

import jax, jax.numpy as jnp
import numpy as np

N_NODES = 10000
N_EDGES = 320000
D_FEAT = 128
N_GRAPHS = 128


def setup_inputs(seed: int = 0) -> dict:
    key = jax.random.key(seed)
    k = jax.random.split(key, 10)
    x = jax.random.normal(k[0], (N_NODES, D_FEAT), dtype=jnp.float32)
    edge_index = jax.random.randint(k[1], (2, N_EDGES), 0, N_NODES, dtype=jnp.int64)
    batch = jnp.sort(jax.random.randint(k[2], (N_NODES,), 0, N_GRAPHS, dtype=jnp.int64))
    # GCN layer 1: 128 -> 128
    W1 = jax.random.normal(k[3], (D_FEAT, D_FEAT), dtype=jnp.float32) * (1.0 / np.sqrt(D_FEAT))
    b1 = jnp.zeros((D_FEAT,), dtype=jnp.float32)
    # GCN layer 2: 128 -> 128
    W2 = jax.random.normal(k[4], (D_FEAT, D_FEAT), dtype=jnp.float32) * (1.0 / np.sqrt(D_FEAT))
    b2 = jnp.zeros((D_FEAT,), dtype=jnp.float32)
    # Regression linear: 128 -> 1
    Wr = jax.random.normal(k[5], (D_FEAT, 1), dtype=jnp.float32) * (1.0 / np.sqrt(D_FEAT))
    br = jnp.zeros((1,), dtype=jnp.float32)
    return {"x": x, "edge_index": edge_index, "batch": batch,
            "W1": W1, "b1": b1, "W2": W2, "b2": b2, "Wr": Wr, "br": br}


def _gcn_conv(x, edge_index, W, b):
    n = x.shape[0]
    src = edge_index[0]
    dst = edge_index[1]
    # add self loops (PyG GCNConv default)
    loop = jnp.arange(n, dtype=src.dtype)
    src = jnp.concatenate([src, loop])
    dst = jnp.concatenate([dst, loop])
    deg = jax.ops.segment_sum(jnp.ones_like(dst, dtype=x.dtype), dst, num_segments=n)
    dinv = jnp.where(deg > 0, deg ** -0.5, 0.0)
    h = x @ W
    norm = dinv[src] * dinv[dst]
    msg = h[src] * norm[:, None]
    out = jax.ops.segment_sum(msg, dst, num_segments=n)
    return out + b


def _global_mean_pool(x, batch, num_graphs):
    sums = jax.ops.segment_sum(x, batch, num_segments=num_graphs)
    counts = jax.ops.segment_sum(jnp.ones((x.shape[0],), dtype=x.dtype), batch, num_segments=num_graphs)
    return sums / jnp.clip(counts, 1.0)[:, None]


def reference(x, edge_index, batch, W1, b1, W2, b2, Wr, br):
    # Block 1: GCNConv -> ReLU
    h = _gcn_conv(x, edge_index, W1, b1)
    h = jax.nn.relu(h)
    # Block 2 (last): GCNConv -> global_mean_pool -> ReLU
    h = _gcn_conv(h, edge_index, W2, b2)
    h = _global_mean_pool(h, batch, N_GRAPHS)
    h = jax.nn.relu(h)
    # Regression layer: Linear 128 -> 1 (no activation, no BN)
    out = h @ Wr + br
    return out

if __name__ == "__main__":
    import jax
    _d = setup_inputs()
    print(jax.jit(kernel)(*tuple(_d.values())))

</pallas_src>

<mosaic_0001>
#map = affine_map<(d0, d1) -> (0, 0, 0)>
#map1 = affine_map<(d0, d1) -> (0, 0)>
module attributes {stable_mosaic.version = 14 : i64} {
  func.func @_k4_body(%arg0: i32, %arg1: i32, %arg2: memref<32x79x128xi32, #tpu.memory_space<hbm>>, %arg3: memref<32x79x128xi32, #tpu.memory_space<hbm>>, %arg4: memref<20480x64xf32, #tpu.memory_space<hbm>>, %arg5: memref<640x64xf32, #tpu.memory_space<hbm>>, %arg6: memref<2x10240x64xf32, #tpu.memory_space<hbm>>, %arg7: memref<2x79x128xi32, #tpu.memory_space<vmem>>, %arg8: memref<2x79x128xi32, #tpu.memory_space<vmem>>, %arg9: memref<4x128x64xf32, #tpu.memory_space<vmem>>, %arg10: memref<10240x64xf32, #tpu.memory_space<vmem_shared>>, %arg11: memref<!tpu.dma_semaphore, #tpu.memory_space<semaphore_mem>>, %arg12: memref<!tpu.dma_semaphore, #tpu.memory_space<semaphore_mem>>) attributes {dimension_semantics = [#tpu.dimension_semantics<core_parallel>, #tpu.dimension_semantics<subcore_parallel>], iteration_bounds = array<i64: 2, 16>, scalar_prefetch = 0 : i64, scratch_operands = 6 : i64, tpu.core_type = #tpu.core_type<sc_vector_subcore>, window_params = [{transform_indices = #map}, {transform_indices = #map}, {transform_indices = #map1}, {transform_indices = #map1}, {transform_indices = #map}]} {
    %mul3A = arith.constant 10240 : i32
    %mul3A_0 = arith.muli %arg0, %mul3A : i32
    %mul3A_1 = arith.constant 2 : i32
    %mul3A_2 = arith.muli %arg1, %mul3A_1 : i32
    "tpu.region"() ({
      %run_scoped3A = tpu.sem_alloc : memref<!tpu.dma_semaphore, #tpu.memory_space<semaphore_mem>>
      %dma_start3A_76 = arith.constant 0 : i32
      %dma_start3A_77 = arith.constant 0 : i32
      %dma_start3A_78 = tpu.memref_slice %arg2[%mul3A_2, %dma_start3A_76, %dma_start3A_77] : memref<32x79x128xi32, #tpu.memory_space<hbm>> -> memref<2x79x128xi32, #tpu.memory_space<hbm>>
      %dma_start3A_79 = arith.constant 0 : i32
      %dma_start3A_80 = arith.constant 0 : i32
      %dma_start3A_81 = tpu.memref_slice %arg2[%mul3A_2, %dma_start3A_79, %dma_start3A_80] : memref<32x79x128xi32, #tpu.memory_space<hbm>> -> memref<2x79x128xi32, #tpu.memory_space<hbm>>
      tpu.enqueue_dma source(%dma_start3A_81 : memref<2x79x128xi32, #tpu.memory_space<hbm>>) target(%arg7 : memref<2x79x128xi32, #tpu.memory_space<vmem>>) target_semaphore(%run_scoped3A : memref<!tpu.dma_semaphore, #tpu.memory_space<semaphore_mem>>)
      %dma_wait3A_82 = arith.constant 0 : i32
      %dma_wait3A_83 = arith.constant 0 : i32
      %dma_wait3A_84 = tpu.memref_slice %arg2[%mul3A_2, %dma_wait3A_82, %dma_wait3A_83] : memref<32x79x128xi32, #tpu.memory_space<hbm>> -> memref<2x79x128xi32, #tpu.memory_space<hbm>>
      %dma_wait3A_85 = arith.constant 0 : i32
      %dma_wait3A_86 = arith.constant 0 : i32
      %dma_wait3A_87 = tpu.memref_slice %arg2[%mul3A_2, %dma_wait3A_85, %dma_wait3A_86] : memref<32x79x128xi32, #tpu.memory_space<hbm>> -> memref<2x79x128xi32, #tpu.memory_space<hbm>>
      tpu.wait_dma2 semaphore(%run_scoped3A : memref<!tpu.dma_semaphore, #tpu.memory_space<semaphore_mem>>) src(%dma_wait3A_87 : memref<2x79x128xi32, #tpu.memory_space<hbm>>) dst(%arg7 : memref<2x79x128xi32, #tpu.memory_space<vmem>>)
      tpu.yield
    }) : () -> ()
    %mul3A_3 = arith.constant 2 : i32
    %mul3A_4 = arith.muli %arg1, %mul3A_3 : i32
    "tpu.region"() ({
      %run_scoped3A = tpu.sem_alloc : memref<!tpu.dma_semaphore, #tpu.memory_space<semaphore_mem>>
      %dma_start3A_76 = arith.constant 0 : i32
      %dma_start3A_77 = arith.constant 0 : i32
      %dma_start3A_78 = tpu.memref_slice %arg3[%mul3A_4, %dma_start3A_76, %dma_start3A_77] : memref<32x79x128xi32, #tpu.memory_space<hbm>> -> memref<2x79x128xi32, #tpu.memory_space<hbm>>
      %dma_start3A_79 = arith.constant 0 : i32
      %dma_start3A_80 = arith.constant 0 : i32
      %dma_start3A_81 = tpu.memref_slice %arg3[%mul3A_4, %dma_start3A_79, %dma_start3A_80] : memref<32x79x128xi32, #tpu.memory_space<hbm>> -> memref<2x79x128xi32, #tpu.memory_space<hbm>>
      tpu.enqueue_dma source(%dma_start3A_81 : memref<2x79x128xi32, #tpu.memory_space<hbm>>) target(%arg8 : memref<2x79x128xi32, #tpu.memory_space<vmem>>) target_semaphore(%run_scoped3A : memref<!tpu.dma_semaphore, #tpu.memory_space<semaphore_mem>>)
      %dma_wait3A_82 = arith.constant 0 : i32
      %dma_wait3A_83 = arith.constant 0 : i32
      %dma_wait3A_84 = tpu.memref_slice %arg3[%mul3A_4, %dma_wait3A_82, %dma_wait3A_83] : memref<32x79x128xi32, #tpu.memory_space<hbm>> -> memref<2x79x128xi32, #tpu.memory_space<hbm>>
      %dma_wait3A_85 = arith.constant 0 : i32
      %dma_wait3A_86 = arith.constant 0 : i32
      %dma_wait3A_87 = tpu.memref_slice %arg3[%mul3A_4, %dma_wait3A_85, %dma_wait3A_86] : memref<32x79x128xi32, #tpu.memory_space<hbm>> -> memref<2x79x128xi32, #tpu.memory_space<hbm>>
      tpu.wait_dma2 semaphore(%run_scoped3A : memref<!tpu.dma_semaphore, #tpu.memory_space<semaphore_mem>>) src(%dma_wait3A_87 : memref<2x79x128xi32, #tpu.memory_space<hbm>>) dst(%arg8 : memref<2x79x128xi32, #tpu.memory_space<vmem>>)
      tpu.yield
    }) : () -> ()
    %mul3A_5 = arith.constant 640 : i32
    %mul3A_6 = arith.muli %arg1, %mul3A_5 : i32
    "tpu.region"() ({
      %run_scoped3A = tpu.sem_alloc : memref<!tpu.dma_semaphore, #tpu.memory_space<semaphore_mem>>
      %dma_start3A_76 = arith.constant 0 : i32
      %dma_start3A_77 = tpu.memref_slice %arg10[%mul3A_6, %dma_start3A_76] : memref<10240x64xf32, #tpu.memory_space<vmem_shared>> -> memref<640x64xf32, #tpu.memory_space<vmem_shared>>
      tpu.enqueue_dma source(%arg5 : memref<640x64xf32, #tpu.memory_space<hbm>>) target(%dma_start3A_77 : memref<640x64xf32, #tpu.memory_space<vmem_shared>>) target_semaphore(%run_scoped3A : memref<!tpu.dma_semaphore, #tpu.memory_space<semaphore_mem>>)
      %dma_wait3A_78 = arith.constant 0 : i32
      %dma_wait3A_79 = tpu.memref_slice %arg10[%mul3A_6, %dma_wait3A_78] : memref<10240x64xf32, #tpu.memory_space<vmem_shared>> -> memref<640x64xf32, #tpu.memory_space<vmem_shared>>
      tpu.wait_dma2 semaphore(%run_scoped3A : memref<!tpu.dma_semaphore, #tpu.memory_space<semaphore_mem>>) src(%arg5 : memref<640x64xf32, #tpu.memory_space<hbm>>) dst(%dma_wait3A_79 : memref<640x64xf32, #tpu.memory_space<vmem_shared>>)
      tpu.yield
    }) : () -> ()
    %scan3A = arith.constant 0 : i32
    %scan3A_7 = arith.constant 0 : i32
    %scan3A_8 = arith.constant 158 : i32
    %scan3A_9 = arith.addi %scan3A_7, %scan3A_8 : i32
    %scan3A_10 = arith.constant 1 : i32
    %scan3A_11 = scf.for %scan3A_76 = %scan3A_7 to %scan3A_9 step %scan3A_10 iter_args(%scan3A_77 = %scan3A) -> (i32)  : i32 {
      %jit3A = arith.constant 79 : i32
      %div3A = arith.divsi %scan3A_76, %jit3A : i32
      %sign3A = arith.constant 0 : i32
      %sign3A_78 = arith.cmpi sgt, %scan3A_76, %sign3A : i32
      %sign3A_79 = arith.extui %sign3A_78 : i1 to i32
      %sign3A_80 = arith.constant 0 : i32
      %sign3A_81 = arith.cmpi slt, %scan3A_76, %sign3A_80 : i32
      %sign3A_82 = arith.extui %sign3A_81 : i1 to i32
      %sign3A_83 = arith.subi %sign3A_79, %sign3A_82 : i32
      %sign3A_84 = arith.constant 0 : i32
      %sign3A_85 = arith.cmpi sgt, %jit3A, %sign3A_84 : i32
      %sign3A_86 = arith.extui %sign3A_85 : i1 to i32
      %sign3A_87 = arith.constant 0 : i32
      %sign3A_88 = arith.cmpi slt, %jit3A, %sign3A_87 : i32
      %sign3A_89 = arith.extui %sign3A_88 : i1 to i32
      %sign3A_90 = arith.subi %sign3A_86, %sign3A_89 : i32
      %ne3A = arith.cmpi ne, %sign3A_83, %sign3A_90 : i32
      %rem3A_91 = arith.remsi %scan3A_76, %jit3A : i32
      %ne3A_92 = arith.constant 0 : i32
      %ne3A_93 = arith.cmpi ne, %rem3A_91, %ne3A_92 : i32
      %and3A = arith.andi %ne3A, %ne3A_93 : i1
      %sub3A = arith.constant 1 : i32
      %sub3A_94 = arith.subi %div3A, %sub3A : i32
      %select_n3A = arith.select %and3A, %sub3A_94, %div3A : i32
      %mul3A_95 = arith.constant 79 : i32
      %mul3A_96 = arith.muli %select_n3A, %mul3A_95 : i32
      %sub3A_97 = arith.subi %scan3A_76, %mul3A_96 : i32
      %get3A = arith.index_cast %select_n3A : i32 to index
      %get3A_98 = arith.index_cast %sub3A_97 : i32 to index
      %get3A_99 = arith.constant 0 : index
      %get3A_100 = tpu.vector_load %arg7[%get3A, %get3A_98, %get3A_99] {strides = array<i32>} : memref<2x79x128xi32, #tpu.memory_space<vmem>>, vector<1x1x16xi32>,
      %get3A_101 = vector.shape_cast %get3A_100 : vector<1x1x16xi32> to vector<16xi32>
      %add3A = vector.broadcast %mul3A_0 : i32 to vector<16xi32>
      %add3A_102 = arith.addi %get3A_101, %add3A : vector<16xi32>
      %swap3A = arith.index_cast %select_n3A : i32 to index
      %swap3A_103 = arith.index_cast %sub3A_97 : i32 to index
      %swap3A_104 = arith.constant 0 : index
      %swap3A_105 = tpu.vector_load %arg7[%swap3A, %swap3A_103, %swap3A_104] {strides = array<i32>} : memref<2x79x128xi32, #tpu.memory_space<vmem>>, vector<1x1x16xi32>,
      %swap3A_106 = vector.shape_cast %swap3A_105 : vector<1x1x16xi32> to vector<16xi32>
      %swap3A_107 = vector.shape_cast %add3A_102 : vector<16xi32> to vector<1x1x16xi32>
      tpu.vector_store %arg7[%swap3A, %swap3A_103, %swap3A_104], %swap3A_107 {strides = array<i32>} : memref<2x79x128xi32, #tpu.memory_space<vmem>>, vector<1x1x16xi32>,
      %get3A_108 = arith.index_cast %select_n3A : i32 to index
      %get3A_109 = arith.index_cast %sub3A_97 : i32 to index
      %get3A_110 = arith.constant 16 : index
      %get3A_111 = tpu.vector_load %arg7[%get3A_108, %get3A_109, %get3A_110] {strides = array<i32>} : memref<2x79x128xi32, #tpu.memory_space<vmem>>, vector<1x1x16xi32>,
      %get3A_112 = vector.shape_cast %get3A_111 : vector<1x1x16xi32> to vector<16xi32>
      %add3A_113 = vector.broadcast %mul3A_0 : i32 to vector<16xi32>
      %add3A_114 = arith.addi %get3A_112, %add3A_113 : vector<16xi32>
      %swap3A_115 = arith.index_cast %select_n3A : i32 to index
      %swap3A_116 = arith.index_cast %sub3A_97 : i32 to index
      %swap3A_117 = arith.constant 16 : index
      %swap3A_118 = tpu.vector_load %arg7[%swap3A_115, %swap3A_116, %swap3A_117] {strides = array<i32>} : memref<2x79x128xi32, #tpu.memory_space<vmem>>, vector<1x1x16xi32>,
      %swap3A_119 = vector.shape_cast %swap3A_118 : vector<1x1x16xi32> to vector<16xi32>
      %swap3A_120 = vector.shape_cast %add3A_114 : vector<16xi32> to vector<1x1x16xi32>
      tpu.vector_store %arg7[%swap3A_115, %swap3A_116, %swap3A_117], %swap3A_120 {strides = array<i32>} : memref<2x79x128xi32, #tpu.memory_space<vmem>>, vector<1x1x16xi32>,
      %get3A_121 = arith.index_cast %select_n3A : i32 to index
      %get3A_122 = arith.index_cast %sub3A_97 : i32 to index
      %get3A_123 = arith.constant 32 : index
      %get3A_124 = tpu.vector_load %arg7[%get3A_121, %get3A_122, %get3A_123] {strides = array<i32>} : memref<2x79x128xi32, #tpu.memory_space<vmem>>, vector<1x1x16xi32>,
      %get3A_125 = vector.shape_cast %get3A_124 : vector<1x1x16xi32> to vector<16xi32>
      %add3A_126 = vector.broadcast %mul3A_0 : i32 to vector<16xi32>
      %add3A_127 = arith.addi %get3A_125, %add3A_126 : vector<16xi32>
      %swap3A_128 = arith.index_cast %select_n3A : i32 to index
      %swap3A_129 = arith.index_cast %sub3A_97 : i32 to index
      %swap3A_130 = arith.constant 32 : index
      %swap3A_131 = tpu.vector_load %arg7[%swap3A_128, %swap3A_129, %swap3A_130] {strides = array<i32>} : memref<2x79x128xi32, #tpu.memory_space<vmem>>, vector<1x1x16xi32>,
      %swap3A_132 = vector.shape_cast %swap3A_131 : vector<1x1x16xi32> to vector<16xi32>
      %swap3A_133 = vector.shape_cast %add3A_127 : vector<16xi32> to vector<1x1x16xi32>
      tpu.vector_store %arg7[%swap3A_128, %swap3A_129, %swap3A_130], %swap3A_133 {strides = array<i32>} : memref<2x79x128xi32, #tpu.memory_space<vmem>>, vector<1x1x16xi32>,
      %get3A_134 = arith.index_cast %select_n3A : i32 to index
      %get3A_135 = arith.index_cast %sub3A_97 : i32 to index
      %get3A_136 = arith.constant 48 : index
      %get3A_137 = tpu.vector_load %arg7[%get3A_134, %get3A_135, %get3A_136] {strides = array<i32>} : memref<2x79x128xi32, #tpu.memory_space<vmem>>, vector<1x1x16xi32>,
      %get3A_138 = vector.shape_cast %get3A_137 : vector<1x1x16xi32> to vector<16xi32>
      %add3A_139 = vector.broadcast %mul3A_0 : i32 to vector<16xi32>
      %add3A_140 = arith.addi %get3A_138, %add3A_139 : vector<16xi32>
      %swap3A_141 = arith.index_cast %select_n3A : i32 to index
      %swap3A_142 = arith.index_cast %sub3A_97 : i32 to index
      %swap3A_143 = arith.constant 48 : index
      %swap3A_144 = tpu.vector_load %arg7[%swap3A_141, %swap3A_142, %swap3A_143] {strides = array<i32>} : memref<2x79x128xi32, #tpu.memory_space<vmem>>, vector<1x1x16xi32>,
      %swap3A_145 = vector.shape_cast %swap3A_144 : vector<1x1x16xi32> to vector<16xi32>
      %swap3A_146 = vector.shape_cast %add3A_140 : vector<16xi32> to vector<1x1x16xi32>
      tpu.vector_store %arg7[%swap3A_141, %swap3A_142, %swap3A_143], %swap3A_146 {strides = array<i32>} : memref<2x79x128xi32, #tpu.memory_space<vmem>>, vector<1x1x16xi32>,
      %get3A_147 = arith.index_cast %select_n3A : i32 to index
      %get3A_148 = arith.index_cast %sub3A_97 : i32 to index
      %get3A_149 = arith.constant 64 : index
      %get3A_150 = tpu.vector_load %arg7[%get3A_147, %get3A_148, %get3A_149] {strides = array<i32>} : memref<2x79x128xi32, #tpu.memory_space<vmem>>, vector<1x1x16xi32>,
      %get3A_151 = vector.shape_cast %get3A_150 : vector<1x1x16xi32> to vector<16xi32>
      %add3A_152 = vector.broadcast %mul3A_0 : i32 to vector<16xi32>
      %add3A_153 = arith.addi %get3A_151, %add3A_152 : vector<16xi32>
      %swap3A_154 = arith.index_cast %select_n3A : i32 to index
      %swap3A_155 = arith.index_cast %sub3A_97 : i32 to index
      %swap3A_156 = arith.constant 64 : index
      %swap3A_157 = tpu.vector_load %arg7[%swap3A_154, %swap3A_155, %swap3A_156] {strides = array<i32>} : memref<2x79x128xi32, #tpu.memory_space<vmem>>, vector<1x1x16xi32>,
      %swap3A_158 = vector.shape_cast %swap3A_157 : vector<1x1x16xi32> to vector<16xi32>
      %swap3A_159 = vector.shape_cast %add3A_153 : vector<16xi32> to vector<1x1x16xi32>
      tpu.vector_store %arg7[%swap3A_154, %swap3A_155, %swap3A_156], %swap3A_159 {strides = array<i32>} : memref<2x79x128xi32, #tpu.memory_space<vmem>>, vector<1x1x16xi32>,
      %get3A_160 = arith.index_cast %select_n3A : i32 to index
      %get3A_161 = arith.index_cast %sub3A_97 : i32 to index
      %get3A_162 = arith.constant 80 : index
      %get3A_163 = tpu.vector_load %arg7[%get3A_160, %get3A_161, %get3A_162] {strides = array<i32>} : memref<2x79x128xi32, #tpu.memory_space<vmem>>, vector<1x1x16xi32>,
      %get3A_164 = vector.shape_cast %get3A_163 : vector<1x1x16xi32> to vector<16xi32>
      %add3A_165 = vector.broadcast %mul3A_0 : i32 to vector<16xi32>
      %add3A_166 = arith.addi %get3A_164, %add3A_165 : vector<16xi32>
      %swap3A_167 = arith.index_cast %select_n3A : i32 to index
      %swap3A_168 = arith.index_cast %sub3A_97 : i32 to index
      %swap3A_169 = arith.constant 80 : index
      %swap3A_170 = tpu.vector_load %arg7[%swap3A_167, %swap3A_168, %swap3A_169] {strides = array<i32>} : memref<2x79x128xi32, #tpu.memory_space<vmem>>, vector<1x1x16xi32>,
      %swap3A_171 = vector.shape_cast %swap3A_170 : vector<1x1x16xi32> to vector<16xi32>
      %swap3A_172 = vector.shape_cast %add3A_166 : vector<16xi32> to vector<1x1x16xi32>
      tpu.vector_store %arg7[%swap3A_167, %swap3A_168, %swap3A_169], %swap3A_172 {strides = array<i32>} : memref<2x79x128xi32, #tpu.memory_space<vmem>>, vector<1x1x16xi32>,
      %get3A_173 = arith.index_cast %select_n3A : i32 to index
      %get3A_174 = arith.index_cast %sub3A_97 : i32 to index
      %get3A_175 = arith.constant 96 : index
      %get3A_176 = tpu.vector_load %arg7[%get3A_173, %get3A_174, %get3A_175] {strides = array<i32>} : memref<2x79x128xi32, #tpu.memory_space<vmem>>, vector<1x1x16xi32>,
      %get3A_177 = vector.shape_cast %get3A_176 : vector<1x1x16xi32> to vector<16xi32>
      %add3A_178 = vector.broadcast %mul3A_0 : i32 to vector<16xi32>
      %add3A_179 = arith.addi %get3A_177, %add3A_178 : vector<16xi32>
      %swap3A_180 = arith.index_cast %select_n3A : i32 to index
      %swap3A_181 = arith.index_cast %sub3A_97 : i32 to index
      %swap3A_182 = arith.constant 96 : index
      %swap3A_183 = tpu.vector_load %arg7[%swap3A_180, %swap3A_181, %swap3A_182] {strides = array<i32>} : memref<2x79x128xi32, #tpu.memory_space<vmem>>, vector<1x1x16xi32>,
      %swap3A_184 = vector.shape_cast %swap3A_183 : vector<1x1x16xi32> to vector<16xi32>
      %swap3A_185 = vector.shape_cast %add3A_179 : vector<16xi32> to vector<1x1x16xi32>
      tpu.vector_store %arg7[%swap3A_180, %swap3A_181, %swap3A_182], %swap3A_185 {strides = array<i32>} : memref<2x79x128xi32, #tpu.memory_space<vmem>>, vector<1x1x16xi32>,
      %get3A_186 = arith.index_cast %select_n3A : i32 to index
      %get3A_187 = arith.index_cast %sub3A_97 : i32 to index
      %get3A_188 = arith.constant 112 : index
      %get3A_189 = tpu.vector_load %arg7[%get3A_186, %get3A_187, %get3A_188] {strides = array<i32>} : memref<2x79x128xi32, #tpu.memory_space<vmem>>, vector<1x1x16xi32>,
      %get3A_190 = vector.shape_cast %get3A_189 : vector<1x1x16xi32> to vector<16xi32>
      %add3A_191 = vector.broadcast %mul3A_0 : i32 to vector<16xi32>
      %add3A_192 = arith.addi %get3A_190, %add3A_191 : vector<16xi32>
      %swap3A_193 = arith.index_cast %select_n3A : i32 to index
      %swap3A_194 = arith.index_cast %sub3A_97 : i32 to index
      %swap3A_195 = arith.constant 112 : index
      %swap3A_196 = tpu.vector_load %arg7[%swap3A_193, %swap3A_194, %swap3A_195] {strides = array<i32>} : memref<2x79x128xi32, #tpu.memory_space<vmem>>, vector<1x1x16xi32>,
      %swap3A_197 = vector.shape_cast %swap3A_196 : vector<1x1x16xi32> to vector<16xi32>
      %swap3A_198 = vector.shape_cast %add3A_192 : vector<16xi32> to vector<1x1x16xi32>
      tpu.vector_store %arg7[%swap3A_193, %swap3A_194, %swap3A_195], %swap3A_198 {strides = array<i32>} : memref<2x79x128xi32, #tpu.memory_space<vmem>>, vector<1x1x16xi32>,
      %scan3A_199 = arith.constant 0 : i32
      scf.yield %scan3A_199 : i32
    }
    %scan3A_12 = arith.constant 158 : i32
    %barrier3A = arith.constant 0 : index
    tpu.barrier barrier_id(%barrier3A)
    %dma_start3A = arith.constant 0 : i32
    %dma_start3A_13 = arith.constant 0 : i32
    %dma_start3A_14 = arith.constant 0 : i32
    %dma_start3A_15 = arith.constant 0 : i32
    %dma_start3A_16 = arith.constant 0 : i32
    %dma_start3A_17 = tpu.memref_slice %arg9[%dma_start3A_14, %dma_start3A_15, %dma_start3A_16] : memref<4x128x64xf32, #tpu.memory_space<vmem>> -> memref<1x128x64xf32, #tpu.memory_space<vmem>>
    %dma_start3A_18 = tpu.memref_squeeze %dma_start3A_17 : memref<1x128x64xf32, #tpu.memory_space<vmem>> -> memref<128x64xf32, #tpu.memory_space<vmem>>
    %dma_start3A_19 = arith.constant 0 : i32
    %dma_start3A_20 = tpu.memref_slice %arg7[%dma_start3A, %dma_start3A_13, %dma_start3A_19] : memref<2x79x128xi32, #tpu.memory_space<vmem>> -> memref<1x1x128xi32, #tpu.memory_space<vmem>>
    %dma_start3A_21 = tpu.memref_squeeze %dma_start3A_20 : memref<1x1x128xi32, #tpu.memory_space<vmem>> -> memref<128xi32, #tpu.memory_space<vmem>>
    %dma_start3A_22 = arith.constant 0 : i32
    %dma_start3A_23 = arith.constant 0 : i32
    %dma_start3A_24 = tpu.memref_slice %arg4[%dma_start3A_22, %dma_start3A_23] : memref<20480x64xf32, #tpu.memory_space<hbm>> -> memref<20480x64xf32, #tpu.memory_space<hbm>>
    tpu.enqueue_indirect_dma source(%dma_start3A_24 : memref<20480x64xf32, #tpu.memory_space<hbm>>) target(%dma_start3A_18 : memref<128x64xf32, #tpu.memory_space<vmem>>) offsets(%dma_start3A_21 : memref<128xi32, #tpu.memory_space<vmem>>) semaphore(%arg11 : memref<!tpu.dma_semaphore, #tpu.memory_space<semaphore_mem>>)
    %dma_start3A_25 = arith.constant 0 : i32
    %dma_start3A_26 = arith.constant 1 : i32
    %dma_start3A_27 = arith.constant 1 : i32
    %dma_start3A_28 = arith.constant 0 : i32
    %dma_start3A_29 = arith.constant 0 : i32
    %dma_start3A_30 = tpu.memref_slice %arg9[%dma_start3A_27, %dma_start3A_28, %dma_start3A_29] : memref<4x128x64xf32, #tpu.memory_space<vmem>> -> memref<1x128x64xf32, #tpu.memory_space<vmem>>
    %dma_start3A_31 = tpu.memref_squeeze %dma_start3A_30 : memref<1x128x64xf32, #tpu.memory_space<vmem>> -> memref<128x64xf32, #tpu.memory_space<vmem>>
    %dma_start3A_32 = arith.constant 0 : i32
    %dma_start3A_33 = tpu.memref_slice %arg7[%dma_start3A_25, %dma_start3A_26, %dma_start3A_32] : memref<2x79x128xi32, #tpu.memory_space<vmem>> -> memref<1x1x128xi32, #tpu.memory_space<vmem>>
    %dma_start3A_34 = tpu.memref_squeeze %dma_start3A_33 : memref<1x1x128xi32, #tpu.memory_space<vmem>> -> memref<128xi32, #tpu.memory_space<vmem>>
    %dma_start3A_35 = arith.constant 0 : i32
    %dma_start3A_36 = arith.constant 0 : i32
    %dma_start3A_37 = tpu.memref_slice %arg4[%dma_start3A_35, %dma_start3A_36] : memref<20480x64xf32, #tpu.memory_space<hbm>> -> memref<20480x64xf32, #tpu.memory_space<hbm>>
    tpu.enqueue_indirect_dma source(%dma_start3A_37 : memref<20480x64xf32, #tpu.memory_space<hbm>>) target(%dma_start3A_31 : memref<128x64xf32, #tpu.memory_space<vmem>>) offsets(%dma_start3A_34 : memref<128xi32, #tpu.memory_space<vmem>>) semaphore(%arg11 : memref<!tpu.dma_semaphore, #tpu.memory_space<semaphore_mem>>)
    %dma_start3A_38 = arith.constant 0 : i32
    %dma_start3A_39 = arith.constant 2 : i32
    %dma_start3A_40 = arith.constant 2 : i32
    %dma_start3A_41 = arith.constant 0 : i32
    %dma_start3A_42 = arith.constant 0 : i32
    %dma_start3A_43 = tpu.memref_slice %arg9[%dma_start3A_40, %dma_start3A_41, %dma_start3A_42] : memref<4x128x64xf32, #tpu.memory_space<vmem>> -> memref<1x128x64xf32, #tpu.memory_space<vmem>>
    %dma_start3A_44 = tpu.memref_squeeze %dma_start3A_43 : memref<1x128x64xf32, #tpu.memory_space<vmem>> -> memref<128x64xf32, #tpu.memory_space<vmem>>
    %dma_start3A_45 = arith.constant 0 : i32
    %dma_start3A_46 = tpu.memref_slice %arg7[%dma_start3A_38, %dma_start3A_39, %dma_start3A_45] : memref<2x79x128xi32, #tpu.memory_space<vmem>> -> memref<1x1x128xi32, #tpu.memory_space<vmem>>
    %dma_start3A_47 = tpu.memref_squeeze %dma_start3A_46 : memref<1x1x128xi32, #tpu.memory_space<vmem>> -> memref<128xi32, #tpu.memory_space<vmem>>
    %dma_start3A_48 = arith.constant 0 : i32
    %dma_start3A_49 = arith.constant 0 : i32
    %dma_start3A_50 = tpu.memref_slice %arg4[%dma_start3A_48, %dma_start3A_49] : memref<20480x64xf32, #tpu.memory_space<hbm>> -> memref<20480x64xf32, #tpu.memory_space<hbm>>
    tpu.enqueue_indirect_dma source(%dma_start3A_50 : memref<20480x64xf32, #tpu.memory_space<hbm>>) target(%dma_start3A_44 : memref<128x64xf32, #tpu.memory_space<vmem>>) offsets(%dma_start3A_47 : memref<128xi32, #tpu.memory_space<vmem>>) semaphore(%arg11 : memref<!tpu.dma_semaphore, #tpu.memory_space<semaphore_mem>>)
    %scan3A_51 = arith.constant 0 : i32
    %scan3A_52 = arith.constant 0 : i32
    %scan3A_53 = arith.constant 158 : i32
    %scan3A_54 = arith.addi %scan3A_52, %scan3A_53 : i32
    %scan3A_55 = arith.constant 1 : i32
    %scan3A_56 = scf.for %scan3A_76 = %scan3A_52 to %scan3A_54 step %scan3A_55 iter_args(%scan3A_77 = %scan3A_51) -> (i32)  : i32 {
      %jit3A = arith.constant 79 : i32
      %div3A = arith.divsi %scan3A_76, %jit3A : i32
      %sign3A = arith.constant 0 : i32
      %sign3A_78 = arith.cmpi sgt, %scan3A_76, %sign3A : i32
      %sign3A_79 = arith.extui %sign3A_78 : i1 to i32
      %sign3A_80 = arith.constant 0 : i32
      %sign3A_81 = arith.cmpi slt, %scan3A_76, %sign3A_80 : i32
      %sign3A_82 = arith.extui %sign3A_81 : i1 to i32
      %sign3A_83 = arith.subi %sign3A_79, %sign3A_82 : i32
      %sign3A_84 = arith.constant 0 : i32
      %sign3A_85 = arith.cmpi sgt, %jit3A, %sign3A_84 : i32
      %sign3A_86 = arith.extui %sign3A_85 : i1 to i32
      %sign3A_87 = arith.constant 0 : i32
      %sign3A_88 = arith.cmpi slt, %jit3A, %sign3A_87 : i32
      %sign3A_89 = arith.extui %sign3A_88 : i1 to i32
      %sign3A_90 = arith.subi %sign3A_86, %sign3A_89 : i32
      %ne3A = arith.cmpi ne, %sign3A_83, %sign3A_90 : i32
      %rem3A_91 = arith.remsi %scan3A_76, %jit3A : i32
      %ne3A_92 = arith.constant 0 : i32
      %ne3A_93 = arith.cmpi ne, %rem3A_91, %ne3A_92 : i32
      %and3A = arith.andi %ne3A, %ne3A_93 : i1
      %sub3A = arith.constant 1 : i32
      %sub3A_94 = arith.subi %div3A, %sub3A : i32
      %select_n3A = arith.select %and3A, %sub3A_94, %div3A : i32
      %mul3A_95 = arith.constant 79 : i32
      %mul3A_96 = arith.muli %select_n3A, %mul3A_95 : i32
      %sub3A_97 = arith.subi %scan3A_76, %mul3A_96 : i32
      %rem3A_98 = arith.constant 4 : i32
      %rem3A_99 = arith.remsi %scan3A_76, %rem3A_98 : i32
      %dma_wait3A_100 = arith.constant 0 : i32
      %dma_wait3A_101 = arith.constant 0 : i32
      %dma_wait3A_102 = tpu.memref_slice %arg9[%rem3A_99, %dma_wait3A_100, %dma_wait3A_101] : memref<4x128x64xf32, #tpu.memory_space<vmem>> -> memref<1x128x64xf32, #tpu.memory_space<vmem>>
      %dma_wait3A_103 = tpu.memref_squeeze %dma_wait3A_102 : memref<1x128x64xf32, #tpu.memory_space<vmem>> -> memref<128x64xf32, #tpu.memory_space<vmem>>
      %dma_wait3A_104 = arith.constant 0 : i32
      %dma_wait3A_105 = tpu.memref_slice %arg7[%select_n3A, %sub3A_97, %dma_wait3A_104] : memref<2x79x128xi32, #tpu.memory_space<vmem>> -> memref<1x1x128xi32, #tpu.memory_space<vmem>>
      %dma_wait3A_106 = tpu.memref_squeeze %dma_wait3A_105 : memref<1x1x128xi32, #tpu.memory_space<vmem>> -> memref<128xi32, #tpu.memory_space<vmem>>
      %dma_wait3A_107 = arith.constant 0 : i32
      %dma_wait3A_108 = arith.constant 0 : i32
      %dma_wait3A_109 = tpu.memref_slice %arg4[%dma_wait3A_107, %dma_wait3A_108] : memref<20480x64xf32, #tpu.memory_space<hbm>> -> memref<20480x64xf32, #tpu.memory_space<hbm>>
      tpu.wait_indirect_dma semaphore(%arg11 : memref<!tpu.dma_semaphore, #tpu.memory_space<semaphore_mem>>) src(%dma_wait3A_109 : memref<20480x64xf32, #tpu.memory_space<hbm>>) dst(%dma_wait3A_103 : memref<128x64xf32, #tpu.memory_space<vmem>>)
      %dma_start3A_110 = arith.constant 0 : i32
      %dma_start3A_111 = arith.constant 0 : i32
      %dma_start3A_112 = tpu.memref_slice %arg9[%rem3A_99, %dma_start3A_110, %dma_start3A_111] : memref<4x128x64xf32, #tpu.memory_space<vmem>> -> memref<1x128x64xf32, #tpu.memory_space<vmem>>
      %dma_start3A_113 = tpu.memref_squeeze %dma_start3A_112 : memref<1x128x64xf32, #tpu.memory_space<vmem>> -> memref<128x64xf32, #tpu.memory_space<vmem>>
      %dma_start3A_114 = arith.constant 0 : i32
      %dma_start3A_115 = tpu.memref_slice %arg8[%select_n3A, %sub3A_97, %dma_start3A_114] : memref<2x79x128xi32, #tpu.memory_space<vmem>> -> memref<1x1x128xi32, #tpu.memory_space<vmem>>
      %dma_start3A_116 = tpu.memref_squeeze %dma_start3A_115 : memref<1x1x128xi32, #tpu.memory_space<vmem>> -> memref<128xi32, #tpu.memory_space<vmem>>
      %dma_start3A_117 = arith.constant 0 : i32
      %dma_start3A_118 = arith.constant 0 : i32
      %dma_start3A_119 = tpu.memref_slice %arg10[%dma_start3A_117, %dma_start3A_118] : memref<10240x64xf32, #tpu.memory_space<vmem_shared>> -> memref<10240x64xf32, #tpu.memory_space<vmem_shared>>
      tpu.enqueue_indirect_dma source(%dma_start3A_113 : memref<128x64xf32, #tpu.memory_space<vmem>>) target(%dma_start3A_119 : memref<10240x64xf32, #tpu.memory_space<vmem_shared>>) offsets(%dma_start3A_116 : memref<128xi32, #tpu.memory_space<vmem>>) semaphore(%arg12 : memref<!tpu.dma_semaphore, #tpu.memory_space<semaphore_mem>>) {add = true}
      %ge3A = arith.constant 1 : i32
      %ge3A_120 = arith.cmpi sge, %scan3A_76, %ge3A : i32
      %convert_element_type3A = arith.extui %ge3A_120 : i1 to i32
      %cond3A = arith.constant 0 : i32
      %cond3A_121 = arith.cmpi ne, %convert_element_type3A, %cond3A : i32
      scf.if %cond3A_121 {
        %sub3A_128 = arith.constant 1 : i32
        %sub3A_129 = arith.subi %scan3A_76, %sub3A_128 : i32
        %jit3A_130 = arith.constant 79 : i32
        %div3A_131 = arith.divsi %sub3A_129, %jit3A_130 : i32
        %sign3A_132 = arith.constant 0 : i32
        %sign3A_133 = arith.cmpi sgt, %sub3A_129, %sign3A_132 : i32
        %sign3A_134 = arith.extui %sign3A_133 : i1 to i32
        %sign3A_135 = arith.constant 0 : i32
        %sign3A_136 = arith.cmpi slt, %sub3A_129, %sign3A_135 : i32
        %sign3A_137 = arith.extui %sign3A_136 : i1 to i32
        %sign3A_138 = arith.subi %sign3A_134, %sign3A_137 : i32
        %sign3A_139 = arith.constant 0 : i32
        %sign3A_140 = arith.cmpi sgt, %jit3A_130, %sign3A_139 : i32
        %sign3A_141 = arith.extui %sign3A_140 : i1 to i32
        %sign3A_142 = arith.constant 0 : i32
        %sign3A_143 = arith.cmpi slt, %jit3A_130, %sign3A_142 : i32
        %sign3A_144 = arith.extui %sign3A_143 : i1 to i32
        %sign3A_145 = arith.subi %sign3A_141, %sign3A_144 : i32
        %ne3A_146 = arith.cmpi ne, %sign3A_138, %sign3A_145 : i32
        %rem3A_147 = arith.remsi %sub3A_129, %jit3A_130 : i32
        %ne3A_148 = arith.constant 0 : i32
        %ne3A_149 = arith.cmpi ne, %rem3A_147, %ne3A_148 : i32
        %and3A_150 = arith.andi %ne3A_146, %ne3A_149 : i1
        %sub3A_151 = arith.constant 1 : i32
        %sub3A_152 = arith.subi %div3A_131, %sub3A_151 : i32
        %select_n3A_153 = arith.select %and3A_150, %sub3A_152, %div3A_131 : i32
        %mul3A_154 = arith.constant 79 : i32
        %mul3A_155 = arith.muli %select_n3A_153, %mul3A_154 : i32
        %sub3A_156 = arith.subi %sub3A_129, %mul3A_155 : i32
        %rem3A_157 = arith.constant 4 : i32
        %rem3A_158 = arith.remsi %sub3A_129, %rem3A_157 : i32
        %dma_wait3A_159 = arith.constant 0 : i32
        %dma_wait3A_160 = arith.constant 0 : i32
        %dma_wait3A_161 = tpu.memref_slice %arg9[%rem3A_158, %dma_wait3A_159, %dma_wait3A_160] : memref<4x128x64xf32, #tpu.memory_space<vmem>> -> memref<1x128x64xf32, #tpu.memory_space<vmem>>
        %dma_wait3A_162 = tpu.memref_squeeze %dma_wait3A_161 : memref<1x128x64xf32, #tpu.memory_space<vmem>> -> memref<128x64xf32, #tpu.memory_space<vmem>>
        %dma_wait3A_163 = arith.constant 0 : i32
        %dma_wait3A_164 = tpu.memref_slice %arg8[%select_n3A_153, %sub3A_156, %dma_wait3A_163] : memref<2x79x128xi32, #tpu.memory_space<vmem>> -> memref<1x1x128xi32, #tpu.memory_space<vmem>>
        %dma_wait3A_165 = tpu.memref_squeeze %dma_wait3A_164 : memref<1x1x128xi32, #tpu.memory_space<vmem>> -> memref<128xi32, #tpu.memory_space<vmem>>
        %dma_wait3A_166 = arith.constant 0 : i32
        %dma_wait3A_167 = arith.constant 0 : i32
        %dma_wait3A_168 = tpu.memref_slice %arg10[%dma_wait3A_166, %dma_wait3A_167] : memref<10240x64xf32, #tpu.memory_space<vmem_shared>> -> memref<10240x64xf32, #tpu.memory_space<vmem_shared>>
        tpu.wait_indirect_dma semaphore(%arg12 : memref<!tpu.dma_semaphore, #tpu.memory_space<semaphore_mem>>) src(%dma_wait3A_162 : memref<128x64xf32, #tpu.memory_space<vmem>>) dst(%dma_wait3A_168 : memref<10240x64xf32, #tpu.memory_space<vmem_shared>>)
      } else {
      }
      %add3A = arith.constant 3 : i32
      %add3A_122 = arith.addi %scan3A_76, %add3A : i32
      %lt3A = arith.constant 158 : i32
      %lt3A_123 = arith.cmpi slt, %add3A_122, %lt3A : i32
      %convert_element_type3A_124 = arith.extui %lt3A_123 : i1 to i32
      %cond3A_125 = arith.constant 0 : i32
      %cond3A_126 = arith.cmpi ne, %convert_element_type3A_124, %cond3A_125 : i32
      scf.if %cond3A_126 {
        %add3A_128 = arith.constant 3 : i32
        %add3A_129 = arith.addi %scan3A_76, %add3A_128 : i32
        %jit3A_130 = arith.constant 79 : i32
        %div3A_131 = arith.divsi %add3A_129, %jit3A_130 : i32
        %sign3A_132 = arith.constant 0 : i32
        %sign3A_133 = arith.cmpi sgt, %add3A_129, %sign3A_132 : i32
        %sign3A_134 = arith.extui %sign3A_133 : i1 to i32
        %sign3A_135 = arith.constant 0 : i32
        %sign3A_136 = arith.cmpi slt, %add3A_129, %sign3A_135 : i32
        %sign3A_137 = arith.extui %sign3A_136 : i1 to i32
        %sign3A_138 = arith.subi %sign3A_134, %sign3A_137 : i32
        %sign3A_139 = arith.constant 0 : i32
        %sign3A_140 = arith.cmpi sgt, %jit3A_130, %sign3A_139 : i32
        %sign3A_141 = arith.extui %sign3A_140 : i1 to i32
        %sign3A_142 = arith.constant 0 : i32
        %sign3A_143 = arith.cmpi slt, %jit3A_130, %sign3A_142 : i32
        %sign3A_144 = arith.extui %sign3A_143 : i1 to i32
        %sign3A_145 = arith.subi %sign3A_141, %sign3A_144 : i32
        %ne3A_146 = arith.cmpi ne, %sign3A_138, %sign3A_145 : i32
        %rem3A_147 = arith.remsi %add3A_129, %jit3A_130 : i32
        %ne3A_148 = arith.constant 0 : i32
        %ne3A_149 = arith.cmpi ne, %rem3A_147, %ne3A_148 : i32
        %and3A_150 = arith.andi %ne3A_146, %ne3A_149 : i1
        %sub3A_151 = arith.constant 1 : i32
        %sub3A_152 = arith.subi %div3A_131, %sub3A_151 : i32
        %select_n3A_153 = arith.select %and3A_150, %sub3A_152, %div3A_131 : i32
        %mul3A_154 = arith.constant 79 : i32
        %mul3A_155 = arith.muli %select_n3A_153, %mul3A_154 : i32
        %sub3A_156 = arith.subi %add3A_129, %mul3A_155 : i32
        %rem3A_157 = arith.constant 4 : i32
        %rem3A_158 = arith.remsi %add3A_129, %rem3A_157 : i32
        %dma_start3A_159 = arith.constant 0 : i32
        %dma_start3A_160 = arith.constant 0 : i32
        %dma_start3A_161 = tpu.memref_slice %arg9[%rem3A_158, %dma_start3A_159, %dma_start3A_160] : memref<4x128x64xf32, #tpu.memory_space<vmem>> -> memref<1x128x64xf32, #tpu.memory_space<vmem>>
        %dma_start3A_162 = tpu.memref_squeeze %dma_start3A_161 : memref<1x128x64xf32, #tpu.memory_space<vmem>> -> memref<128x64xf32, #tpu.memory_space<vmem>>
        %dma_start3A_163 = arith.constant 0 : i32
        %dma_start3A_164 = tpu.memref_slice %arg7[%select_n3A_153, %sub3A_156, %dma_start3A_163] : memref<2x79x128xi32, #tpu.memory_space<vmem>> -> memref<1x1x128xi32, #tpu.memory_space<vmem>>
        %dma_start3A_165 = tpu.memref_squeeze %dma_start3A_164 : memref<1x1x128xi32, #tpu.memory_space<vmem>> -> memref<128xi32, #tpu.memory_space<vmem>>
        %dma_start3A_166 = arith.constant 0 : i32
        %dma_start3A_167 = arith.constant 0 : i32
        %dma_start3A_168 = tpu.memref_slice %arg4[%dma_start3A_166, %dma_start3A_167] : memref<20480x64xf32, #tpu.memory_space<hbm>> -> memref<20480x64xf32, #tpu.memory_space<hbm>>
        tpu.enqueue_indirect_dma source(%dma_start3A_168 : memref<20480x64xf32, #tpu.memory_space<hbm>>) target(%dma_start3A_162 : memref<128x64xf32, #tpu.memory_space<vmem>>) offsets(%dma_start3A_165 : memref<128xi32, #tpu.memory_space<vmem>>) semaphore(%arg11 : memref<!tpu.dma_semaphore, #tpu.memory_space<semaphore_mem>>)
      } else {
      }
      %scan3A_127 = arith.constant 0 : i32
      scf.yield %scan3A_127 : i32
    }
    %scan3A_57 = arith.constant 158 : i32
    %rem3A = arith.constant 157 : i32
    %rem3A_58 = arith.constant 4 : i32
    %rem3A_59 = arith.remsi %rem3A, %rem3A_58 : i32
    %dma_wait3A = arith.constant 1 : i32
    %dma_wait3A_60 = arith.constant 78 : i32
    %dma_wait3A_61 = arith.constant 0 : i32
    %dma_wait3A_62 = arith.constant 0 : i32
    %dma_wait3A_63 = tpu.memref_slice %arg9[%rem3A_59, %dma_wait3A_61, %dma_wait3A_62] : memref<4x128x64xf32, #tpu.memory_space<vmem>> -> memref<1x128x64xf32, #tpu.memory_space<vmem>>
    %dma_wait3A_64 = tpu.memref_squeeze %dma_wait3A_63 : memref<1x128x64xf32, #tpu.memory_space<vmem>> -> memref<128x64xf32, #tpu.memory_space<vmem>>
    %dma_wait3A_65 = arith.constant 0 : i32
    %dma_wait3A_66 = tpu.memref_slice %arg8[%dma_wait3A, %dma_wait3A_60, %dma_wait3A_65] : memref<2x79x128xi32, #tpu.memory_space<vmem>> -> memref<1x1x128xi32, #tpu.memory_space<vmem>>
    %dma_wait3A_67 = tpu.memref_squeeze %dma_wait3A_66 : memref<1x1x128xi32, #tpu.memory_space<vmem>> -> memref<128xi32, #tpu.memory_space<vmem>>
    %dma_wait3A_68 = arith.constant 0 : i32
    %dma_wait3A_69 = arith.constant 0 : i32
    %dma_wait3A_70 = tpu.memref_slice %arg10[%dma_wait3A_68, %dma_wait3A_69] : memref<10240x64xf32, #tpu.memory_space<vmem_shared>> -> memref<10240x64xf32, #tpu.memory_space<vmem_shared>>
    tpu.wait_indirect_dma semaphore(%arg12 : memref<!tpu.dma_semaphore, #tpu.memory_space<semaphore_mem>>) src(%dma_wait3A_64 : memref<128x64xf32, #tpu.memory_space<vmem>>) dst(%dma_wait3A_70 : memref<10240x64xf32, #tpu.memory_space<vmem_shared>>)
    %barrier3A_71 = arith.constant 0 : index
    tpu.barrier barrier_id(%barrier3A_71)
    %mul3A_72 = arith.constant 640 : i32
    %mul3A_73 = arith.muli %arg1, %mul3A_72 : i32
    %mul3A_74 = arith.constant 640 : i32
    %mul3A_75 = arith.muli %arg1, %mul3A_74 : i32
    "tpu.region"() ({
      %run_scoped3A = tpu.sem_alloc : memref<!tpu.dma_semaphore, #tpu.memory_space<semaphore_mem>>
      %dma_start3A_76 = arith.constant 0 : i32
      %dma_start3A_77 = tpu.memref_slice %arg6[%arg0, %mul3A_75, %dma_start3A_76] : memref<2x10240x64xf32, #tpu.memory_space<hbm>> -> memref<1x640x64xf32, #tpu.memory_space<hbm>>
      %dma_start3A_78 = tpu.memref_squeeze %dma_start3A_77 : memref<1x640x64xf32, #tpu.memory_space<hbm>> -> memref<640x64xf32, #tpu.memory_space<hbm>>
      %dma_start3A_79 = arith.constant 0 : i32
      %dma_start3A_80 = tpu.memref_slice %arg10[%mul3A_73, %dma_start3A_79] : memref<10240x64xf32, #tpu.memory_space<vmem_shared>> -> memref<640x64xf32, #tpu.memory_space<vmem_shared>>
      tpu.enqueue_dma source(%dma_start3A_80 : memref<640x64xf32, #tpu.memory_space<vmem_shared>>) target(%dma_start3A_78 : memref<640x64xf32, #tpu.memory_space<hbm>>) target_semaphore(%run_scoped3A : memref<!tpu.dma_semaphore, #tpu.memory_space<semaphore_mem>>)
      %dma_wait3A_81 = arith.constant 0 : i32
      %dma_wait3A_82 = tpu.memref_slice %arg6[%arg0, %mul3A_75, %dma_wait3A_81] : memref<2x10240x64xf32, #tpu.memory_space<hbm>> -> memref<1x640x64xf32, #tpu.memory_space<hbm>>
      %dma_wait3A_83 = tpu.memref_squeeze %dma_wait3A_82 : memref<1x640x64xf32, #tpu.memory_space<hbm>> -> memref<640x64xf32, #tpu.memory_space<hbm>>
      %dma_wait3A_84 = arith.constant 0 : i32
      %dma_wait3A_85 = tpu.memref_slice %arg10[%mul3A_73, %dma_wait3A_84] : memref<10240x64xf32, #tpu.memory_space<vmem_shared>> -> memref<640x64xf32, #tpu.memory_space<vmem_shared>>
      tpu.wait_dma2 semaphore(%run_scoped3A : memref<!tpu.dma_semaphore, #tpu.memory_space<semaphore_mem>>) src(%dma_wait3A_85 : memref<640x64xf32, #tpu.memory_space<vmem_shared>>) dst(%dma_wait3A_83 : memref<640x64xf32, #tpu.memory_space<hbm>>)
      tpu.yield
    }) : () -> ()
    return
  }
}

#map = affine_map<(d0, d1) -> (0, 0, 0)>
#map1 = affine_map<(d0, d1) -> (0)>
#map2 = affine_map<(d0, d1) -> (0, 0)>
module attributes {stable_mosaic.version = 14 : i64} {
  func.func @_k1_body(%arg0: i32, %arg1: i32, %arg2: memref<32x81x128xi32, #tpu.memory_space<hbm>>, %arg3: memref<32x3x128xi32, #tpu.memory_space<hbm>>, %arg4: memref<40960xf32, #tpu.memory_space<hbm>>, %arg5: memref<2x10240xf32, #tpu.memory_space<hbm>>, %arg6: memref<2x256xf32, #tpu.memory_space<hbm>>, %arg7: memref<81x128xi32, #tpu.memory_space<vmem>>, %arg8: memref<3x128xi32, #tpu.memory_space<vmem>>, %arg9: memref<128xf32, #tpu.memory_space<vmem>>, %arg10: memref<10240xf32, #tpu.memory_space<vmem_shared>>, %arg11: memref<256xf32, #tpu.memory_space<vmem_shared>>, %arg12: memref<!tpu.dma_semaphore, #tpu.memory_space<semaphore_mem>>) attributes {dimension_semantics = [#tpu.dimension_semantics<core_parallel>, #tpu.dimension_semantics<subcore_parallel>], iteration_bounds = array<i64: 2, 16>, scalar_prefetch = 0 : i64, scratch_operands = 6 : i64, tpu.core_type = #tpu.core_type<sc_vector_subcore>, window_params = [{transform_indices = #map}, {transform_indices = #map}, {transform_indices = #map1}, {transform_indices = #map2}, {transform_indices = #map2}]} {
    %mul3A = arith.constant 16 : i32
    %mul3A_0 = arith.muli %arg0, %mul3A : i32
    %add3A = arith.addi %mul3A_0, %arg1 : i32
    "tpu.region"() ({
      %run_scoped3A = tpu.sem_alloc : memref<!tpu.dma_semaphore, #tpu.memory_space<semaphore_mem>>
      %dma_start3A = arith.constant 0 : i32
      %dma_start3A_74 = arith.constant 0 : i32
      %dma_start3A_75 = tpu.memref_slice %arg2[%add3A, %dma_start3A, %dma_start3A_74] : memref<32x81x128xi32, #tpu.memory_space<hbm>> -> memref<1x81x128xi32, #tpu.memory_space<hbm>>
      %dma_start3A_76 = tpu.memref_squeeze %dma_start3A_75 : memref<1x81x128xi32, #tpu.memory_space<hbm>> -> memref<81x128xi32, #tpu.memory_space<hbm>>
      %dma_start3A_77 = arith.constant 0 : i32
      %dma_start3A_78 = arith.constant 0 : i32
      %dma_start3A_79 = tpu.memref_slice %arg2[%add3A, %dma_start3A_77, %dma_start3A_78] : memref<32x81x128xi32, #tpu.memory_space<hbm>> -> memref<1x81x128xi32, #tpu.memory_space<hbm>>
      %dma_start3A_80 = tpu.memref_squeeze %dma_start3A_79 : memref<1x81x128xi32, #tpu.memory_space<hbm>> -> memref<81x128xi32, #tpu.memory_space<hbm>>
      tpu.enqueue_dma source(%dma_start3A_80 : memref<81x128xi32, #tpu.memory_space<hbm>>) target(%arg7 : memref<81x128xi32, #tpu.memory_space<vmem>>) target_semaphore(%run_scoped3A : memref<!tpu.dma_semaphore, #tpu.memory_space<semaphore_mem>>)
      %dma_wait3A = arith.constant 0 : i32
      %dma_wait3A_81 = arith.constant 0 : i32
      %dma_wait3A_82 = tpu.memref_slice %arg2[%add3A, %dma_wait3A, %dma_wait3A_81] : memref<32x81x128xi32, #tpu.memory_space<hbm>> -> memref<1x81x128xi32, #tpu.memory_space<hbm>>
      %dma_wait3A_83 = tpu.memref_squeeze %dma_wait3A_82 : memref<1x81x128xi32, #tpu.memory_space<hbm>> -> memref<81x128xi32, #tpu.memory_space<hbm>>
      %dma_wait3A_84 = arith.constant 0 : i32
      %dma_wait3A_85 = arith.constant 0 : i32
      %dma_wait3A_86 = tpu.memref_slice %arg2[%add3A, %dma_wait3A_84, %dma_wait3A_85] : memref<32x81x128xi32, #tpu.memory_space<hbm>> -> memref<1x81x128xi32, #tpu.memory_space<hbm>>
      %dma_wait3A_87 = tpu.memref_squeeze %dma_wait3A_86 : memref<1x81x128xi32, #tpu.memory_space<hbm>> -> memref<81x128xi32, #tpu.memory_space<hbm>>
      tpu.wait_dma2 semaphore(%run_scoped3A : memref<!tpu.dma_semaphore, #tpu.memory_space<semaphore_mem>>) src(%dma_wait3A_87 : memref<81x128xi32, #tpu.memory_space<hbm>>) dst(%arg7 : memref<81x128xi32, #tpu.memory_space<vmem>>)
      tpu.yield
    }) : () -> ()
    "tpu.region"() ({
      %run_scoped3A = tpu.sem_alloc : memref<!tpu.dma_semaphore, #tpu.memory_space<semaphore_mem>>
      %dma_start3A = arith.constant 0 : i32
      %dma_start3A_74 = arith.constant 0 : i32
      %dma_start3A_75 = tpu.memref_slice %arg3[%add3A, %dma_start3A, %dma_start3A_74] : memref<32x3x128xi32, #tpu.memory_space<hbm>> -> memref<1x3x128xi32, #tpu.memory_space<hbm>>
      %dma_start3A_76 = tpu.memref_squeeze %dma_start3A_75 : memref<1x3x128xi32, #tpu.memory_space<hbm>> -> memref<3x128xi32, #tpu.memory_space<hbm>>
      %dma_start3A_77 = arith.constant 0 : i32
      %dma_start3A_78 = arith.constant 0 : i32
      %dma_start3A_79 = tpu.memref_slice %arg3[%add3A, %dma_start3A_77, %dma_start3A_78] : memref<32x3x128xi32, #tpu.memory_space<hbm>> -> memref<1x3x128xi32, #tpu.memory_space<hbm>>
      %dma_start3A_80 = tpu.memref_squeeze %dma_start3A_79 : memref<1x3x128xi32, #tpu.memory_space<hbm>> -> memref<3x128xi32, #tpu.memory_space<hbm>>
      tpu.enqueue_dma source(%dma_start3A_80 : memref<3x128xi32, #tpu.memory_space<hbm>>) target(%arg8 : memref<3x128xi32, #tpu.memory_space<vmem>>) target_semaphore(%run_scoped3A : memref<!tpu.dma_semaphore, #tpu.memory_space<semaphore_mem>>)
      %dma_wait3A = arith.constant 0 : i32
      %dma_wait3A_81 = arith.constant 0 : i32
      %dma_wait3A_82 = tpu.memref_slice %arg3[%add3A, %dma_wait3A, %dma_wait3A_81] : memref<32x3x128xi32, #tpu.memory_space<hbm>> -> memref<1x3x128xi32, #tpu.memory_space<hbm>>
      %dma_wait3A_83 = tpu.memref_squeeze %dma_wait3A_82 : memref<1x3x128xi32, #tpu.memory_space<hbm>> -> memref<3x128xi32, #tpu.memory_space<hbm>>
      %dma_wait3A_84 = arith.constant 0 : i32
      %dma_wait3A_85 = arith.constant 0 : i32
      %dma_wait3A_86 = tpu.memref_slice %arg3[%add3A, %dma_wait3A_84, %dma_wait3A_85] : memref<32x3x128xi32, #tpu.memory_space<hbm>> -> memref<1x3x128xi32, #tpu.memory_space<hbm>>
      %dma_wait3A_87 = tpu.memref_squeeze %dma_wait3A_86 : memref<1x3x128xi32, #tpu.memory_space<hbm>> -> memref<3x128xi32, #tpu.memory_space<hbm>>
      tpu.wait_dma2 semaphore(%run_scoped3A : memref<!tpu.dma_semaphore, #tpu.memory_space<semaphore_mem>>) src(%dma_wait3A_87 : memref<3x128xi32, #tpu.memory_space<hbm>>) dst(%arg8 : memref<3x128xi32, #tpu.memory_space<vmem>>)
      tpu.yield
    }) : () -> ()
    %broadcast_in_dim3A = arith.constant 1.000000e+00 : f32
    %broadcast_in_dim3A_1 = vector.broadcast %broadcast_in_dim3A : f32 to vector<16xf32>
    %swap3A = arith.constant 0 : index
    %swap3A_2 = tpu.vector_load %arg9[%swap3A] {strides = array<i32>} : memref<128xf32, #tpu.memory_space<vmem>>, vector<16xf32>,
    %swap3A_3 = vector.shape_cast %swap3A_2 : vector<16xf32> to vector<16xf32>
    %swap3A_4 = vector.shape_cast %broadcast_in_dim3A_1 : vector<16xf32> to vector<16xf32>
    tpu.vector_store %arg9[%swap3A], %swap3A_4 {strides = array<i32>} : memref<128xf32, #tpu.memory_space<vmem>>, vector<16xf32>,
    %broadcast_in_dim3A_5 = arith.constant 1.000000e+00 : f32
    %broadcast_in_dim3A_6 = vector.broadcast %broadcast_in_dim3A_5 : f32 to vector<16xf32>
    %swap3A_7 = arith.constant 16 : index
    %swap3A_8 = tpu.vector_load %arg9[%swap3A_7] {strides = array<i32>} : memref<128xf32, #tpu.memory_space<vmem>>, vector<16xf32>,
    %swap3A_9 = vector.shape_cast %swap3A_8 : vector<16xf32> to vector<16xf32>
    %swap3A_10 = vector.shape_cast %broadcast_in_dim3A_6 : vector<16xf32> to vector<16xf32>
    tpu.vector_store %arg9[%swap3A_7], %swap3A_10 {strides = array<i32>} : memref<128xf32, #tpu.memory_space<vmem>>, vector<16xf32>,
    %broadcast_in_dim3A_11 = arith.constant 1.000000e+00 : f32
    %broadcast_in_dim3A_12 = vector.broadcast %broadcast_in_dim3A_11 : f32 to vector<16xf32>
    %swap3A_13 = arith.constant 32 : index
    %swap3A_14 = tpu.vector_load %arg9[%swap3A_13] {strides = array<i32>} : memref<128xf32, #tpu.memory_space<vmem>>, vector<16xf32>,
    %swap3A_15 = vector.shape_cast %swap3A_14 : vector<16xf32> to vector<16xf32>
    %swap3A_16 = vector.shape_cast %broadcast_in_dim3A_12 : vector<16xf32> to vector<16xf32>
    tpu.vector_store %arg9[%swap3A_13], %swap3A_16 {strides = array<i32>} : memref<128xf32, #tpu.memory_space<vmem>>, vector<16xf32>,
    %broadcast_in_dim3A_17 = arith.constant 1.000000e+00 : f32
    %broadcast_in_dim3A_18 = vector.broadcast %broadcast_in_dim3A_17 : f32 to vector<16xf32>
    %swap3A_19 = arith.constant 48 : index
    %swap3A_20 = tpu.vector_load %arg9[%swap3A_19] {strides = array<i32>} : memref<128xf32, #tpu.memory_space<vmem>>, vector<16xf32>,
    %swap3A_21 = vector.shape_cast %swap3A_20 : vector<16xf32> to vector<16xf32>
    %swap3A_22 = vector.shape_cast %broadcast_in_dim3A_18 : vector<16xf32> to vector<16xf32>
    tpu.vector_store %arg9[%swap3A_19], %swap3A_22 {strides = array<i32>} : memref<128xf32, #tpu.memory_space<vmem>>, vector<16xf32>,
    %broadcast_in_dim3A_23 = arith.constant 1.000000e+00 : f32
    %broadcast_in_dim3A_24 = vector.broadcast %broadcast_in_dim3A_23 : f32 to vector<16xf32>
    %swap3A_25 = arith.constant 64 : index
    %swap3A_26 = tpu.vector_load %arg9[%swap3A_25] {strides = array<i32>} : memref<128xf32, #tpu.memory_space<vmem>>, vector<16xf32>,
    %swap3A_27 = vector.shape_cast %swap3A_26 : vector<16xf32> to vector<16xf32>
    %swap3A_28 = vector.shape_cast %broadcast_in_dim3A_24 : vector<16xf32> to vector<16xf32>
    tpu.vector_store %arg9[%swap3A_25], %swap3A_28 {strides = array<i32>} : memref<128xf32, #tpu.memory_space<vmem>>, vector<16xf32>,
    %broadcast_in_dim3A_29 = arith.constant 1.000000e+00 : f32
    %broadcast_in_dim3A_30 = vector.broadcast %broadcast_in_dim3A_29 : f32 to vector<16xf32>
    %swap3A_31 = arith.constant 80 : index
    %swap3A_32 = tpu.vector_load %arg9[%swap3A_31] {strides = array<i32>} : memref<128xf32, #tpu.memory_space<vmem>>, vector<16xf32>,
    %swap3A_33 = vector.shape_cast %swap3A_32 : vector<16xf32> to vector<16xf32>
    %swap3A_34 = vector.shape_cast %broadcast_in_dim3A_30 : vector<16xf32> to vector<16xf32>
    tpu.vector_store %arg9[%swap3A_31], %swap3A_34 {strides = array<i32>} : memref<128xf32, #tpu.memory_space<vmem>>, vector<16xf32>,
    %broadcast_in_dim3A_35 = arith.constant 1.000000e+00 : f32
    %broadcast_in_dim3A_36 = vector.broadcast %broadcast_in_dim3A_35 : f32 to vector<16xf32>
    %swap3A_37 = arith.constant 96 : index
    %swap3A_38 = tpu.vector_load %arg9[%swap3A_37] {strides = array<i32>} : memref<128xf32, #tpu.memory_space<vmem>>, vector<16xf32>,
    %swap3A_39 = vector.shape_cast %swap3A_38 : vector<16xf32> to vector<16xf32>
    %swap3A_40 = vector.shape_cast %broadcast_in_dim3A_36 : vector<16xf32> to vector<16xf32>
    tpu.vector_store %arg9[%swap3A_37], %swap3A_40 {strides = array<i32>} : memref<128xf32, #tpu.memory_space<vmem>>, vector<16xf32>,
    %broadcast_in_dim3A_41 = arith.constant 1.000000e+00 : f32
    %broadcast_in_dim3A_42 = vector.broadcast %broadcast_in_dim3A_41 : f32 to vector<16xf32>
    %swap3A_43 = arith.constant 112 : index
    %swap3A_44 = tpu.vector_load %arg9[%swap3A_43] {strides = array<i32>} : memref<128xf32, #tpu.memory_space<vmem>>, vector<16xf32>,
    %swap3A_45 = vector.shape_cast %swap3A_44 : vector<16xf32> to vector<16xf32>
    %swap3A_46 = vector.shape_cast %broadcast_in_dim3A_42 : vector<16xf32> to vector<16xf32>
    tpu.vector_store %arg9[%swap3A_43], %swap3A_46 {strides = array<i32>} : memref<128xf32, #tpu.memory_space<vmem>>, vector<16xf32>,
    %mul3A_47 = arith.constant 640 : i32
    %mul3A_48 = arith.muli %arg1, %mul3A_47 : i32
    "tpu.region"() ({
      %run_scoped3A = tpu.sem_alloc : memref<!tpu.dma_semaphore, #tpu.memory_space<semaphore_mem>>
      %dma_start3A = tpu.memref_slice %arg10[%mul3A_48] : memref<10240xf32, #tpu.memory_space<vmem_shared>> -> memref<640xf32, #tpu.memory_space<vmem_shared>>
      %dma_start3A_74 = arith.constant 0 : i32
      %dma_start3A_75 = tpu.memref_slice %arg4[%dma_start3A_74] : memref<40960xf32, #tpu.memory_space<hbm>> -> memref<640xf32, #tpu.memory_space<hbm>>
      tpu.enqueue_dma source(%dma_start3A_75 : memref<640xf32, #tpu.memory_space<hbm>>) target(%dma_start3A : memref<640xf32, #tpu.memory_space<vmem_shared>>) target_semaphore(%run_scoped3A : memref<!tpu.dma_semaphore, #tpu.memory_space<semaphore_mem>>)
      %dma_wait3A = tpu.memref_slice %arg10[%mul3A_48] : memref<10240xf32, #tpu.memory_space<vmem_shared>> -> memref<640xf32, #tpu.memory_space<vmem_shared>>
      %dma_wait3A_76 = arith.constant 0 : i32
      %dma_wait3A_77 = tpu.memref_slice %arg4[%dma_wait3A_76] : memref<40960xf32, #tpu.memory_space<hbm>> -> memref<640xf32, #tpu.memory_space<hbm>>
      tpu.wait_dma2 semaphore(%run_scoped3A : memref<!tpu.dma_semaphore, #tpu.memory_space<semaphore_mem>>) src(%dma_wait3A_77 : memref<640xf32, #tpu.memory_space<hbm>>) dst(%dma_wait3A : memref<640xf32, #tpu.memory_space<vmem_shared>>)
      tpu.yield
    }) : () -> ()
    %eq3A = arith.constant 0 : i32
    %eq3A_49 = arith.cmpi eq, %arg1, %eq3A : i32
    %convert_element_type3A = arith.extui %eq3A_49 : i1 to i32
    %cond3A = arith.constant 0 : i32
    %cond3A_50 = arith.cmpi ne, %convert_element_type3A, %cond3A : i32
    scf.if %cond3A_50 {
      "tpu.region"() ({
        %run_scoped3A = tpu.sem_alloc : memref<!tpu.dma_semaphore, #tpu.memory_space<semaphore_mem>>
        %dma_start3A = arith.constant 0 : i32
        %dma_start3A_74 = tpu.memref_slice %arg4[%dma_start3A] : memref<40960xf32, #tpu.memory_space<hbm>> -> memref<256xf32, #tpu.memory_space<hbm>>
        tpu.enqueue_dma source(%dma_start3A_74 : memref<256xf32, #tpu.memory_space<hbm>>) target(%arg11 : memref<256xf32, #tpu.memory_space<vmem_shared>>) target_semaphore(%run_scoped3A : memref<!tpu.dma_semaphore, #tpu.memory_space<semaphore_mem>>)
        %dma_wait3A = arith.constant 0 : i32
        %dma_wait3A_75 = tpu.memref_slice %arg4[%dma_wait3A] : memref<40960xf32, #tpu.memory_space<hbm>> -> memref<256xf32, #tpu.memory_space<hbm>>
        tpu.wait_dma2 semaphore(%run_scoped3A : memref<!tpu.dma_semaphore, #tpu.memory_space<semaphore_mem>>) src(%dma_wait3A_75 : memref<256xf32, #tpu.memory_space<hbm>>) dst(%arg11 : memref<256xf32, #tpu.memory_space<vmem_shared>>)
        tpu.yield
      }) : () -> ()
    } else {
    }
    %barrier3A = arith.constant 0 : index
    tpu.barrier barrier_id(%barrier3A)
    %scan3A = arith.constant 0 : i32
    %scan3A_51 = arith.constant 0 : i32
    %scan3A_52 = arith.constant 81 : i32
    %scan3A_53 = arith.addi %scan3A_51, %scan3A_52 : i32
    %scan3A_54 = arith.constant 1 : i32
    %scan3A_55 = scf.for %scan3A_74 = %scan3A_51 to %scan3A_53 step %scan3A_54 iter_args(%scan3A_75 = %scan3A) -> (i32)  : i32 {
      "tpu.region"() ({
        %run_scoped3A = tpu.sem_alloc : memref<!tpu.dma_semaphore, #tpu.memory_space<semaphore_mem>>
        %dma_start3A = arith.constant 0 : i32
        %dma_start3A_77 = tpu.memref_slice %arg7[%scan3A_74, %dma_start3A] : memref<81x128xi32, #tpu.memory_space<vmem>> -> memref<1x128xi32, #tpu.memory_space<vmem>>
        %dma_start3A_78 = tpu.memref_squeeze %dma_start3A_77 : memref<1x128xi32, #tpu.memory_space<vmem>> -> memref<128xi32, #tpu.memory_space<vmem>>
        %dma_start3A_79 = arith.constant 0 : i32
        %dma_start3A_80 = tpu.memref_slice %arg10[%dma_start3A_79] : memref<10240xf32, #tpu.memory_space<vmem_shared>> -> memref<10240xf32, #tpu.memory_space<vmem_shared>>
        tpu.enqueue_indirect_dma source(%arg9 : memref<128xf32, #tpu.memory_space<vmem>>) target(%dma_start3A_80 : memref<10240xf32, #tpu.memory_space<vmem_shared>>) offsets(%dma_start3A_78 : memref<128xi32, #tpu.memory_space<vmem>>) semaphore(%run_scoped3A : memref<!tpu.dma_semaphore, #tpu.memory_space<semaphore_mem>>) {add = true}
        %dma_wait3A = arith.constant 0 : i32
        %dma_wait3A_81 = tpu.memref_slice %arg7[%scan3A_74, %dma_wait3A] : memref<81x128xi32, #tpu.memory_space<vmem>> -> memref<1x128xi32, #tpu.memory_space<vmem>>
        %dma_wait3A_82 = tpu.memref_squeeze %dma_wait3A_81 : memref<1x128xi32, #tpu.memory_space<vmem>> -> memref<128xi32, #tpu.memory_space<vmem>>
        %dma_wait3A_83 = arith.constant 0 : i32
        %dma_wait3A_84 = tpu.memref_slice %arg10[%dma_wait3A_83] : memref<10240xf32, #tpu.memory_space<vmem_shared>> -> memref<10240xf32, #tpu.memory_space<vmem_shared>>
        tpu.wait_indirect_dma semaphore(%run_scoped3A : memref<!tpu.dma_semaphore, #tpu.memory_space<semaphore_mem>>) src(%arg9 : memref<128xf32, #tpu.memory_space<vmem>>) dst(%dma_wait3A_84 : memref<10240xf32, #tpu.memory_space<vmem_shared>>)
        tpu.yield
      }) : () -> ()
      %scan3A_76 = arith.constant 0 : i32
      scf.yield %scan3A_76 : i32
    }
    %scan3A_56 = arith.constant 81 : i32
    %scan3A_57 = arith.constant 0 : i32
    %scan3A_58 = arith.constant 0 : i32
    %scan3A_59 = arith.constant 3 : i32
    %scan3A_60 = arith.addi %scan3A_58, %scan3A_59 : i32
    %scan3A_61 = arith.constant 1 : i32
    %scan3A_62 = scf.for %scan3A_74 = %scan3A_58 to %scan3A_60 step %scan3A_61 iter_args(%scan3A_75 = %scan3A_57) -> (i32)  : i32 {
      "tpu.region"() ({
        %run_scoped3A = tpu.sem_alloc : memref<!tpu.dma_semaphore, #tpu.memory_space<semaphore_mem>>
        %dma_start3A = arith.constant 0 : i32
        %dma_start3A_77 = tpu.memref_slice %arg8[%scan3A_74, %dma_start3A] : memref<3x128xi32, #tpu.memory_space<vmem>> -> memref<1x128xi32, #tpu.memory_space<vmem>>
        %dma_start3A_78 = tpu.memref_squeeze %dma_start3A_77 : memref<1x128xi32, #tpu.memory_space<vmem>> -> memref<128xi32, #tpu.memory_space<vmem>>
        %dma_start3A_79 = arith.constant 0 : i32
        %dma_start3A_80 = tpu.memref_slice %arg11[%dma_start3A_79] : memref<256xf32, #tpu.memory_space<vmem_shared>> -> memref<256xf32, #tpu.memory_space<vmem_shared>>
        tpu.enqueue_indirect_dma source(%arg9 : memref<128xf32, #tpu.memory_space<vmem>>) target(%dma_start3A_80 : memref<256xf32, #tpu.memory_space<vmem_shared>>) offsets(%dma_start3A_78 : memref<128xi32, #tpu.memory_space<vmem>>) semaphore(%run_scoped3A : memref<!tpu.dma_semaphore, #tpu.memory_space<semaphore_mem>>) {add = true}
        %dma_wait3A = arith.constant 0 : i32
        %dma_wait3A_81 = tpu.memref_slice %arg8[%scan3A_74, %dma_wait3A] : memref<3x128xi32, #tpu.memory_space<vmem>> -> memref<1x128xi32, #tpu.memory_space<vmem>>
        %dma_wait3A_82 = tpu.memref_squeeze %dma_wait3A_81 : memref<1x128xi32, #tpu.memory_space<vmem>> -> memref<128xi32, #tpu.memory_space<vmem>>
        %dma_wait3A_83 = arith.constant 0 : i32
        %dma_wait3A_84 = tpu.memref_slice %arg11[%dma_wait3A_83] : memref<256xf32, #tpu.memory_space<vmem_shared>> -> memref<256xf32, #tpu.memory_space<vmem_shared>>
        tpu.wait_indirect_dma semaphore(%run_scoped3A : memref<!tpu.dma_semaphore, #tpu.memory_space<semaphore_mem>>) src(%arg9 : memref<128xf32, #tpu.memory_space<vmem>>) dst(%dma_wait3A_84 : memref<256xf32, #tpu.memory_space<vmem_shared>>)
        tpu.yield
      }) : () -> ()
      %scan3A_76 = arith.constant 0 : i32
      scf.yield %scan3A_76 : i32
    }
    %scan3A_63 = arith.constant 3 : i32
    %barrier3A_64 = arith.constant 0 : index
    tpu.barrier barrier_id(%barrier3A_64)
    %mul3A_65 = arith.constant 640 : i32
    %mul3A_66 = arith.muli %arg1, %mul3A_65 : i32
    %mul3A_67 = arith.constant 640 : i32
    %mul3A_68 = arith.muli %arg1, %mul3A_67 : i32
    "tpu.region"() ({
      %run_scoped3A = tpu.sem_alloc : memref<!tpu.dma_semaphore, #tpu.memory_space<semaphore_mem>>
      %dma_start3A = tpu.memref_slice %arg5[%arg0, %mul3A_68] : memref<2x10240xf32, #tpu.memory_space<hbm>> -> memref<1x640xf32, #tpu.memory_space<hbm>>
      %dma_start3A_74 = tpu.memref_squeeze %dma_start3A : memref<1x640xf32, #tpu.memory_space<hbm>> -> memref<640xf32, #tpu.memory_space<hbm>>
      %dma_start3A_75 = tpu.memref_slice %arg10[%mul3A_66] : memref<10240xf32, #tpu.memory_space<vmem_shared>> -> memref<640xf32, #tpu.memory_space<vmem_shared>>
      tpu.enqueue_dma source(%dma_start3A_75 : memref<640xf32, #tpu.memory_space<vmem_shared>>) target(%dma_start3A_74 : memref<640xf32, #tpu.memory_space<hbm>>) target_semaphore(%run_scoped3A : memref<!tpu.dma_semaphore, #tpu.memory_space<semaphore_mem>>)
      %dma_wait3A = tpu.memref_slice %arg5[%arg0, %mul3A_68] : memref<2x10240xf32, #tpu.memory_space<hbm>> -> memref<1x640xf32, #tpu.memory_space<hbm>>
      %dma_wait3A_76 = tpu.memref_squeeze %dma_wait3A : memref<1x640xf32, #tpu.memory_space<hbm>> -> memref<640xf32, #tpu.memory_space<hbm>>
      %dma_wait3A_77 = tpu.memref_slice %arg10[%mul3A_66] : memref<10240xf32, #tpu.memory_space<vmem_shared>> -> memref<640xf32, #tpu.memory_space<vmem_shared>>
      tpu.wait_dma2 semaphore(%run_scoped3A : memref<!tpu.dma_semaphore, #tpu.memory_space<semaphore_mem>>) src(%dma_wait3A_77 : memref<640xf32, #tpu.memory_space<vmem_shared>>) dst(%dma_wait3A_76 : memref<640xf32, #tpu.memory_space<hbm>>)
      tpu.yield
    }) : () -> ()
    %eq3A_69 = arith.constant 0 : i32
    %eq3A_70 = arith.cmpi eq, %arg1, %eq3A_69 : i32
    %convert_element_type3A_71 = arith.extui %eq3A_70 : i1 to i32
    %cond3A_72 = arith.constant 0 : i32
    %cond3A_73 = arith.cmpi ne, %convert_element_type3A_71, %cond3A_72 : i32
    scf.if %cond3A_73 {
      "tpu.region"() ({
        %run_scoped3A = tpu.sem_alloc : memref<!tpu.dma_semaphore, #tpu.memory_space<semaphore_mem>>
        %dma_start3A = arith.constant 0 : i32
        %dma_start3A_74 = tpu.memref_slice %arg6[%arg0, %dma_start3A] : memref<2x256xf32, #tpu.memory_space<hbm>> -> memref<1x256xf32, #tpu.memory_space<hbm>>
        %dma_start3A_75 = tpu.memref_squeeze %dma_start3A_74 : memref<1x256xf32, #tpu.memory_space<hbm>> -> memref<256xf32, #tpu.memory_space<hbm>>
        tpu.enqueue_dma source(%arg11 : memref<256xf32, #tpu.memory_space<vmem_shared>>) target(%dma_start3A_75 : memref<256xf32, #tpu.memory_space<hbm>>) target_semaphore(%run_scoped3A : memref<!tpu.dma_semaphore, #tpu.memory_space<semaphore_mem>>)
        %dma_wait3A = arith.constant 0 : i32
        %dma_wait3A_76 = tpu.memref_slice %arg6[%arg0, %dma_wait3A] : memref<2x256xf32, #tpu.memory_space<hbm>> -> memref<1x256xf32, #tpu.memory_space<hbm>>
        %dma_wait3A_77 = tpu.memref_squeeze %dma_wait3A_76 : memref<1x256xf32, #tpu.memory_space<hbm>> -> memref<256xf32, #tpu.memory_space<hbm>>
        tpu.wait_dma2 semaphore(%run_scoped3A : memref<!tpu.dma_semaphore, #tpu.memory_space<semaphore_mem>>) src(%arg11 : memref<256xf32, #tpu.memory_space<vmem_shared>>) dst(%dma_wait3A_77 : memref<256xf32, #tpu.memory_space<hbm>>)
        tpu.yield
      }) : () -> ()
    } else {
    }
    return
  }
}

#map = affine_map<(d0, d1) -> (0, 0, 0)>
#map1 = affine_map<(d0, d1) -> (0)>
#map2 = affine_map<(d0, d1) -> (0, 0)>
module attributes {stable_mosaic.version = 14 : i64} {
  func.func @_k3_body(%arg0: i32, %arg1: i32, %arg2: memref<32x81x128xi32, #tpu.memory_space<hbm>>, %arg3: memref<32x81x128xi32, #tpu.memory_space<hbm>>, %arg4: memref<10240xf32, #tpu.memory_space<hbm>>, %arg5: memref<10240xf32, #tpu.memory_space<hbm>>, %arg6: memref<10240xi32, #tpu.memory_space<hbm>>, %arg7: memref<40960xf32, #tpu.memory_space<hbm>>, %arg8: memref<2x1310720xf32, #tpu.memory_space<hbm>>, %arg9: memref<81x128xi32, #tpu.memory_space<vmem>>, %arg10: memref<81x128xi32, #tpu.memory_space<vmem>>, %arg11: memref<2x128xf32, #tpu.memory_space<vmem>>, %arg12: memref<2x128xf32, #tpu.memory_space<vmem>>, %arg13: memref<2x128xi32, #tpu.memory_space<vmem>>, %arg14: memref<2x128xf32, #tpu.memory_space<vmem>>, %arg15: memref<2x128xi32, #tpu.memory_space<vmem>>, %arg16: memref<1310720xf32, #tpu.memory_space<vmem_shared>>, %arg17: memref<!tpu.dma_semaphore, #tpu.memory_space<semaphore_mem>>, %arg18: memref<!tpu.dma_semaphore, #tpu.memory_space<semaphore_mem>>) attributes {dimension_semantics = [#tpu.dimension_semantics<core_parallel>, #tpu.dimension_semantics<subcore_parallel>], iteration_bounds = array<i64: 2, 16>, scalar_prefetch = 0 : i64, scratch_operands = 10 : i64, tpu.core_type = #tpu.core_type<sc_vector_subcore>, window_params = [{transform_indices = #map}, {transform_indices = #map}, {transform_indices = #map1}, {transform_indices = #map1}, {transform_indices = #map1}, {transform_indices = #map1}, {transform_indices = #map2}]} {
    %mul3A = arith.constant 16 : i32
    %mul3A_0 = arith.muli %arg0, %mul3A : i32
    %add3A = arith.addi %mul3A_0, %arg1 : i32
    "tpu.region"() ({
      %run_scoped3A = tpu.sem_alloc : memref<!tpu.dma_semaphore, #tpu.memory_space<semaphore_mem>>
      %dma_start3A_98 = arith.constant 0 : i32
      %dma_start3A_99 = arith.constant 0 : i32
      %dma_start3A_100 = tpu.memref_slice %arg2[%add3A, %dma_start3A_98, %dma_start3A_99] : memref<32x81x128xi32, #tpu.memory_space<hbm>> -> memref<1x81x128xi32, #tpu.memory_space<hbm>>
      %dma_start3A_101 = tpu.memref_squeeze %dma_start3A_100 : memref<1x81x128xi32, #tpu.memory_space<hbm>> -> memref<81x128xi32, #tpu.memory_space<hbm>>
      %dma_start3A_102 = arith.constant 0 : i32
      %dma_start3A_103 = arith.constant 0 : i32
      %dma_start3A_104 = tpu.memref_slice %arg2[%add3A, %dma_start3A_102, %dma_start3A_103] : memref<32x81x128xi32, #tpu.memory_space<hbm>> -> memref<1x81x128xi32, #tpu.memory_space<hbm>>
      %dma_start3A_105 = tpu.memref_squeeze %dma_start3A_104 : memref<1x81x128xi32, #tpu.memory_space<hbm>> -> memref<81x128xi32, #tpu.memory_space<hbm>>
      tpu.enqueue_dma source(%dma_start3A_105 : memref<81x128xi32, #tpu.memory_space<hbm>>) target(%arg9 : memref<81x128xi32, #tpu.memory_space<vmem>>) target_semaphore(%run_scoped3A : memref<!tpu.dma_semaphore, #tpu.memory_space<semaphore_mem>>)
      %dma_wait3A_106 = arith.constant 0 : i32
      %dma_wait3A_107 = arith.constant 0 : i32
      %dma_wait3A_108 = tpu.memref_slice %arg2[%add3A, %dma_wait3A_106, %dma_wait3A_107] : memref<32x81x128xi32, #tpu.memory_space<hbm>> -> memref<1x81x128xi32, #tpu.memory_space<hbm>>
      %dma_wait3A_109 = tpu.memref_squeeze %dma_wait3A_108 : memref<1x81x128xi32, #tpu.memory_space<hbm>> -> memref<81x128xi32, #tpu.memory_space<hbm>>
      %dma_wait3A_110 = arith.constant 0 : i32
      %dma_wait3A_111 = arith.constant 0 : i32
      %dma_wait3A_112 = tpu.memref_slice %arg2[%add3A, %dma_wait3A_110, %dma_wait3A_111] : memref<32x81x128xi32, #tpu.memory_space<hbm>> -> memref<1x81x128xi32, #tpu.memory_space<hbm>>
      %dma_wait3A_113 = tpu.memref_squeeze %dma_wait3A_112 : memref<1x81x128xi32, #tpu.memory_space<hbm>> -> memref<81x128xi32, #tpu.memory_space<hbm>>
      tpu.wait_dma2 semaphore(%run_scoped3A : memref<!tpu.dma_semaphore, #tpu.memory_space<semaphore_mem>>) src(%dma_wait3A_113 : memref<81x128xi32, #tpu.memory_space<hbm>>) dst(%arg9 : memref<81x128xi32, #tpu.memory_space<vmem>>)
      tpu.yield
    }) : () -> ()
    "tpu.region"() ({
      %run_scoped3A = tpu.sem_alloc : memref<!tpu.dma_semaphore, #tpu.memory_space<semaphore_mem>>
      %dma_start3A_98 = arith.constant 0 : i32
      %dma_start3A_99 = arith.constant 0 : i32
      %dma_start3A_100 = tpu.memref_slice %arg3[%add3A, %dma_start3A_98, %dma_start3A_99] : memref<32x81x128xi32, #tpu.memory_space<hbm>> -> memref<1x81x128xi32, #tpu.memory_space<hbm>>
      %dma_start3A_101 = tpu.memref_squeeze %dma_start3A_100 : memref<1x81x128xi32, #tpu.memory_space<hbm>> -> memref<81x128xi32, #tpu.memory_space<hbm>>
      %dma_start3A_102 = arith.constant 0 : i32
      %dma_start3A_103 = arith.constant 0 : i32
      %dma_start3A_104 = tpu.memref_slice %arg3[%add3A, %dma_start3A_102, %dma_start3A_103] : memref<32x81x128xi32, #tpu.memory_space<hbm>> -> memref<1x81x128xi32, #tpu.memory_space<hbm>>
      %dma_start3A_105 = tpu.memref_squeeze %dma_start3A_104 : memref<1x81x128xi32, #tpu.memory_space<hbm>> -> memref<81x128xi32, #tpu.memory_space<hbm>>
      tpu.enqueue_dma source(%dma_start3A_105 : memref<81x128xi32, #tpu.memory_space<hbm>>) target(%arg10 : memref<81x128xi32, #tpu.memory_space<vmem>>) target_semaphore(%run_scoped3A : memref<!tpu.dma_semaphore, #tpu.memory_space<semaphore_mem>>)
      %dma_wait3A_106 = arith.constant 0 : i32
      %dma_wait3A_107 = arith.constant 0 : i32
      %dma_wait3A_108 = tpu.memref_slice %arg3[%add3A, %dma_wait3A_106, %dma_wait3A_107] : memref<32x81x128xi32, #tpu.memory_space<hbm>> -> memref<1x81x128xi32, #tpu.memory_space<hbm>>
      %dma_wait3A_109 = tpu.memref_squeeze %dma_wait3A_108 : memref<1x81x128xi32, #tpu.memory_space<hbm>> -> memref<81x128xi32, #tpu.memory_space<hbm>>
      %dma_wait3A_110 = arith.constant 0 : i32
      %dma_wait3A_111 = arith.constant 0 : i32
      %dma_wait3A_112 = tpu.memref_slice %arg3[%add3A, %dma_wait3A_110, %dma_wait3A_111] : memref<32x81x128xi32, #tpu.memory_space<hbm>> -> memref<1x81x128xi32, #tpu.memory_space<hbm>>
      %dma_wait3A_113 = tpu.memref_squeeze %dma_wait3A_112 : memref<1x81x128xi32, #tpu.memory_space<hbm>> -> memref<81x128xi32, #tpu.memory_space<hbm>>
      tpu.wait_dma2 semaphore(%run_scoped3A : memref<!tpu.dma_semaphore, #tpu.memory_space<semaphore_mem>>) src(%dma_wait3A_113 : memref<81x128xi32, #tpu.memory_space<hbm>>) dst(%arg10 : memref<81x128xi32, #tpu.memory_space<vmem>>)
      tpu.yield
    }) : () -> ()
    %mul3A_1 = arith.constant 81920 : i32
    %mul3A_2 = arith.muli %arg1, %mul3A_1 : i32
    %add3A_3 = arith.constant 0 : i32
    %add3A_4 = arith.addi %mul3A_2, %add3A_3 : i32
    "tpu.region"() ({
      %run_scoped3A = tpu.sem_alloc : memref<!tpu.dma_semaphore, #tpu.memory_space<semaphore_mem>>
      %dma_start3A_98 = tpu.memref_slice %arg16[%add3A_4] : memref<1310720xf32, #tpu.memory_space<vmem_shared>> -> memref<40960xf32, #tpu.memory_space<vmem_shared>>
      tpu.enqueue_dma source(%arg7 : memref<40960xf32, #tpu.memory_space<hbm>>) target(%dma_start3A_98 : memref<40960xf32, #tpu.memory_space<vmem_shared>>) target_semaphore(%run_scoped3A : memref<!tpu.dma_semaphore, #tpu.memory_space<semaphore_mem>>)
      %dma_wait3A_99 = tpu.memref_slice %arg16[%add3A_4] : memref<1310720xf32, #tpu.memory_space<vmem_shared>> -> memref<40960xf32, #tpu.memory_space<vmem_shared>>
      tpu.wait_dma2 semaphore(%run_scoped3A : memref<!tpu.dma_semaphore, #tpu.memory_space<semaphore_mem>>) src(%arg7 : memref<40960xf32, #tpu.memory_space<hbm>>) dst(%dma_wait3A_99 : memref<40960xf32, #tpu.memory_space<vmem_shared>>)
      tpu.yield
    }) : () -> ()
    %mul3A_5 = arith.constant 81920 : i32
    %mul3A_6 = arith.muli %arg1, %mul3A_5 : i32
    %add3A_7 = arith.constant 40960 : i32
    %add3A_8 = arith.addi %mul3A_6, %add3A_7 : i32
    "tpu.region"() ({
      %run_scoped3A = tpu.sem_alloc : memref<!tpu.dma_semaphore, #tpu.memory_space<semaphore_mem>>
      %dma_start3A_98 = tpu.memref_slice %arg16[%add3A_8] : memref<1310720xf32, #tpu.memory_space<vmem_shared>> -> memref<40960xf32, #tpu.memory_space<vmem_shared>>
      tpu.enqueue_dma source(%arg7 : memref<40960xf32, #tpu.memory_space<hbm>>) target(%dma_start3A_98 : memref<40960xf32, #tpu.memory_space<vmem_shared>>) target_semaphore(%run_scoped3A : memref<!tpu.dma_semaphore, #tpu.memory_space<semaphore_mem>>)
      %dma_wait3A_99 = tpu.memref_slice %arg16[%add3A_8] : memref<1310720xf32, #tpu.memory_space<vmem_shared>> -> memref<40960xf32, #tpu.memory_space<vmem_shared>>
      tpu.wait_dma2 semaphore(%run_scoped3A : memref<!tpu.dma_semaphore, #tpu.memory_space<semaphore_mem>>) src(%arg7 : memref<40960xf32, #tpu.memory_space<hbm>>) dst(%dma_wait3A_99 : memref<40960xf32, #tpu.memory_space<vmem_shared>>)
      tpu.yield
    }) : () -> ()
    %barrier3A = arith.constant 0 : index
    tpu.barrier barrier_id(%barrier3A)
    %dma_start3A = arith.constant 0 : i32
    %dma_start3A_9 = arith.constant 0 : i32
    %dma_start3A_10 = arith.constant 0 : i32
    %dma_start3A_11 = tpu.memref_slice %arg11[%dma_start3A_9, %dma_start3A_10] : memref<2x128xf32, #tpu.memory_space<vmem>> -> memref<1x128xf32, #tpu.memory_space<vmem>>
    %dma_start3A_12 = tpu.memref_squeeze %dma_start3A_11 : memref<1x128xf32, #tpu.memory_space<vmem>> -> memref<128xf32, #tpu.memory_space<vmem>>
    %dma_start3A_13 = arith.constant 0 : i32
    %dma_start3A_14 = tpu.memref_slice %arg9[%dma_start3A, %dma_start3A_13] : memref<81x128xi32, #tpu.memory_space<vmem>> -> memref<1x128xi32, #tpu.memory_space<vmem>>
    %dma_start3A_15 = tpu.memref_squeeze %dma_start3A_14 : memref<1x128xi32, #tpu.memory_space<vmem>> -> memref<128xi32, #tpu.memory_space<vmem>>
    %dma_start3A_16 = arith.constant 0 : i32
    %dma_start3A_17 = tpu.memref_slice %arg4[%dma_start3A_16] : memref<10240xf32, #tpu.memory_space<hbm>> -> memref<10240xf32, #tpu.memory_space<hbm>>
    tpu.enqueue_indirect_dma source(%dma_start3A_17 : memref<10240xf32, #tpu.memory_space<hbm>>) target(%dma_start3A_12 : memref<128xf32, #tpu.memory_space<vmem>>) offsets(%dma_start3A_15 : memref<128xi32, #tpu.memory_space<vmem>>) semaphore(%arg17 : memref<!tpu.dma_semaphore, #tpu.memory_space<semaphore_mem>>)
    %dma_start3A_18 = arith.constant 0 : i32
    %dma_start3A_19 = arith.constant 0 : i32
    %dma_start3A_20 = arith.constant 0 : i32
    %dma_start3A_21 = tpu.memref_slice %arg12[%dma_start3A_19, %dma_start3A_20] : memref<2x128xf32, #tpu.memory_space<vmem>> -> memref<1x128xf32, #tpu.memory_space<vmem>>
    %dma_start3A_22 = tpu.memref_squeeze %dma_start3A_21 : memref<1x128xf32, #tpu.memory_space<vmem>> -> memref<128xf32, #tpu.memory_space<vmem>>
    %dma_start3A_23 = arith.constant 0 : i32
    %dma_start3A_24 = tpu.memref_slice %arg10[%dma_start3A_18, %dma_start3A_23] : memref<81x128xi32, #tpu.memory_space<vmem>> -> memref<1x128xi32, #tpu.memory_space<vmem>>
    %dma_start3A_25 = tpu.memref_squeeze %dma_start3A_24 : memref<1x128xi32, #tpu.memory_space<vmem>> -> memref<128xi32, #tpu.memory_space<vmem>>
    %dma_start3A_26 = arith.constant 0 : i32
    %dma_start3A_27 = tpu.memref_slice %arg5[%dma_start3A_26] : memref<10240xf32, #tpu.memory_space<hbm>> -> memref<10240xf32, #tpu.memory_space<hbm>>
    tpu.enqueue_indirect_dma source(%dma_start3A_27 : memref<10240xf32, #tpu.memory_space<hbm>>) target(%dma_start3A_22 : memref<128xf32, #tpu.memory_space<vmem>>) offsets(%dma_start3A_25 : memref<128xi32, #tpu.memory_space<vmem>>) semaphore(%arg17 : memref<!tpu.dma_semaphore, #tpu.memory_space<semaphore_mem>>)
    %dma_start3A_28 = arith.constant 0 : i32
    %dma_start3A_29 = arith.constant 0 : i32
    %dma_start3A_30 = arith.constant 0 : i32
    %dma_start3A_31 = tpu.memref_slice %arg13[%dma_start3A_29, %dma_start3A_30] : memref<2x128xi32, #tpu.memory_space<vmem>> -> memref<1x128xi32, #tpu.memory_space<vmem>>
    %dma_start3A_32 = tpu.memref_squeeze %dma_start3A_31 : memref<1x128xi32, #tpu.memory_space<vmem>> -> memref<128xi32, #tpu.memory_space<vmem>>
    %dma_start3A_33 = arith.constant 0 : i32
    %dma_start3A_34 = tpu.memref_slice %arg10[%dma_start3A_28, %dma_start3A_33] : memref<81x128xi32, #tpu.memory_space<vmem>> -> memref<1x128xi32, #tpu.memory_space<vmem>>
    %dma_start3A_35 = tpu.memref_squeeze %dma_start3A_34 : memref<1x128xi32, #tpu.memory_space<vmem>> -> memref<128xi32, #tpu.memory_space<vmem>>
    %dma_start3A_36 = arith.constant 0 : i32
    %dma_start3A_37 = tpu.memref_slice %arg6[%dma_start3A_36] : memref<10240xi32, #tpu.memory_space<hbm>> -> memref<10240xi32, #tpu.memory_space<hbm>>
    tpu.enqueue_indirect_dma source(%dma_start3A_37 : memref<10240xi32, #tpu.memory_space<hbm>>) target(%dma_start3A_32 : memref<128xi32, #tpu.memory_space<vmem>>) offsets(%dma_start3A_35 : memref<128xi32, #tpu.memory_space<vmem>>) semaphore(%arg17 : memref<!tpu.dma_semaphore, #tpu.memory_space<semaphore_mem>>)
    %dma_start3A_38 = arith.constant 1 : i32
    %dma_start3A_39 = arith.constant 1 : i32
    %dma_start3A_40 = arith.constant 0 : i32
    %dma_start3A_41 = tpu.memref_slice %arg11[%dma_start3A_39, %dma_start3A_40] : memref<2x128xf32, #tpu.memory_space<vmem>> -> memref<1x128xf32, #tpu.memory_space<vmem>>
    %dma_start3A_42 = tpu.memref_squeeze %dma_start3A_41 : memref<1x128xf32, #tpu.memory_space<vmem>> -> memref<128xf32, #tpu.memory_space<vmem>>
    %dma_start3A_43 = arith.constant 0 : i32
    %dma_start3A_44 = tpu.memref_slice %arg9[%dma_start3A_38, %dma_start3A_43] : memref<81x128xi32, #tpu.memory_space<vmem>> -> memref<1x128xi32, #tpu.memory_space<vmem>>
    %dma_start3A_45 = tpu.memref_squeeze %dma_start3A_44 : memref<1x128xi32, #tpu.memory_space<vmem>> -> memref<128xi32, #tpu.memory_space<vmem>>
    %dma_start3A_46 = arith.constant 0 : i32
    %dma_start3A_47 = tpu.memref_slice %arg4[%dma_start3A_46] : memref<10240xf32, #tpu.memory_space<hbm>> -> memref<10240xf32, #tpu.memory_space<hbm>>
    tpu.enqueue_indirect_dma source(%dma_start3A_47 : memref<10240xf32, #tpu.memory_space<hbm>>) target(%dma_start3A_42 : memref<128xf32, #tpu.memory_space<vmem>>) offsets(%dma_start3A_45 : memref<128xi32, #tpu.memory_space<vmem>>) semaphore(%arg17 : memref<!tpu.dma_semaphore, #tpu.memory_space<semaphore_mem>>)
    %dma_start3A_48 = arith.constant 1 : i32
    %dma_start3A_49 = arith.constant 1 : i32
    %dma_start3A_50 = arith.constant 0 : i32
    %dma_start3A_51 = tpu.memref_slice %arg12[%dma_start3A_49, %dma_start3A_50] : memref<2x128xf32, #tpu.memory_space<vmem>> -> memref<1x128xf32, #tpu.memory_space<vmem>>
    %dma_start3A_52 = tpu.memref_squeeze %dma_start3A_51 : memref<1x128xf32, #tpu.memory_space<vmem>> -> memref<128xf32, #tpu.memory_space<vmem>>
    %dma_start3A_53 = arith.constant 0 : i32
    %dma_start3A_54 = tpu.memref_slice %arg10[%dma_start3A_48, %dma_start3A_53] : memref<81x128xi32, #tpu.memory_space<vmem>> -> memref<1x128xi32, #tpu.memory_space<vmem>>
    %dma_start3A_55 = tpu.memref_squeeze %dma_start3A_54 : memref<1x128xi32, #tpu.memory_space<vmem>> -> memref<128xi32, #tpu.memory_space<vmem>>
    %dma_start3A_56 = arith.constant 0 : i32
    %dma_start3A_57 = tpu.memref_slice %arg5[%dma_start3A_56] : memref<10240xf32, #tpu.memory_space<hbm>> -> memref<10240xf32, #tpu.memory_space<hbm>>
    tpu.enqueue_indirect_dma source(%dma_start3A_57 : memref<10240xf32, #tpu.memory_space<hbm>>) target(%dma_start3A_52 : memref<128xf32, #tpu.memory_space<vmem>>) offsets(%dma_start3A_55 : memref<128xi32, #tpu.memory_space<vmem>>) semaphore(%arg17 : memref<!tpu.dma_semaphore, #tpu.memory_space<semaphore_mem>>)
    %dma_start3A_58 = arith.constant 1 : i32
    %dma_start3A_59 = arith.constant 1 : i32
    %dma_start3A_60 = arith.constant 0 : i32
    %dma_start3A_61 = tpu.memref_slice %arg13[%dma_start3A_59, %dma_start3A_60] : memref<2x128xi32, #tpu.memory_space<vmem>> -> memref<1x128xi32, #tpu.memory_space<vmem>>
    %dma_start3A_62 = tpu.memref_squeeze %dma_start3A_61 : memref<1x128xi32, #tpu.memory_space<vmem>> -> memref<128xi32, #tpu.memory_space<vmem>>
    %dma_start3A_63 = arith.constant 0 : i32
    %dma_start3A_64 = tpu.memref_slice %arg10[%dma_start3A_58, %dma_start3A_63] : memref<81x128xi32, #tpu.memory_space<vmem>> -> memref<1x128xi32, #tpu.memory_space<vmem>>
    %dma_start3A_65 = tpu.memref_squeeze %dma_start3A_64 : memref<1x128xi32, #tpu.memory_space<vmem>> -> memref<128xi32, #tpu.memory_space<vmem>>
    %dma_start3A_66 = arith.constant 0 : i32
    %dma_start3A_67 = tpu.memref_slice %arg6[%dma_start3A_66] : memref<10240xi32, #tpu.memory_space<hbm>> -> memref<10240xi32, #tpu.memory_space<hbm>>
    tpu.enqueue_indirect_dma source(%dma_start3A_67 : memref<10240xi32, #tpu.memory_space<hbm>>) target(%dma_start3A_62 : memref<128xi32, #tpu.memory_space<vmem>>) offsets(%dma_start3A_65 : memref<128xi32, #tpu.memory_space<vmem>>) semaphore(%arg17 : memref<!tpu.dma_semaphore, #tpu.memory_space<semaphore_mem>>)
    %scan3A = arith.constant 0 : i32
    %scan3A_68 = arith.constant 0 : i32
    %scan3A_69 = arith.constant 81 : i32
    %scan3A_70 = arith.addi %scan3A_68, %scan3A_69 : i32
    %scan3A_71 = arith.constant 1 : i32
    %scan3A_72 = scf.for %scan3A_98 = %scan3A_68 to %scan3A_70 step %scan3A_71 iter_args(%scan3A_99 = %scan3A) -> (i32)  : i32 {
      %rem3A = arith.constant 2 : i32
      %rem3A_100 = arith.remsi %scan3A_98, %rem3A : i32
      %dma_wait3A_101 = arith.constant 0 : i32
      %dma_wait3A_102 = tpu.memref_slice %arg11[%rem3A_100, %dma_wait3A_101] : memref<2x128xf32, #tpu.memory_space<vmem>> -> memref<1x128xf32, #tpu.memory_space<vmem>>
      %dma_wait3A_103 = tpu.memref_squeeze %dma_wait3A_102 : memref<1x128xf32, #tpu.memory_space<vmem>> -> memref<128xf32, #tpu.memory_space<vmem>>
      %dma_wait3A_104 = arith.constant 0 : i32
      %dma_wait3A_105 = tpu.memref_slice %arg9[%scan3A_98, %dma_wait3A_104] : memref<81x128xi32, #tpu.memory_space<vmem>> -> memref<1x128xi32, #tpu.memory_space<vmem>>
      %dma_wait3A_106 = tpu.memref_squeeze %dma_wait3A_105 : memref<1x128xi32, #tpu.memory_space<vmem>> -> memref<128xi32, #tpu.memory_space<vmem>>
      %dma_wait3A_107 = arith.constant 0 : i32
      %dma_wait3A_108 = tpu.memref_slice %arg4[%dma_wait3A_107] : memref<10240xf32, #tpu.memory_space<hbm>> -> memref<10240xf32, #tpu.memory_space<hbm>>
      tpu.wait_indirect_dma semaphore(%arg17 : memref<!tpu.dma_semaphore, #tpu.memory_space<semaphore_mem>>) src(%dma_wait3A_108 : memref<10240xf32, #tpu.memory_space<hbm>>) dst(%dma_wait3A_103 : memref<128xf32, #tpu.memory_space<vmem>>)
      %dma_wait3A_109 = arith.constant 0 : i32
      %dma_wait3A_110 = tpu.memref_slice %arg12[%rem3A_100, %dma_wait3A_109] : memref<2x128xf32, #tpu.memory_space<vmem>> -> memref<1x128xf32, #tpu.memory_space<vmem>>
      %dma_wait3A_111 = tpu.memref_squeeze %dma_wait3A_110 : memref<1x128xf32, #tpu.memory_space<vmem>> -> memref<128xf32, #tpu.memory_space<vmem>>
      %dma_wait3A_112 = arith.constant 0 : i32
      %dma_wait3A_113 = tpu.memref_slice %arg10[%scan3A_98, %dma_wait3A_112] : memref<81x128xi32, #tpu.memory_space<vmem>> -> memref<1x128xi32, #tpu.memory_space<vmem>>
      %dma_wait3A_114 = tpu.memref_squeeze %dma_wait3A_113 : memref<1x128xi32, #tpu.memory_space<vmem>> -> memref<128xi32, #tpu.memory_space<vmem>>
      %dma_wait3A_115 = arith.constant 0 : i32
      %dma_wait3A_116 = tpu.memref_slice %arg5[%dma_wait3A_115] : memref<10240xf32, #tpu.memory_space<hbm>> -> memref<10240xf32, #tpu.memory_space<hbm>>
      tpu.wait_indirect_dma semaphore(%arg17 : memref<!tpu.dma_semaphore, #tpu.memory_space<semaphore_mem>>) src(%dma_wait3A_116 : memref<10240xf32, #tpu.memory_space<hbm>>) dst(%dma_wait3A_111 : memref<128xf32, #tpu.memory_space<vmem>>)
      %dma_wait3A_117 = arith.constant 0 : i32
      %dma_wait3A_118 = tpu.memref_slice %arg13[%rem3A_100, %dma_wait3A_117] : memref<2x128xi32, #tpu.memory_space<vmem>> -> memref<1x128xi32, #tpu.memory_space<vmem>>
      %dma_wait3A_119 = tpu.memref_squeeze %dma_wait3A_118 : memref<1x128xi32, #tpu.memory_space<vmem>> -> memref<128xi32, #tpu.memory_space<vmem>>
      %dma_wait3A_120 = arith.constant 0 : i32
      %dma_wait3A_121 = tpu.memref_slice %arg10[%scan3A_98, %dma_wait3A_120] : memref<81x128xi32, #tpu.memory_space<vmem>> -> memref<1x128xi32, #tpu.memory_space<vmem>>
      %dma_wait3A_122 = tpu.memref_squeeze %dma_wait3A_121 : memref<1x128xi32, #tpu.memory_space<vmem>> -> memref<128xi32, #tpu.memory_space<vmem>>
      %dma_wait3A_123 = arith.constant 0 : i32
      %dma_wait3A_124 = tpu.memref_slice %arg6[%dma_wait3A_123] : memref<10240xi32, #tpu.memory_space<hbm>> -> memref<10240xi32, #tpu.memory_space<hbm>>
      tpu.wait_indirect_dma semaphore(%arg17 : memref<!tpu.dma_semaphore, #tpu.memory_space<semaphore_mem>>) src(%dma_wait3A_124 : memref<10240xi32, #tpu.memory_space<hbm>>) dst(%dma_wait3A_119 : memref<128xi32, #tpu.memory_space<vmem>>)
      %ge3A = arith.constant 2 : i32
      %ge3A_125 = arith.cmpi sge, %scan3A_98, %ge3A : i32
      %convert_element_type3A = arith.extui %ge3A_125 : i1 to i32
      %cond3A = arith.constant 0 : i32
      %cond3A_126 = arith.cmpi ne, %convert_element_type3A, %cond3A : i32
      scf.if %cond3A_126 {
        %dma_wait3A_364 = arith.constant 0 : i32
        %dma_wait3A_365 = tpu.memref_slice %arg14[%rem3A_100, %dma_wait3A_364] : memref<2x128xf32, #tpu.memory_space<vmem>> -> memref<1x128xf32, #tpu.memory_space<vmem>>
        %dma_wait3A_366 = tpu.memref_squeeze %dma_wait3A_365 : memref<1x128xf32, #tpu.memory_space<vmem>> -> memref<128xf32, #tpu.memory_space<vmem>>
        %dma_wait3A_367 = arith.constant 0 : i32
        %dma_wait3A_368 = tpu.memref_slice %arg15[%rem3A_100, %dma_wait3A_367] : memref<2x128xi32, #tpu.memory_space<vmem>> -> memref<1x128xi32, #tpu.memory_space<vmem>>
        %dma_wait3A_369 = tpu.memref_squeeze %dma_wait3A_368 : memref<1x128xi32, #tpu.memory_space<vmem>> -> memref<128xi32, #tpu.memory_space<vmem>>
        %dma_wait3A_370 = arith.constant 0 : i32
        %dma_wait3A_371 = tpu.memref_slice %arg16[%dma_wait3A_370] : memref<1310720xf32, #tpu.memory_space<vmem_shared>> -> memref<1310720xf32, #tpu.memory_space<vmem_shared>>
        tpu.wait_indirect_dma semaphore(%arg18 : memref<!tpu.dma_semaphore, #tpu.memory_space<semaphore_mem>>) src(%dma_wait3A_366 : memref<128xf32, #tpu.memory_space<vmem>>) dst(%dma_wait3A_371 : memref<1310720xf32, #tpu.memory_space<vmem_shared>>)
      } else {
      }
      %get3A = arith.index_cast %scan3A_98 : i32 to index
      %get3A_127 = arith.constant 0 : index
      %get3A_128 = tpu.vector_load %arg9[%get3A, %get3A_127] {strides = array<i32>} : memref<81x128xi32, #tpu.memory_space<vmem>>, vector<1x16xi32>,
      %get3A_129 = vector.shape_cast %get3A_128 : vector<1x16xi32> to vector<16xi32>
      %get3A_130 = arith.index_cast %rem3A_100 : i32 to index
      %get3A_131 = arith.constant 0 : index
      %get3A_132 = tpu.vector_load %arg13[%get3A_130, %get3A_131] {strides = array<i32>} : memref<2x128xi32, #tpu.memory_space<vmem>>, vector<1x16xi32>,
      %get3A_133 = vector.shape_cast %get3A_132 : vector<1x16xi32> to vector<16xi32>
      %get3A_134 = arith.index_cast %rem3A_100 : i32 to index
      %get3A_135 = arith.constant 0 : index
      %get3A_136 = tpu.vector_load %arg11[%get3A_134, %get3A_135] {strides = array<i32>} : memref<2x128xf32, #tpu.memory_space<vmem>>, vector<1x16xf32>,
      %get3A_137 = vector.shape_cast %get3A_136 : vector<1x16xf32> to vector<16xf32>
      %get3A_138 = arith.index_cast %rem3A_100 : i32 to index
      %get3A_139 = arith.constant 0 : index
      %get3A_140 = tpu.vector_load %arg12[%get3A_138, %get3A_139] {strides = array<i32>} : memref<2x128xf32, #tpu.memory_space<vmem>>, vector<1x16xf32>,
      %get3A_141 = vector.shape_cast %get3A_140 : vector<1x16xf32> to vector<16xf32>
      %mul3A_142 = arith.mulf %get3A_137, %get3A_141 : vector<16xf32>
      %swap3A = arith.index_cast %rem3A_100 : i32 to index
      %swap3A_143 = arith.constant 0 : index
      %swap3A_144 = tpu.vector_load %arg14[%swap3A, %swap3A_143] {strides = array<i32>} : memref<2x128xf32, #tpu.memory_space<vmem>>, vector<1x16xf32>,
      %swap3A_145 = vector.shape_cast %swap3A_144 : vector<1x16xf32> to vector<16xf32>
      %swap3A_146 = vector.shape_cast %mul3A_142 : vector<16xf32> to vector<1x16xf32>
      tpu.vector_store %arg14[%swap3A, %swap3A_143], %swap3A_146 {strides = array<i32>} : memref<2x128xf32, #tpu.memory_space<vmem>>, vector<1x16xf32>,
      %add3A_147 = arith.addi %get3A_133, %get3A_129 : vector<16xi32>
      %swap3A_148 = arith.index_cast %rem3A_100 : i32 to index
      %swap3A_149 = arith.constant 0 : index
      %swap3A_150 = tpu.vector_load %arg15[%swap3A_148, %swap3A_149] {strides = array<i32>} : memref<2x128xi32, #tpu.memory_space<vmem>>, vector<1x16xi32>,
      %swap3A_151 = vector.shape_cast %swap3A_150 : vector<1x16xi32> to vector<16xi32>
      %swap3A_152 = vector.shape_cast %add3A_147 : vector<16xi32> to vector<1x16xi32>
      tpu.vector_store %arg15[%swap3A_148, %swap3A_149], %swap3A_152 {strides = array<i32>} : memref<2x128xi32, #tpu.memory_space<vmem>>, vector<1x16xi32>,
      %get3A_153 = arith.index_cast %scan3A_98 : i32 to index
      %get3A_154 = arith.constant 16 : index
      %get3A_155 = tpu.vector_load %arg9[%get3A_153, %get3A_154] {strides = array<i32>} : memref<81x128xi32, #tpu.memory_space<vmem>>, vector<1x16xi32>,
      %get3A_156 = vector.shape_cast %get3A_155 : vector<1x16xi32> to vector<16xi32>
      %get3A_157 = arith.index_cast %rem3A_100 : i32 to index
      %get3A_158 = arith.constant 16 : index
      %get3A_159 = tpu.vector_load %arg13[%get3A_157, %get3A_158] {strides = array<i32>} : memref<2x128xi32, #tpu.memory_space<vmem>>, vector<1x16xi32>,
      %get3A_160 = vector.shape_cast %get3A_159 : vector<1x16xi32> to vector<16xi32>
      %get3A_161 = arith.index_cast %rem3A_100 : i32 to index
      %get3A_162 = arith.constant 16 : index
      %get3A_163 = tpu.vector_load %arg11[%get3A_161, %get3A_162] {strides = array<i32>} : memref<2x128xf32, #tpu.memory_space<vmem>>, vector<1x16xf32>,
      %get3A_164 = vector.shape_cast %get3A_163 : vector<1x16xf32> to vector<16xf32>
      %get3A_165 = arith.index_cast %rem3A_100 : i32 to index
      %get3A_166 = arith.constant 16 : index
      %get3A_167 = tpu.vector_load %arg12[%get3A_165, %get3A_166] {strides = array<i32>} : memref<2x128xf32, #tpu.memory_space<vmem>>, vector<1x16xf32>,
      %get3A_168 = vector.shape_cast %get3A_167 : vector<1x16xf32> to vector<16xf32>
      %mul3A_169 = arith.mulf %get3A_164, %get3A_168 : vector<16xf32>
      %swap3A_170 = arith.index_cast %rem3A_100 : i32 to index
      %swap3A_171 = arith.constant 16 : index
      %swap3A_172 = tpu.vector_load %arg14[%swap3A_170, %swap3A_171] {strides = array<i32>} : memref<2x128xf32, #tpu.memory_space<vmem>>, vector<1x16xf32>,
      %swap3A_173 = vector.shape_cast %swap3A_172 : vector<1x16xf32> to vector<16xf32>
      %swap3A_174 = vector.shape_cast %mul3A_169 : vector<16xf32> to vector<1x16xf32>
      tpu.vector_store %arg14[%swap3A_170, %swap3A_171], %swap3A_174 {strides = array<i32>} : memref<2x128xf32, #tpu.memory_space<vmem>>, vector<1x16xf32>,
      %add3A_175 = arith.addi %get3A_160, %get3A_156 : vector<16xi32>
      %swap3A_176 = arith.index_cast %rem3A_100 : i32 to index
      %swap3A_177 = arith.constant 16 : index
      %swap3A_178 = tpu.vector_load %arg15[%swap3A_176, %swap3A_177] {strides = array<i32>} : memref<2x128xi32, #tpu.memory_space<vmem>>, vector<1x16xi32>,
      %swap3A_179 = vector.shape_cast %swap3A_178 : vector<1x16xi32> to vector<16xi32>
      %swap3A_180 = vector.shape_cast %add3A_175 : vector<16xi32> to vector<1x16xi32>
      tpu.vector_store %arg15[%swap3A_176, %swap3A_177], %swap3A_180 {strides = array<i32>} : memref<2x128xi32, #tpu.memory_space<vmem>>, vector<1x16xi32>,
      %get3A_181 = arith.index_cast %scan3A_98 : i32 to index
      %get3A_182 = arith.constant 32 : index
      %get3A_183 = tpu.vector_load %arg9[%get3A_181, %get3A_182] {strides = array<i32>} : memref<81x128xi32, #tpu.memory_space<vmem>>, vector<1x16xi32>,
      %get3A_184 = vector.shape_cast %get3A_183 : vector<1x16xi32> to vector<16xi32>
      %get3A_185 = arith.index_cast %rem3A_100 : i32 to index
      %get3A_186 = arith.constant 32 : index
      %get3A_187 = tpu.vector_load %arg13[%get3A_185, %get3A_186] {strides = array<i32>} : memref<2x128xi32, #tpu.memory_space<vmem>>, vector<1x16xi32>,
      %get3A_188 = vector.shape_cast %get3A_187 : vector<1x16xi32> to vector<16xi32>
      %get3A_189 = arith.index_cast %rem3A_100 : i32 to index
      %get3A_190 = arith.constant 32 : index
      %get3A_191 = tpu.vector_load %arg11[%get3A_189, %get3A_190] {strides = array<i32>} : memref<2x128xf32, #tpu.memory_space<vmem>>, vector<1x16xf32>,
      %get3A_192 = vector.shape_cast %get3A_191 : vector<1x16xf32> to vector<16xf32>
      %get3A_193 = arith.index_cast %rem3A_100 : i32 to index
      %get3A_194 = arith.constant 32 : index
      %get3A_195 = tpu.vector_load %arg12[%get3A_193, %get3A_194] {strides = array<i32>} : memref<2x128xf32, #tpu.memory_space<vmem>>, vector<1x16xf32>,
      %get3A_196 = vector.shape_cast %get3A_195 : vector<1x16xf32> to vector<16xf32>
      %mul3A_197 = arith.mulf %get3A_192, %get3A_196 : vector<16xf32>
      %swap3A_198 = arith.index_cast %rem3A_100 : i32 to index
      %swap3A_199 = arith.constant 32 : index
      %swap3A_200 = tpu.vector_load %arg14[%swap3A_198, %swap3A_199] {strides = array<i32>} : memref<2x128xf32, #tpu.memory_space<vmem>>, vector<1x16xf32>,
      %swap3A_201 = vector.shape_cast %swap3A_200 : vector<1x16xf32> to vector<16xf32>
      %swap3A_202 = vector.shape_cast %mul3A_197 : vector<16xf32> to vector<1x16xf32>
      tpu.vector_store %arg14[%swap3A_198, %swap3A_199], %swap3A_202 {strides = array<i32>} : memref<2x128xf32, #tpu.memory_space<vmem>>, vector<1x16xf32>,
      %add3A_203 = arith.addi %get3A_188, %get3A_184 : vector<16xi32>
      %swap3A_204 = arith.index_cast %rem3A_100 : i32 to index
      %swap3A_205 = arith.constant 32 : index
      %swap3A_206 = tpu.vector_load %arg15[%swap3A_204, %swap3A_205] {strides = array<i32>} : memref<2x128xi32, #tpu.memory_space<vmem>>, vector<1x16xi32>,
      %swap3A_207 = vector.shape_cast %swap3A_206 : vector<1x16xi32> to vector<16xi32>
      %swap3A_208 = vector.shape_cast %add3A_203 : vector<16xi32> to vector<1x16xi32>
      tpu.vector_store %arg15[%swap3A_204, %swap3A_205], %swap3A_208 {strides = array<i32>} : memref<2x128xi32, #tpu.memory_space<vmem>>, vector<1x16xi32>,
      %get3A_209 = arith.index_cast %scan3A_98 : i32 to index
      %get3A_210 = arith.constant 48 : index
      %get3A_211 = tpu.vector_load %arg9[%get3A_209, %get3A_210] {strides = array<i32>} : memref<81x128xi32, #tpu.memory_space<vmem>>, vector<1x16xi32>,
      %get3A_212 = vector.shape_cast %get3A_211 : vector<1x16xi32> to vector<16xi32>
      %get3A_213 = arith.index_cast %rem3A_100 : i32 to index
      %get3A_214 = arith.constant 48 : index
      %get3A_215 = tpu.vector_load %arg13[%get3A_213, %get3A_214] {strides = array<i32>} : memref<2x128xi32, #tpu.memory_space<vmem>>, vector<1x16xi32>,
      %get3A_216 = vector.shape_cast %get3A_215 : vector<1x16xi32> to vector<16xi32>
      %get3A_217 = arith.index_cast %rem3A_100 : i32 to index
      %get3A_218 = arith.constant 48 : index
      %get3A_219 = tpu.vector_load %arg11[%get3A_217, %get3A_218] {strides = array<i32>} : memref<2x128xf32, #tpu.memory_space<vmem>>, vector<1x16xf32>,
      %get3A_220 = vector.shape_cast %get3A_219 : vector<1x16xf32> to vector<16xf32>
      %get3A_221 = arith.index_cast %rem3A_100 : i32 to index
      %get3A_222 = arith.constant 48 : index
      %get3A_223 = tpu.vector_load %arg12[%get3A_221, %get3A_222] {strides = array<i32>} : memref<2x128xf32, #tpu.memory_space<vmem>>, vector<1x16xf32>,
      %get3A_224 = vector.shape_cast %get3A_223 : vector<1x16xf32> to vector<16xf32>
      %mul3A_225 = arith.mulf %get3A_220, %get3A_224 : vector<16xf32>
      %swap3A_226 = arith.index_cast %rem3A_100 : i32 to index
      %swap3A_227 = arith.constant 48 : index
      %swap3A_228 = tpu.vector_load %arg14[%swap3A_226, %swap3A_227] {strides = array<i32>} : memref<2x128xf32, #tpu.memory_space<vmem>>, vector<1x16xf32>,
      %swap3A_229 = vector.shape_cast %swap3A_228 : vector<1x16xf32> to vector<16xf32>
      %swap3A_230 = vector.shape_cast %mul3A_225 : vector<16xf32> to vector<1x16xf32>
      tpu.vector_store %arg14[%swap3A_226, %swap3A_227], %swap3A_230 {strides = array<i32>} : memref<2x128xf32, #tpu.memory_space<vmem>>, vector<1x16xf32>,
      %add3A_231 = arith.addi %get3A_216, %get3A_212 : vector<16xi32>
      %swap3A_232 = arith.index_cast %rem3A_100 : i32 to index
      %swap3A_233 = arith.constant 48 : index
      %swap3A_234 = tpu.vector_load %arg15[%swap3A_232, %swap3A_233] {strides = array<i32>} : memref<2x128xi32, #tpu.memory_space<vmem>>, vector<1x16xi32>,
      %swap3A_235 = vector.shape_cast %swap3A_234 : vector<1x16xi32> to vector<16xi32>
      %swap3A_236 = vector.shape_cast %add3A_231 : vector<16xi32> to vector<1x16xi32>
      tpu.vector_store %arg15[%swap3A_232, %swap3A_233], %swap3A_236 {strides = array<i32>} : memref<2x128xi32, #tpu.memory_space<vmem>>, vector<1x16xi32>,
      %get3A_237 = arith.index_cast %scan3A_98 : i32 to index
      %get3A_238 = arith.constant 64 : index
      %get3A_239 = tpu.vector_load %arg9[%get3A_237, %get3A_238] {strides = array<i32>} : memref<81x128xi32, #tpu.memory_space<vmem>>, vector<1x16xi32>,
      %get3A_240 = vector.shape_cast %get3A_239 : vector<1x16xi32> to vector<16xi32>
      %get3A_241 = arith.index_cast %rem3A_100 : i32 to index
      %get3A_242 = arith.constant 64 : index
      %get3A_243 = tpu.vector_load %arg13[%get3A_241, %get3A_242] {strides = array<i32>} : memref<2x128xi32, #tpu.memory_space<vmem>>, vector<1x16xi32>,
      %get3A_244 = vector.shape_cast %get3A_243 : vector<1x16xi32> to vector<16xi32>
      %get3A_245 = arith.index_cast %rem3A_100 : i32 to index
      %get3A_246 = arith.constant 64 : index
      %get3A_247 = tpu.vector_load %arg11[%get3A_245, %get3A_246] {strides = array<i32>} : memref<2x128xf32, #tpu.memory_space<vmem>>, vector<1x16xf32>,
      %get3A_248 = vector.shape_cast %get3A_247 : vector<1x16xf32> to vector<16xf32>
      %get3A_249 = arith.index_cast %rem3A_100 : i32 to index
      %get3A_250 = arith.constant 64 : index
      %get3A_251 = tpu.vector_load %arg12[%get3A_249, %get3A_250] {strides = array<i32>} : memref<2x128xf32, #tpu.memory_space<vmem>>, vector<1x16xf32>,
      %get3A_252 = vector.shape_cast %get3A_251 : vector<1x16xf32> to vector<16xf32>
      %mul3A_253 = arith.mulf %get3A_248, %get3A_252 : vector<16xf32>
      %swap3A_254 = arith.index_cast %rem3A_100 : i32 to index
      %swap3A_255 = arith.constant 64 : index
      %swap3A_256 = tpu.vector_load %arg14[%swap3A_254, %swap3A_255] {strides = array<i32>} : memref<2x128xf32, #tpu.memory_space<vmem>>, vector<1x16xf32>,
      %swap3A_257 = vector.shape_cast %swap3A_256 : vector<1x16xf32> to vector<16xf32>
      %swap3A_258 = vector.shape_cast %mul3A_253 : vector<16xf32> to vector<1x16xf32>
      tpu.vector_store %arg14[%swap3A_254, %swap3A_255], %swap3A_258 {strides = array<i32>} : memref<2x128xf32, #tpu.memory_space<vmem>>, vector<1x16xf32>,
      %add3A_259 = arith.addi %get3A_244, %get3A_240 : vector<16xi32>
      %swap3A_260 = arith.index_cast %rem3A_100 : i32 to index
      %swap3A_261 = arith.constant 64 : index
      %swap3A_262 = tpu.vector_load %arg15[%swap3A_260, %swap3A_261] {strides = array<i32>} : memref<2x128xi32, #tpu.memory_space<vmem>>, vector<1x16xi32>,
      %swap3A_263 = vector.shape_cast %swap3A_262 : vector<1x16xi32> to vector<16xi32>
      %swap3A_264 = vector.shape_cast %add3A_259 : vector<16xi32> to vector<1x16xi32>
      tpu.vector_store %arg15[%swap3A_260, %swap3A_261], %swap3A_264 {strides = array<i32>} : memref<2x128xi32, #tpu.memory_space<vmem>>, vector<1x16xi32>,
      %get3A_265 = arith.index_cast %scan3A_98 : i32 to index
      %get3A_266 = arith.constant 80 : index
      %get3A_267 = tpu.vector_load %arg9[%get3A_265, %get3A_266] {strides = array<i32>} : memref<81x128xi32, #tpu.memory_space<vmem>>, vector<1x16xi32>,
      %get3A_268 = vector.shape_cast %get3A_267 : vector<1x16xi32> to vector<16xi32>
      %get3A_269 = arith.index_cast %rem3A_100 : i32 to index
      %get3A_270 = arith.constant 80 : index
      %get3A_271 = tpu.vector_load %arg13[%get3A_269, %get3A_270] {strides = array<i32>} : memref<2x128xi32, #tpu.memory_space<vmem>>, vector<1x16xi32>,
      %get3A_272 = vector.shape_cast %get3A_271 : vector<1x16xi32> to vector<16xi32>
      %get3A_273 = arith.index_cast %rem3A_100 : i32 to index
      %get3A_274 = arith.constant 80 : index
      %get3A_275 = tpu.vector_load %arg11[%get3A_273, %get3A_274] {strides = array<i32>} : memref<2x128xf32, #tpu.memory_space<vmem>>, vector<1x16xf32>,
      %get3A_276 = vector.shape_cast %get3A_275 : vector<1x16xf32> to vector<16xf32>
      %get3A_277 = arith.index_cast %rem3A_100 : i32 to index
      %get3A_278 = arith.constant 80 : index
      %get3A_279 = tpu.vector_load %arg12[%get3A_277, %get3A_278] {strides = array<i32>} : memref<2x128xf32, #tpu.memory_space<vmem>>, vector<1x16xf32>,
      %get3A_280 = vector.shape_cast %get3A_279 : vector<1x16xf32> to vector<16xf32>
      %mul3A_281 = arith.mulf %get3A_276, %get3A_280 : vector<16xf32>
      %swap3A_282 = arith.index_cast %rem3A_100 : i32 to index
      %swap3A_283 = arith.constant 80 : index
      %swap3A_284 = tpu.vector_load %arg14[%swap3A_282, %swap3A_283] {strides = array<i32>} : memref<2x128xf32, #tpu.memory_space<vmem>>, vector<1x16xf32>,
      %swap3A_285 = vector.shape_cast %swap3A_284 : vector<1x16xf32> to vector<16xf32>
      %swap3A_286 = vector.shape_cast %mul3A_281 : vector<16xf32> to vector<1x16xf32>
      tpu.vector_store %arg14[%swap3A_282, %swap3A_283], %swap3A_286 {strides = array<i32>} : memref<2x128xf32, #tpu.memory_space<vmem>>, vector<1x16xf32>,
      %add3A_287 = arith.addi %get3A_272, %get3A_268 : vector<16xi32>
      %swap3A_288 = arith.index_cast %rem3A_100 : i32 to index
      %swap3A_289 = arith.constant 80 : index
      %swap3A_290 = tpu.vector_load %arg15[%swap3A_288, %swap3A_289] {strides = array<i32>} : memref<2x128xi32, #tpu.memory_space<vmem>>, vector<1x16xi32>,
      %swap3A_291 = vector.shape_cast %swap3A_290 : vector<1x16xi32> to vector<16xi32>
      %swap3A_292 = vector.shape_cast %add3A_287 : vector<16xi32> to vector<1x16xi32>
      tpu.vector_store %arg15[%swap3A_288, %swap3A_289], %swap3A_292 {strides = array<i32>} : memref<2x128xi32, #tpu.memory_space<vmem>>, vector<1x16xi32>,
      %get3A_293 = arith.index_cast %scan3A_98 : i32 to index
      %get3A_294 = arith.constant 96 : index
      %get3A_295 = tpu.vector_load %arg9[%get3A_293, %get3A_294] {strides = array<i32>} : memref<81x128xi32, #tpu.memory_space<vmem>>, vector<1x16xi32>,
      %get3A_296 = vector.shape_cast %get3A_295 : vector<1x16xi32> to vector<16xi32>
      %get3A_297 = arith.index_cast %rem3A_100 : i32 to index
      %get3A_298 = arith.constant 96 : index
      %get3A_299 = tpu.vector_load %arg13[%get3A_297, %get3A_298] {strides = array<i32>} : memref<2x128xi32, #tpu.memory_space<vmem>>, vector<1x16xi32>,
      %get3A_300 = vector.shape_cast %get3A_299 : vector<1x16xi32> to vector<16xi32>
      %get3A_301 = arith.index_cast %rem3A_100 : i32 to index
      %get3A_302 = arith.constant 96 : index
      %get3A_303 = tpu.vector_load %arg11[%get3A_301, %get3A_302] {strides = array<i32>} : memref<2x128xf32, #tpu.memory_space<vmem>>, vector<1x16xf32>,
      %get3A_304 = vector.shape_cast %get3A_303 : vector<1x16xf32> to vector<16xf32>
      %get3A_305 = arith.index_cast %rem3A_100 : i32 to index
      %get3A_306 = arith.constant 96 : index
      %get3A_307 = tpu.vector_load %arg12[%get3A_305, %get3A_306] {strides = array<i32>} : memref<2x128xf32, #tpu.memory_space<vmem>>, vector<1x16xf32>,
      %get3A_308 = vector.shape_cast %get3A_307 : vector<1x16xf32> to vector<16xf32>
      %mul3A_309 = arith.mulf %get3A_304, %get3A_308 : vector<16xf32>
      %swap3A_310 = arith.index_cast %rem3A_100 : i32 to index
      %swap3A_311 = arith.constant 96 : index
      %swap3A_312 = tpu.vector_load %arg14[%swap3A_310, %swap3A_311] {strides = array<i32>} : memref<2x128xf32, #tpu.memory_space<vmem>>, vector<1x16xf32>,
      %swap3A_313 = vector.shape_cast %swap3A_312 : vector<1x16xf32> to vector<16xf32>
      %swap3A_314 = vector.shape_cast %mul3A_309 : vector<16xf32> to vector<1x16xf32>
      tpu.vector_store %arg14[%swap3A_310, %swap3A_311], %swap3A_314 {strides = array<i32>} : memref<2x128xf32, #tpu.memory_space<vmem>>, vector<1x16xf32>,
      %add3A_315 = arith.addi %get3A_300, %get3A_296 : vector<16xi32>
      %swap3A_316 = arith.index_cast %rem3A_100 : i32 to index
      %swap3A_317 = arith.constant 96 : index
      %swap3A_318 = tpu.vector_load %arg15[%swap3A_316, %swap3A_317] {strides = array<i32>} : memref<2x128xi32, #tpu.memory_space<vmem>>, vector<1x16xi32>,
      %swap3A_319 = vector.shape_cast %swap3A_318 : vector<1x16xi32> to vector<16xi32>
      %swap3A_320 = vector.shape_cast %add3A_315 : vector<16xi32> to vector<1x16xi32>
      tpu.vector_store %arg15[%swap3A_316, %swap3A_317], %swap3A_320 {strides = array<i32>} : memref<2x128xi32, #tpu.memory_space<vmem>>, vector<1x16xi32>,
      %get3A_321 = arith.index_cast %scan3A_98 : i32 to index
      %get3A_322 = arith.constant 112 : index
      %get3A_323 = tpu.vector_load %arg9[%get3A_321, %get3A_322] {strides = array<i32>} : memref<81x128xi32, #tpu.memory_space<vmem>>, vector<1x16xi32>,
      %get3A_324 = vector.shape_cast %get3A_323 : vector<1x16xi32> to vector<16xi32>
      %get3A_325 = arith.index_cast %rem3A_100 : i32 to index
      %get3A_326 = arith.constant 112 : index
      %get3A_327 = tpu.vector_load %arg13[%get3A_325, %get3A_326] {strides = array<i32>} : memref<2x128xi32, #tpu.memory_space<vmem>>, vector<1x16xi32>,
      %get3A_328 = vector.shape_cast %get3A_327 : vector<1x16xi32> to vector<16xi32>
      %get3A_329 = arith.index_cast %rem3A_100 : i32 to index
      %get3A_330 = arith.constant 112 : index
      %get3A_331 = tpu.vector_load %arg11[%get3A_329, %get3A_330] {strides = array<i32>} : memref<2x128xf32, #tpu.memory_space<vmem>>, vector<1x16xf32>,
      %get3A_332 = vector.shape_cast %get3A_331 : vector<1x16xf32> to vector<16xf32>
      %get3A_333 = arith.index_cast %rem3A_100 : i32 to index
      %get3A_334 = arith.constant 112 : index
      %get3A_335 = tpu.vector_load %arg12[%get3A_333, %get3A_334] {strides = array<i32>} : memref<2x128xf32, #tpu.memory_space<vmem>>, vector<1x16xf32>,
      %get3A_336 = vector.shape_cast %get3A_335 : vector<1x16xf32> to vector<16xf32>
      %mul3A_337 = arith.mulf %get3A_332, %get3A_336 : vector<16xf32>
      %swap3A_338 = arith.index_cast %rem3A_100 : i32 to index
      %swap3A_339 = arith.constant 112 : index
      %swap3A_340 = tpu.vector_load %arg14[%swap3A_338, %swap3A_339] {strides = array<i32>} : memref<2x128xf32, #tpu.memory_space<vmem>>, vector<1x16xf32>,
      %swap3A_341 = vector.shape_cast %swap3A_340 : vector<1x16xf32> to vector<16xf32>
      %swap3A_342 = vector.shape_cast %mul3A_337 : vector<16xf32> to vector<1x16xf32>
      tpu.vector_store %arg14[%swap3A_338, %swap3A_339], %swap3A_342 {strides = array<i32>} : memref<2x128xf32, #tpu.memory_space<vmem>>, vector<1x16xf32>,
      %add3A_343 = arith.addi %get3A_328, %get3A_324 : vector<16xi32>
      %swap3A_344 = arith.index_cast %rem3A_100 : i32 to index
      %swap3A_345 = arith.constant 112 : index
      %swap3A_346 = tpu.vector_load %arg15[%swap3A_344, %swap3A_345] {strides = array<i32>} : memref<2x128xi32, #tpu.memory_space<vmem>>, vector<1x16xi32>,
      %swap3A_347 = vector.shape_cast %swap3A_346 : vector<1x16xi32> to vector<16xi32>
      %swap3A_348 = vector.shape_cast %add3A_343 : vector<16xi32> to vector<1x16xi32>
      tpu.vector_store %arg15[%swap3A_344, %swap3A_345], %swap3A_348 {strides = array<i32>} : memref<2x128xi32, #tpu.memory_space<vmem>>, vector<1x16xi32>,
      %dma_start3A_349 = arith.constant 0 : i32
      %dma_start3A_350 = tpu.memref_slice %arg14[%rem3A_100, %dma_start3A_349] : memref<2x128xf32, #tpu.memory_space<vmem>> -> memref<1x128xf32, #tpu.memory_space<vmem>>
      %dma_start3A_351 = tpu.memref_squeeze %dma_start3A_350 : memref<1x128xf32, #tpu.memory_space<vmem>> -> memref<128xf32, #tpu.memory_space<vmem>>
      %dma_start3A_352 = arith.constant 0 : i32
      %dma_start3A_353 = tpu.memref_slice %arg15[%rem3A_100, %dma_start3A_352] : memref<2x128xi32, #tpu.memory_space<vmem>> -> memref<1x128xi32, #tpu.memory_space<vmem>>
      %dma_start3A_354 = tpu.memref_squeeze %dma_start3A_353 : memref<1x128xi32, #tpu.memory_space<vmem>> -> memref<128xi32, #tpu.memory_space<vmem>>
      %dma_start3A_355 = arith.constant 0 : i32
      %dma_start3A_356 = tpu.memref_slice %arg16[%dma_start3A_355] : memref<1310720xf32, #tpu.memory_space<vmem_shared>> -> memref<1310720xf32, #tpu.memory_space<vmem_shared>>
      tpu.enqueue_indirect_dma source(%dma_start3A_351 : memref<128xf32, #tpu.memory_space<vmem>>) target(%dma_start3A_356 : memref<1310720xf32, #tpu.memory_space<vmem_shared>>) offsets(%dma_start3A_354 : memref<128xi32, #tpu.memory_space<vmem>>) semaphore(%arg18 : memref<!tpu.dma_semaphore, #tpu.memory_space<semaphore_mem>>) {add = true}
      %add3A_357 = arith.constant 2 : i32
      %add3A_358 = arith.addi %scan3A_98, %add3A_357 : i32
      %lt3A = arith.constant 81 : i32
      %lt3A_359 = arith.cmpi slt, %add3A_358, %lt3A : i32
      %convert_element_type3A_360 = arith.extui %lt3A_359 : i1 to i32
      %cond3A_361 = arith.constant 0 : i32
      %cond3A_362 = arith.cmpi ne, %convert_element_type3A_360, %cond3A_361 : i32
      scf.if %cond3A_362 {
        %add3A_364 = arith.constant 2 : i32
        %add3A_365 = arith.addi %scan3A_98, %add3A_364 : i32
        %add3A_366 = arith.constant 2 : i32
        %add3A_367 = arith.addi %scan3A_98, %add3A_366 : i32
        %rem3A_368 = arith.constant 2 : i32
        %rem3A_369 = arith.remsi %add3A_367, %rem3A_368 : i32
        %dma_start3A_370 = arith.constant 0 : i32
        %dma_start3A_371 = tpu.memref_slice %arg11[%rem3A_369, %dma_start3A_370] : memref<2x128xf32, #tpu.memory_space<vmem>> -> memref<1x128xf32, #tpu.memory_space<vmem>>
        %dma_start3A_372 = tpu.memref_squeeze %dma_start3A_371 : memref<1x128xf32, #tpu.memory_space<vmem>> -> memref<128xf32, #tpu.memory_space<vmem>>
        %dma_start3A_373 = arith.constant 0 : i32
        %dma_start3A_374 = tpu.memref_slice %arg9[%add3A_365, %dma_start3A_373] : memref<81x128xi32, #tpu.memory_space<vmem>> -> memref<1x128xi32, #tpu.memory_space<vmem>>
        %dma_start3A_375 = tpu.memref_squeeze %dma_start3A_374 : memref<1x128xi32, #tpu.memory_space<vmem>> -> memref<128xi32, #tpu.memory_space<vmem>>
        %dma_start3A_376 = arith.constant 0 : i32
        %dma_start3A_377 = tpu.memref_slice %arg4[%dma_start3A_376] : memref<10240xf32, #tpu.memory_space<hbm>> -> memref<10240xf32, #tpu.memory_space<hbm>>
        tpu.enqueue_indirect_dma source(%dma_start3A_377 : memref<10240xf32, #tpu.memory_space<hbm>>) target(%dma_start3A_372 : memref<128xf32, #tpu.memory_space<vmem>>) offsets(%dma_start3A_375 : memref<128xi32, #tpu.memory_space<vmem>>) semaphore(%arg17 : memref<!tpu.dma_semaphore, #tpu.memory_space<semaphore_mem>>)
        %dma_start3A_378 = arith.constant 0 : i32
        %dma_start3A_379 = tpu.memref_slice %arg12[%rem3A_369, %dma_start3A_378] : memref<2x128xf32, #tpu.memory_space<vmem>> -> memref<1x128xf32, #tpu.memory_space<vmem>>
        %dma_start3A_380 = tpu.memref_squeeze %dma_start3A_379 : memref<1x128xf32, #tpu.memory_space<vmem>> -> memref<128xf32, #tpu.memory_space<vmem>>
        %dma_start3A_381 = arith.constant 0 : i32
        %dma_start3A_382 = tpu.memref_slice %arg10[%add3A_365, %dma_start3A_381] : memref<81x128xi32, #tpu.memory_space<vmem>> -> memref<1x128xi32, #tpu.memory_space<vmem>>
        %dma_start3A_383 = tpu.memref_squeeze %dma_start3A_382 : memref<1x128xi32, #tpu.memory_space<vmem>> -> memref<128xi32, #tpu.memory_space<vmem>>
        %dma_start3A_384 = arith.constant 0 : i32
        %dma_start3A_385 = tpu.memref_slice %arg5[%dma_start3A_384] : memref<10240xf32, #tpu.memory_space<hbm>> -> memref<10240xf32, #tpu.memory_space<hbm>>
        tpu.enqueue_indirect_dma source(%dma_start3A_385 : memref<10240xf32, #tpu.memory_space<hbm>>) target(%dma_start3A_380 : memref<128xf32, #tpu.memory_space<vmem>>) offsets(%dma_start3A_383 : memref<128xi32, #tpu.memory_space<vmem>>) semaphore(%arg17 : memref<!tpu.dma_semaphore, #tpu.memory_space<semaphore_mem>>)
        %dma_start3A_386 = arith.constant 0 : i32
        %dma_start3A_387 = tpu.memref_slice %arg13[%rem3A_369, %dma_start3A_386] : memref<2x128xi32, #tpu.memory_space<vmem>> -> memref<1x128xi32, #tpu.memory_space<vmem>>
        %dma_start3A_388 = tpu.memref_squeeze %dma_start3A_387 : memref<1x128xi32, #tpu.memory_space<vmem>> -> memref<128xi32, #tpu.memory_space<vmem>>
        %dma_start3A_389 = arith.constant 0 : i32
        %dma_start3A_390 = tpu.memref_slice %arg10[%add3A_365, %dma_start3A_389] : memref<81x128xi32, #tpu.memory_space<vmem>> -> memref<1x128xi32, #tpu.memory_space<vmem>>
        %dma_start3A_391 = tpu.memref_squeeze %dma_start3A_390 : memref<1x128xi32, #tpu.memory_space<vmem>> -> memref<128xi32, #tpu.memory_space<vmem>>
        %dma_start3A_392 = arith.constant 0 : i32
        %dma_start3A_393 = tpu.memref_slice %arg6[%dma_start3A_392] : memref<10240xi32, #tpu.memory_space<hbm>> -> memref<10240xi32, #tpu.memory_space<hbm>>
        tpu.enqueue_indirect_dma source(%dma_start3A_393 : memref<10240xi32, #tpu.memory_space<hbm>>) target(%dma_start3A_388 : memref<128xi32, #tpu.memory_space<vmem>>) offsets(%dma_start3A_391 : memref<128xi32, #tpu.memory_space<vmem>>) semaphore(%arg17 : memref<!tpu.dma_semaphore, #tpu.memory_space<semaphore_mem>>)
      } else {
      }
      %scan3A_363 = arith.constant 0 : i32
      scf.yield %scan3A_363 : i32
    }
    %scan3A_73 = arith.constant 81 : i32
    %dma_wait3A = arith.constant 0 : i32
    %dma_wait3A_74 = arith.constant 0 : i32
    %dma_wait3A_75 = arith.constant 0 : i32
    %dma_wait3A_76 = tpu.memref_slice %arg14[%dma_wait3A, %dma_wait3A_75] : memref<2x128xf32, #tpu.memory_space<vmem>> -> memref<1x128xf32, #tpu.memory_space<vmem>>
    %dma_wait3A_77 = tpu.memref_squeeze %dma_wait3A_76 : memref<1x128xf32, #tpu.memory_space<vmem>> -> memref<128xf32, #tpu.memory_space<vmem>>
    %dma_wait3A_78 = arith.constant 0 : i32
    %dma_wait3A_79 = tpu.memref_slice %arg15[%dma_wait3A_74, %dma_wait3A_78] : memref<2x128xi32, #tpu.memory_space<vmem>> -> memref<1x128xi32, #tpu.memory_space<vmem>>
    %dma_wait3A_80 = tpu.memref_squeeze %dma_wait3A_79 : memref<1x128xi32, #tpu.memory_space<vmem>> -> memref<128xi32, #tpu.memory_space<vmem>>
    %dma_wait3A_81 = arith.constant 0 : i32
    %dma_wait3A_82 = tpu.memref_slice %arg16[%dma_wait3A_81] : memref<1310720xf32, #tpu.memory_space<vmem_shared>> -> memref<1310720xf32, #tpu.memory_space<vmem_shared>>
    tpu.wait_indirect_dma semaphore(%arg18 : memref<!tpu.dma_semaphore, #tpu.memory_space<semaphore_mem>>) src(%dma_wait3A_77 : memref<128xf32, #tpu.memory_space<vmem>>) dst(%dma_wait3A_82 : memref<1310720xf32, #tpu.memory_space<vmem_shared>>)
    %dma_wait3A_83 = arith.constant 1 : i32
    %dma_wait3A_84 = arith.constant 1 : i32
    %dma_wait3A_85 = arith.constant 0 : i32
    %dma_wait3A_86 = tpu.memref_slice %arg14[%dma_wait3A_83, %dma_wait3A_85] : memref<2x128xf32, #tpu.memory_space<vmem>> -> memref<1x128xf32, #tpu.memory_space<vmem>>
    %dma_wait3A_87 = tpu.memref_squeeze %dma_wait3A_86 : memref<1x128xf32, #tpu.memory_space<vmem>> -> memref<128xf32, #tpu.memory_space<vmem>>
    %dma_wait3A_88 = arith.constant 0 : i32
    %dma_wait3A_89 = tpu.memref_slice %arg15[%dma_wait3A_84, %dma_wait3A_88] : memref<2x128xi32, #tpu.memory_space<vmem>> -> memref<1x128xi32, #tpu.memory_space<vmem>>
    %dma_wait3A_90 = tpu.memref_squeeze %dma_wait3A_89 : memref<1x128xi32, #tpu.memory_space<vmem>> -> memref<128xi32, #tpu.memory_space<vmem>>
    %dma_wait3A_91 = arith.constant 0 : i32
    %dma_wait3A_92 = tpu.memref_slice %arg16[%dma_wait3A_91] : memref<1310720xf32, #tpu.memory_space<vmem_shared>> -> memref<1310720xf32, #tpu.memory_space<vmem_shared>>
    tpu.wait_indirect_dma semaphore(%arg18 : memref<!tpu.dma_semaphore, #tpu.memory_space<semaphore_mem>>) src(%dma_wait3A_87 : memref<128xf32, #tpu.memory_space<vmem>>) dst(%dma_wait3A_92 : memref<1310720xf32, #tpu.memory_space<vmem_shared>>)
    %barrier3A_93 = arith.constant 0 : index
    tpu.barrier barrier_id(%barrier3A_93)
    %mul3A_94 = arith.constant 81920 : i32
    %mul3A_95 = arith.muli %arg1, %mul3A_94 : i32
    %mul3A_96 = arith.constant 81920 : i32
    %mul3A_97 = arith.muli %arg1, %mul3A_96 : i32
    "tpu.region"() ({
      %run_scoped3A = tpu.sem_alloc : memref<!tpu.dma_semaphore, #tpu.memory_space<semaphore_mem>>
      %dma_start3A_98 = tpu.memref_slice %arg8[%arg0, %mul3A_97] : memref<2x1310720xf32, #tpu.memory_space<hbm>> -> memref<1x81920xf32, #tpu.memory_space<hbm>>
      %dma_start3A_99 = tpu.memref_squeeze %dma_start3A_98 : memref<1x81920xf32, #tpu.memory_space<hbm>> -> memref<81920xf32, #tpu.memory_space<hbm>>
      %dma_start3A_100 = tpu.memref_slice %arg16[%mul3A_95] : memref<1310720xf32, #tpu.memory_space<vmem_shared>> -> memref<81920xf32, #tpu.memory_space<vmem_shared>>
      tpu.enqueue_dma source(%dma_start3A_100 : memref<81920xf32, #tpu.memory_space<vmem_shared>>) target(%dma_start3A_99 : memref<81920xf32, #tpu.memory_space<hbm>>) target_semaphore(%run_scoped3A : memref<!tpu.dma_semaphore, #tpu.memory_space<semaphore_mem>>)
      %dma_wait3A_101 = tpu.memref_slice %arg8[%arg0, %mul3A_97] : memref<2x1310720xf32, #tpu.memory_space<hbm>> -> memref<1x81920xf32, #tpu.memory_space<hbm>>
      %dma_wait3A_102 = tpu.memref_squeeze %dma_wait3A_101 : memref<1x81920xf32, #tpu.memory_space<hbm>> -> memref<81920xf32, #tpu.memory_space<hbm>>
      %dma_wait3A_103 = tpu.memref_slice %arg16[%mul3A_95] : memref<1310720xf32, #tpu.memory_space<vmem_shared>> -> memref<81920xf32, #tpu.memory_space<vmem_shared>>
      tpu.wait_dma2 semaphore(%run_scoped3A : memref<!tpu.dma_semaphore, #tpu.memory_space<semaphore_mem>>) src(%dma_wait3A_103 : memref<81920xf32, #tpu.memory_space<vmem_shared>>) dst(%dma_wait3A_102 : memref<81920xf32, #tpu.memory_space<hbm>>)
      tpu.yield
    }) : () -> ()
    return
  }
}

module attributes {stable_mosaic.version = 14 : i64} {
  func.func @_k2_body(%arg0: i32, %arg1: memref<512x128xf32, #tpu.memory_space<vmem>>, %arg2: memref<128x128xf32, #tpu.memory_space<vmem>>, %arg3: memref<512x1xf32, #tpu.memory_space<vmem>>, %arg4: memref<512x1xi32, #tpu.memory_space<vmem>>, %arg5: memref<128x1xf32, #tpu.memory_space<vmem>>, %arg6: memref<2x512x64xf32, #tpu.memory_space<vmem>>, %arg7: memref<512x1xf32, #tpu.memory_space<vmem>>) attributes {dimension_semantics = [#tpu.dimension_semantics<arbitrary>], iteration_bounds = array<i64: 20>, scalar_prefetch = 0 : i64, scratch_operands = 0 : i64, tpu.core_type = #tpu.core_type<tc>, window_params = [{transform_indices = @transform_0, window_bounds = array<i64: 512, 128>}, {pipeline_mode = #tpu.pipeline_mode<synchronous>, transform_indices = @transform_1, window_bounds = array<i64: 128, 128>}, {transform_indices = @transform_2, window_bounds = array<i64: 512, 1>}, {transform_indices = @transform_3, window_bounds = array<i64: 512, 1>}, {pipeline_mode = #tpu.pipeline_mode<synchronous>, transform_indices = @transform_4, window_bounds = array<i64: 128, 1>}, {transform_indices = @transform_5, window_bounds = array<i64: 2, 512, 64>}, {transform_indices = @transform_6, window_bounds = array<i64: 512, 1>}]} {
    %get3A = arith.constant 0 : index
    %get3A_0 = arith.constant 0 : index
    %get3A_1 = vector.load %arg1[%get3A, %get3A_0] : memref<512x128xf32, #tpu.memory_space<vmem>>, vector<512x128xf32>
    %get3A_2 = arith.constant 0 : index
    %get3A_3 = arith.constant 0 : index
    %get3A_4 = vector.load %arg2[%get3A_2, %get3A_3] : memref<128x128xf32, #tpu.memory_space<vmem>>, vector<128x128xf32>
    %dot_general3A = arith.constant dense<0.000000e+00> : vector<512x128xf32>
    %dot_general3A_5 = tpu.matmul %get3A_1, %get3A_4, %dot_general3A {dimension_numbers = #tpu.dot_dimension_numbers<[1], [0], [0], [1], [0, 0, 1, 1], [], []>, transpose_lhs_hint = false} : vector<512x128xf32>, vector<128x128xf32>, vector<512x128xf32> -> vector<512x128xf32>
    %get3A_6 = arith.constant 0 : index
    %get3A_7 = arith.constant 0 : index
    %get3A_8 = vector.load %arg3[%get3A_6, %get3A_7] : memref<512x1xf32, #tpu.memory_space<vmem>>, vector<512x1xf32>
    %mul3A = vector.broadcast %get3A_8 : vector<512x1xf32> to vector<512x128xf32>
    %mul3A_9 = arith.mulf %dot_general3A_5, %mul3A : vector<512x128xf32>
    %slice3A = vector.extract_strided_slice %mul3A_9 {offsets = [0, 0], sizes = [512, 64], strides = [1, 1]} : vector<512x128xf32> to vector<512x64xf32>
    %swap3A = arith.constant 0 : index
    %swap3A_10 = arith.constant 0 : index
    %swap3A_11 = arith.constant 0 : index
    %swap3A_12 = vector.load %arg6[%swap3A, %swap3A_10, %swap3A_11] : memref<2x512x64xf32, #tpu.memory_space<vmem>>, vector<1x512x64xf32>
    %swap3A_13 = vector.shape_cast %swap3A_12 : vector<1x512x64xf32> to vector<512x64xf32>
    %swap3A_14 = vector.shape_cast %slice3A : vector<512x64xf32> to vector<1x512x64xf32>
    tpu.vector_store %arg6[%swap3A, %swap3A_10, %swap3A_11], %swap3A_14 {strides = array<i32>} : memref<2x512x64xf32, #tpu.memory_space<vmem>>, vector<1x512x64xf32>,
    %slice3A_15 = vector.extract_strided_slice %mul3A_9 {offsets = [0, 64], sizes = [512, 64], strides = [1, 1]} : vector<512x128xf32> to vector<512x64xf32>
    %swap3A_16 = arith.constant 1 : index
    %swap3A_17 = arith.constant 0 : index
    %swap3A_18 = arith.constant 0 : index
    %swap3A_19 = vector.load %arg6[%swap3A_16, %swap3A_17, %swap3A_18] : memref<2x512x64xf32, #tpu.memory_space<vmem>>, vector<1x512x64xf32>
    %swap3A_20 = vector.shape_cast %swap3A_19 : vector<1x512x64xf32> to vector<512x64xf32>
    %swap3A_21 = vector.shape_cast %slice3A_15 : vector<512x64xf32> to vector<1x512x64xf32>
    tpu.vector_store %arg6[%swap3A_16, %swap3A_17, %swap3A_18], %swap3A_21 {strides = array<i32>} : memref<2x512x64xf32, #tpu.memory_space<vmem>>, vector<1x512x64xf32>,
    %iota3A = tpu.iota {dimensions = array<i32: 1>} : vector<512x128xi32>
    %get3A_22 = arith.constant 0 : index
    %get3A_23 = arith.constant 0 : index
    %get3A_24 = vector.load %arg4[%get3A_22, %get3A_23] : memref<512x1xi32, #tpu.memory_space<vmem>>, vector<512x1xi32>
    %eq3A = vector.broadcast %get3A_24 : vector<512x1xi32> to vector<512x128xi32>
    %eq3A_25 = arith.cmpi eq, %eq3A, %iota3A : vector<512x128xi32>
    %convert_element_type3A = arith.extui %eq3A_25 : vector<512x128xi1> to vector<512x128xi32>
    %convert_element_type3A_26 = arith.sitofp %convert_element_type3A : vector<512x128xi32> to vector<512x128xf32>
    %get3A_27 = arith.constant 0 : index
    %get3A_28 = arith.constant 0 : index
    %get3A_29 = vector.load %arg5[%get3A_27, %get3A_28] : memref<128x1xf32, #tpu.memory_space<vmem>>, vector<128x1xf32>
    %dot_general3A_30 = arith.constant dense<0.000000e+00> : vector<512x1xf32>
    %dot_general3A_31 = tpu.matmul %convert_element_type3A_26, %get3A_29, %dot_general3A_30 {dimension_numbers = #tpu.dot_dimension_numbers<[1], [0], [0], [1], [0, 0, 1, 1], [], []>, transpose_lhs_hint = false} : vector<512x128xf32>, vector<128x1xf32>, vector<512x1xf32> -> vector<512x1xf32>
    %get3A_32 = arith.constant 0 : index
    %get3A_33 = arith.constant 0 : index
    %get3A_34 = vector.load %arg3[%get3A_32, %get3A_33] : memref<512x1xf32, #tpu.memory_space<vmem>>, vector<512x1xf32>
    %mul3A_35 = arith.mulf %get3A_34, %dot_general3A_31 : vector<512x1xf32>
    %swap3A_36 = arith.constant 0 : index
    %swap3A_37 = arith.constant 0 : index
    %swap3A_38 = vector.load %arg7[%swap3A_36, %swap3A_37] : memref<512x1xf32, #tpu.memory_space<vmem>>, vector<512x1xf32>
    tpu.vector_store %arg7[%swap3A_36, %swap3A_37], %mul3A_35 {strides = array<i32>} : memref<512x1xf32, #tpu.memory_space<vmem>>, vector<512x1xf32>,
    return
  }
  func.func @transform_0(%arg0: i32) -> (i32, i32) {
    %c0_i32 = arith.constant 0 : i32
    %c0_i32_0 = arith.constant 0 : i32
    return %arg0, %c0_i32 : i32, i32
  }
  func.func @transform_1(%arg0: i32) -> (i32, i32) {
    %c0_i32 = arith.constant 0 : i32
    %c0_i32_0 = arith.constant 0 : i32
    %c0_i32_1 = arith.constant 0 : i32
    return %c0_i32, %c0_i32_0 : i32, i32
  }
  func.func @transform_2(%arg0: i32) -> (i32, i32) {
    %c0_i32 = arith.constant 0 : i32
    %c0_i32_0 = arith.constant 0 : i32
    return %arg0, %c0_i32 : i32, i32
  }
  func.func @transform_3(%arg0: i32) -> (i32, i32) {
    %c0_i32 = arith.constant 0 : i32
    %c0_i32_0 = arith.constant 0 : i32
    return %arg0, %c0_i32 : i32, i32
  }
  func.func @transform_4(%arg0: i32) -> (i32, i32) {
    %c0_i32 = arith.constant 0 : i32
    %c0_i32_0 = arith.constant 0 : i32
    %c0_i32_1 = arith.constant 0 : i32
    return %c0_i32, %c0_i32_0 : i32, i32
  }
  func.func @transform_5(%arg0: i32) -> (i32, i32, i32) {
    %c0_i32 = arith.constant 0 : i32
    %c0_i32_0 = arith.constant 0 : i32
    %c0_i32_1 = arith.constant 0 : i32
    return %c0_i32, %arg0, %c0_i32_0 : i32, i32, i32
  }
  func.func @transform_6(%arg0: i32) -> (i32, i32) {
    %c0_i32 = arith.constant 0 : i32
    %c0_i32_0 = arith.constant 0 : i32
    return %arg0, %c0_i32 : i32, i32
  }
}

module attributes {stable_mosaic.version = 14 : i64} {
  func.func @_k6_body(%arg0: i32, %arg1: memref<128x1280xf32, #tpu.memory_space<vmem>>, %arg2: memref<128x1280xf32, #tpu.memory_space<vmem>>, %arg3: memref<2x1280x64xf32, #tpu.memory_space<vmem>>, %arg4: memref<2x1280x64xf32, #tpu.memory_space<vmem>>, %arg5: memref<1280x1xf32, #tpu.memory_space<vmem>>, %arg6: memref<1x128xf32, #tpu.memory_space<vmem>>, %arg7: memref<128x128xf32, #tpu.memory_space<vmem>>, %arg8: memref<1x128xf32, #tpu.memory_space<vmem>>, %arg9: memref<128x1xf32, #tpu.memory_space<vmem>>, %arg10: memref<128x1xf32, #tpu.memory_space<vmem>>, %arg11: memref<1x1xf32, #tpu.memory_space<vmem>>, %arg12: memref<128x1xf32, #tpu.memory_space<vmem>>, %arg13: memref<128x128xf32, #tpu.memory_space<vmem>>) attributes {dimension_semantics = [#tpu.dimension_semantics<arbitrary>], iteration_bounds = array<i64: 8>, scalar_prefetch = 0 : i64, scratch_operands = 1 : i64, tpu.core_type = #tpu.core_type<tc>, window_params = [{transform_indices = @transform_0, window_bounds = array<i64: 128, 1280>}, {transform_indices = @transform_1, window_bounds = array<i64: 128, 1280>}, {transform_indices = @transform_2, window_bounds = array<i64: 2, 1280, 64>}, {transform_indices = @transform_3, window_bounds = array<i64: 2, 1280, 64>}, {transform_indices = @transform_4, window_bounds = array<i64: 1280, 1>}, {pipeline_mode = #tpu.pipeline_mode<synchronous>, transform_indices = @transform_5, window_bounds = array<i64: 1, 128>}, {pipeline_mode = #tpu.pipeline_mode<synchronous>, transform_indices = @transform_6, window_bounds = array<i64: 128, 128>}, {pipeline_mode = #tpu.pipeline_mode<synchronous>, transform_indices = @transform_7, window_bounds = array<i64: 1, 128>}, {pipeline_mode = #tpu.pipeline_mode<synchronous>, transform_indices = @transform_8, window_bounds = array<i64: 128, 1>}, {pipeline_mode = #tpu.pipeline_mode<synchronous>, transform_indices = @transform_9, window_bounds = array<i64: 128, 1>}, {pipeline_mode = #tpu.pipeline_mode<synchronous>, transform_indices = @transform_10, window_bounds = array<i64: 1, 1>}, {pipeline_mode = #tpu.pipeline_mode<synchronous>, transform_indices = @transform_11, window_bounds = array<i64: 128, 1>}]} {
    %eq3A = arith.constant 0 : i32
    %eq3A_0 = arith.cmpi eq, %arg0, %eq3A : i32
    %convert_element_type3A = arith.extui %eq3A_0 : i1 to i32
    %cond3A = arith.constant 0 : i32
    %cond3A_1 = arith.cmpi ne, %convert_element_type3A, %cond3A : i32
    scf.if %cond3A_1 {
      %broadcast_in_dim3A = arith.constant 0.000000e+00 : f32
      %broadcast_in_dim3A_52 = vector.broadcast %broadcast_in_dim3A : f32 to vector<128x128xf32>
      %swap3A_53 = arith.constant 0 : index
      %swap3A_54 = arith.constant 0 : index
      %swap3A_55 = vector.load %arg13[%swap3A_53, %swap3A_54] : memref<128x128xf32, #tpu.memory_space<vmem>>, vector<128x128xf32>
      tpu.vector_store %arg13[%swap3A_53, %swap3A_54], %broadcast_in_dim3A_52 {strides = array<i32>} : memref<128x128xf32, #tpu.memory_space<vmem>>, vector<128x128xf32>,
    } else {
    }
    %get3A = arith.constant 0 : index
    %get3A_2 = arith.constant 0 : index
    %get3A_3 = arith.constant 0 : index
    %get3A_4 = vector.load %arg3[%get3A, %get3A_2, %get3A_3] : memref<2x1280x64xf32, #tpu.memory_space<vmem>>, vector<1x1280x64xf32>
    %get3A_5 = vector.shape_cast %get3A_4 : vector<1x1280x64xf32> to vector<1280x64xf32>
    %get3A_6 = arith.constant 1 : index
    %get3A_7 = arith.constant 0 : index
    %get3A_8 = arith.constant 0 : index
    %get3A_9 = vector.load %arg3[%get3A_6, %get3A_7, %get3A_8] : memref<2x1280x64xf32, #tpu.memory_space<vmem>>, vector<1x1280x64xf32>
    %get3A_10 = vector.shape_cast %get3A_9 : vector<1x1280x64xf32> to vector<1280x64xf32>
    %concatenate3A = tpu.concatenate %get3A_5, %get3A_10 in 1 : vector<1280x64xf32>, vector<1280x64xf32> -> vector<1280x128xf32>
    %get3A_11 = arith.constant 0 : index
    %get3A_12 = arith.constant 0 : index
    %get3A_13 = arith.constant 0 : index
    %get3A_14 = vector.load %arg4[%get3A_11, %get3A_12, %get3A_13] : memref<2x1280x64xf32, #tpu.memory_space<vmem>>, vector<1x1280x64xf32>
    %get3A_15 = vector.shape_cast %get3A_14 : vector<1x1280x64xf32> to vector<1280x64xf32>
    %get3A_16 = arith.constant 1 : index
    %get3A_17 = arith.constant 0 : index
    %get3A_18 = arith.constant 0 : index
    %get3A_19 = vector.load %arg4[%get3A_16, %get3A_17, %get3A_18] : memref<2x1280x64xf32, #tpu.memory_space<vmem>>, vector<1x1280x64xf32>
    %get3A_20 = vector.shape_cast %get3A_19 : vector<1x1280x64xf32> to vector<1280x64xf32>
    %concatenate3A_21 = tpu.concatenate %get3A_15, %get3A_20 in 1 : vector<1280x64xf32>, vector<1280x64xf32> -> vector<1280x128xf32>
    %add3A = arith.addf %concatenate3A, %concatenate3A_21 : vector<1280x128xf32>
    %get3A_22 = arith.constant 0 : index
    %get3A_23 = arith.constant 0 : index
    %get3A_24 = vector.load %arg5[%get3A_22, %get3A_23] : memref<1280x1xf32, #tpu.memory_space<vmem>>, vector<1280x1xf32>
    %mul3A = vector.broadcast %get3A_24 : vector<1280x1xf32> to vector<1280x128xf32>
    %mul3A_25 = arith.mulf %add3A, %mul3A : vector<1280x128xf32>
    %get3A_26 = arith.constant 0 : index
    %get3A_27 = arith.constant 0 : index
    %get3A_28 = vector.load %arg6[%get3A_26, %get3A_27] : memref<1x128xf32, #tpu.memory_space<vmem>>, vector<1x128xf32>
    %add3A_29 = vector.broadcast %get3A_28 : vector<1x128xf32> to vector<1280x128xf32>
    %add3A_30 = arith.addf %mul3A_25, %add3A_29 : vector<1280x128xf32>
    %max3A = arith.constant 0.000000e+00 : f32
    %max3A_31 = vector.broadcast %max3A : f32 to vector<1280x128xf32>
    %max3A_32 = arith.maximumf %add3A_30, %max3A_31 : vector<1280x128xf32>
    %get3A_33 = arith.constant 0 : index
    %get3A_34 = arith.constant 0 : index
    %get3A_35 = vector.load %arg13[%get3A_33, %get3A_34] : memref<128x128xf32, #tpu.memory_space<vmem>>, vector<128x128xf32>
    %get3A_36 = arith.constant 0 : index
    %get3A_37 = arith.constant 0 : index
    %get3A_38 = vector.load %arg1[%get3A_36, %get3A_37] : memref<128x1280xf32, #tpu.memory_space<vmem>>, vector<128x1280xf32>
    %get3A_39 = arith.constant 0 : index
    %get3A_40 = arith.constant 0 : index
    %get3A_41 = vector.load %arg2[%get3A_39, %get3A_40] : memref<128x1280xf32, #tpu.memory_space<vmem>>, vector<128x1280xf32>
    %add3A_42 = arith.addf %get3A_38, %get3A_41 : vector<128x1280xf32>
    %dot_general3A = arith.constant dense<0.000000e+00> : vector<128x128xf32>
    %dot_general3A_43 = tpu.matmul %add3A_42, %max3A_32, %dot_general3A {dimension_numbers = #tpu.dot_dimension_numbers<[1], [0], [0], [1], [0, 0, 1, 1], [], []>, transpose_lhs_hint = false} : vector<128x1280xf32>, vector<1280x128xf32>, vector<128x128xf32> -> vector<128x128xf32>
    %add3A_44 = arith.addf %get3A_35, %dot_general3A_43 : vector<128x128xf32>
    %swap3A = arith.constant 0 : index
    %swap3A_45 = arith.constant 0 : index
    %swap3A_46 = vector.load %arg13[%swap3A, %swap3A_45] : memref<128x128xf32, #tpu.memory_space<vmem>>, vector<128x128xf32>
    tpu.vector_store %arg13[%swap3A, %swap3A_45], %add3A_44 {strides = array<i32>} : memref<128x128xf32, #tpu.memory_space<vmem>>, vector<128x128xf32>,
    %eq3A_47 = arith.constant 7 : i32
    %eq3A_48 = arith.cmpi eq, %arg0, %eq3A_47 : i32
    %convert_element_type3A_49 = arith.extui %eq3A_48 : i1 to i32
    %cond3A_50 = arith.constant 0 : i32
    %cond3A_51 = arith.cmpi ne, %convert_element_type3A_49, %cond3A_50 : i32
    scf.if %cond3A_51 {
      %get3A_52 = arith.constant 0 : index
      %get3A_53 = arith.constant 0 : index
      %get3A_54 = vector.load %arg13[%get3A_52, %get3A_53] : memref<128x128xf32, #tpu.memory_space<vmem>>, vector<128x128xf32>
      %get3A_55 = arith.constant 0 : index
      %get3A_56 = arith.constant 0 : index
      %get3A_57 = vector.load %arg7[%get3A_55, %get3A_56] : memref<128x128xf32, #tpu.memory_space<vmem>>, vector<128x128xf32>
      %dot_general3A_58 = arith.constant dense<0.000000e+00> : vector<128x128xf32>
      %dot_general3A_59 = tpu.matmul %get3A_54, %get3A_57, %dot_general3A_58 {dimension_numbers = #tpu.dot_dimension_numbers<[1], [0], [0], [1], [0, 0, 1, 1], [], []>, transpose_lhs_hint = false} : vector<128x128xf32>, vector<128x128xf32>, vector<128x128xf32> -> vector<128x128xf32>
      %get3A_60 = arith.constant 0 : index
      %get3A_61 = arith.constant 0 : index
      %get3A_62 = vector.load %arg8[%get3A_60, %get3A_61] : memref<1x128xf32, #tpu.memory_space<vmem>>, vector<1x128xf32>
      %add3A_63 = vector.broadcast %get3A_62 : vector<1x128xf32> to vector<128x128xf32>
      %add3A_64 = arith.addf %dot_general3A_59, %add3A_63 : vector<128x128xf32>
      %get3A_65 = arith.constant 0 : index
      %get3A_66 = arith.constant 0 : index
      %get3A_67 = vector.load %arg9[%get3A_65, %get3A_66] : memref<128x1xf32, #tpu.memory_space<vmem>>, vector<128x1xf32>
      %mul3A_68 = vector.broadcast %get3A_67 : vector<128x1xf32> to vector<128x128xf32>
      %mul3A_69 = arith.mulf %add3A_64, %mul3A_68 : vector<128x128xf32>
      %max3A_70 = arith.constant 0.000000e+00 : f32
      %max3A_71 = vector.broadcast %max3A_70 : f32 to vector<128x128xf32>
      %max3A_72 = arith.maximumf %mul3A_69, %max3A_71 : vector<128x128xf32>
      %get3A_73 = arith.constant 0 : index
      %get3A_74 = arith.constant 0 : index
      %get3A_75 = vector.load %arg10[%get3A_73, %get3A_74] : memref<128x1xf32, #tpu.memory_space<vmem>>, vector<128x1xf32>
      %dot_general3A_76 = arith.constant dense<0.000000e+00> : vector<128x1xf32>
      %dot_general3A_77 = tpu.matmul %max3A_72, %get3A_75, %dot_general3A_76 {dimension_numbers = #tpu.dot_dimension_numbers<[1], [0], [0], [1], [0, 0, 1, 1], [], []>, transpose_lhs_hint = false} : vector<128x128xf32>, vector<128x1xf32>, vector<128x1xf32> -> vector<128x1xf32>
      %get3A_78 = arith.constant 0 : index
      %get3A_79 = arith.constant 0 : index
      %get3A_80 = vector.load %arg11[%get3A_78, %get3A_79] : memref<1x1xf32, #tpu.memory_space<vmem>>, vector<1x1xf32>
      %add3A_81 = vector.broadcast %get3A_80 : vector<1x1xf32> to vector<128x1xf32>
      %add3A_82 = arith.addf %dot_general3A_77, %add3A_81 : vector<128x1xf32>
      %swap3A_83 = arith.constant 0 : index
      %swap3A_84 = arith.constant 0 : index
      %swap3A_85 = vector.load %arg12[%swap3A_83, %swap3A_84] : memref<128x1xf32, #tpu.memory_space<vmem>>, vector<128x1xf32>
      tpu.vector_store %arg12[%swap3A_83, %swap3A_84], %add3A_82 {strides = array<i32>} : memref<128x1xf32, #tpu.memory_space<vmem>>, vector<128x1xf32>,
    } else {
    }
    return
  }
  func.func @transform_0(%arg0: i32) -> (i32, i32) {
    %c0_i32 = arith.constant 0 : i32
    %c0_i32_0 = arith.constant 0 : i32
    return %c0_i32, %arg0 : i32, i32
  }
  func.func @transform_1(%arg0: i32) -> (i32, i32) {
    %c0_i32 = arith.constant 0 : i32
    %c0_i32_0 = arith.constant 0 : i32
    return %c0_i32, %arg0 : i32, i32
  }
  func.func @transform_2(%arg0: i32) -> (i32, i32, i32) {
    %c0_i32 = arith.constant 0 : i32
    %c0_i32_0 = arith.constant 0 : i32
    %c0_i32_1 = arith.constant 0 : i32
    return %c0_i32, %arg0, %c0_i32_0 : i32, i32, i32
  }
  func.func @transform_3(%arg0: i32) -> (i32, i32, i32) {
    %c0_i32 = arith.constant 0 : i32
    %c0_i32_0 = arith.constant 0 : i32
    %c0_i32_1 = arith.constant 0 : i32
    return %c0_i32, %arg0, %c0_i32_0 : i32, i32, i32
  }
  func.func @transform_4(%arg0: i32) -> (i32, i32) {
    %c0_i32 = arith.constant 0 : i32
    %c0_i32_0 = arith.constant 0 : i32
    return %arg0, %c0_i32 : i32, i32
  }
  func.func @transform_5(%arg0: i32) -> (i32, i32) {
    %c0_i32 = arith.constant 0 : i32
    %c0_i32_0 = arith.constant 0 : i32
    %c0_i32_1 = arith.constant 0 : i32
    return %c0_i32, %c0_i32_0 : i32, i32
  }
  func.func @transform_6(%arg0: i32) -> (i32, i32) {
    %c0_i32 = arith.constant 0 : i32
    %c0_i32_0 = arith.constant 0 : i32
    %c0_i32_1 = arith.constant 0 : i32
    return %c0_i32, %c0_i32_0 : i32, i32
  }
  func.func @transform_7(%arg0: i32) -> (i32, i32) {
    %c0_i32 = arith.constant 0 : i32
    %c0_i32_0 = arith.constant 0 : i32
    %c0_i32_1 = arith.constant 0 : i32
    return %c0_i32, %c0_i32_0 : i32, i32
  }
  func.func @transform_8(%arg0: i32) -> (i32, i32) {
    %c0_i32 = arith.constant 0 : i32
    %c0_i32_0 = arith.constant 0 : i32
    %c0_i32_1 = arith.constant 0 : i32
    return %c0_i32, %c0_i32_0 : i32, i32
  }
  func.func @transform_9(%arg0: i32) -> (i32, i32) {
    %c0_i32 = arith.constant 0 : i32
    %c0_i32_0 = arith.constant 0 : i32
    %c0_i32_1 = arith.constant 0 : i32
    return %c0_i32, %c0_i32_0 : i32, i32
  }
  func.func @transform_10(%arg0: i32) -> (i32, i32) {
    %c0_i32 = arith.constant 0 : i32
    %c0_i32_0 = arith.constant 0 : i32
    %c0_i32_1 = arith.constant 0 : i32
    return %c0_i32, %c0_i32_0 : i32, i32
  }
  func.func @transform_11(%arg0: i32) -> (i32, i32) {
    %c0_i32 = arith.constant 0 : i32
    %c0_i32_0 = arith.constant 0 : i32
    %c0_i32_1 = arith.constant 0 : i32
    return %c0_i32, %c0_i32_0 : i32, i32
  }
}

</mosaic_0001>

<sc_bundles>
// kernel: kernel.10.cloned.1.call-start
scs
__scs_entry_jumppad:
0x0: {  	(pc) =	sbr.rel $0x88, $3  }
0x1: {  	(tag) =	ssettag $0x0;
	lr =	simm.s32 $0x1  }
0x2: {  	[smem:$0x3F98] =	sst lr;
	_ =	strace $0xD0000000  }
0x3: {  	_ = 	snop  }
0x4: {  	_ = 	snop  }
0x5: {  	_ = 	snop  }
0x6: {  	_ = 	snop  }
0x7: {  	_ = 	snop  }
__scs_overlays_trampoline_lowered:
0x8: {  	[smem:$0x3FA7] =	sst s0  }
0x9: {  	[smem:$0x3FA8] =	sst s1  }
0xa: {  	[smem:$0x3FA9] =	sst s2  }
0xb: {  	[smem:$0x3FAA] =	sst s3  }
0xc: {  	[smem:$0x3FAB] =	sst s4  }
0xd: {  	[smem:$0x3FAC] =	sst s5  }
0xe: {  	[smem:$0x3FAD] =	sst s6  }
0xf: {  	[smem:$0x3FAE] =	sst s7  }
0x10: {  	[smem:$0x3FAF] =	sst s8  }
0x11: {  	[smem:$0x3FB0] =	sst s9;
	s0 =	simm.s32 @!p0 $0x0  }
0x12: {  	s1 =	sld [smem:$0x3F96];
	s0 =	simm.s32 @p0 $0x1  }
0x13: {  	[smem:$0x3FB1] =	sst s0;
	s0 =	simm.s32 @!p1 $0x0  }
0x14: {  	s2 =	sld [smem:$0x3F95];
	s0 =	simm.s32 @p1 $0x1  }
0x15: {  	[smem:$0x3FB2] =	sst s0;
	s0 =	simm.s32 @!p2 $0x0  }
0x16: {  	s3 =	sld [smem:$0x3FDB];
	s0 =	simm.s32 @p2 $0x1  }
0x17: {  	s4 =	simm.s32 $0x1BF5;
	[smem:$0x3FB4] =	sst s0  }
0x18: {  	s0 =	sld [smem:$0x3F97];
	_ =	swait.ge [sflag:s4], $0x0  }
0x19: {  	s7 =	sld [smem:$0x3F98]  }
0x1a: {  	s8 =	sadd.s32 $0xFFFFE003, lr  }
0x1b: {  	s9 =	sadd.s32 $0xFFFFFEF7, lr;
	s5 =	simm.s32 $0xFFFFFFFF;
	p2 =	slt.u32 s8, $0xFFFFF086  }
0x1c: {  	p1 =	slt.u32 s9, $0xF7A;
	s5 =	simm.s32 @!p2 $0x0  }
0x1d: {  	s5 =	simm.s32 @p1 $0x1;
	p0 =	seq.s32 s7, s2  }
0x1e: {  	s7 =	smul.u32 @!p0 $0xF7A, s2;
	p2 =	seq.s32 @!p0 s5, $0x0  }
0x1f: {  	s9 =	smul.u32 $0xF7A, s1;
	s8 =	simm.s32 @!p0 $0x1BF5;
	p2 =	por !p2, p0  }
0x20: {  	[sflag:s8] =	ssyncset.s32 @!p0 $0xFFFFF086;
	s6 =	sadd.s32 @!p0 s3, s7;
	s7 =	simm.s32 @!p0 $0x108  }
0x21: {  	s3 =	sadd.s32 s3, s9;
	s6 =	sadd.s32 @!p0 $0x88, s6;
	s7 =	simm.s32 @p2 $0x1082  }
0x22: {  	[simem:s7], [sflag:s8] =	dma.local @!p0 [hbm:s6], $0xF7A  }
0x23: {  	s9 =	sor.u32 $0xD0000000, s2;
	s6 =	simm.s32 $0x108;
	_ =	swait.ge @!p0 [sflag:s8], $0x0  }
0x24: {  	s3 =	sadd.s32 $0x88, s3;
	s6 =	simm.s32 @!p1 $0x1082;
	[sflag:s4] =	ssyncset.s32 $0xFFFFF086  }
0x25: {  	[simem:s6], [sflag:s4] =	dma.local [hbm:s3], $0xF7A  }
0x26: {  	[smem:$0x3F98] =	sst s1;
	(tag) =	ssettag s2;
	_ =	strace s9  }
0x27: {  	s1 =	sld [smem:$0x3FA8]  }
0x28: {  	s2 =	sld [smem:$0x3FA9]  }
0x29: {  	s4 =	sld [smem:$0x3FAB]  }
0x2a: {  	p0 =	seq.s32 s5, $0x0;
	s5 =	sld [smem:$0x3FAC]  }
0x2b: {  	s6 =	sld [smem:$0x3FAD]  }
0x2c: {  	s7 =	sld [smem:$0x3FAE]  }
0x2d: {  	s3 =	simm.s32 $0x108;
	s8 =	sld [smem:$0x3FAF]  }
0x2e: {  	s3 =	simm.s32 @!p0 $0x1082;
	s9 =	sld [smem:$0x3FB0]  }
0x2f: {  	lr =	sadd.s32 s0, s3;
	s0 =	sld [smem:$0x3FA7]  }
0x30: {  	s3 =	sld [smem:$0x3FAA]  }
0x31: {  	[smem:$0x3FB3] =	sst s10  }
0x32: {  	s10 =	sld [smem:$0x3FB1];
	_ =	sdelay $0x3  }
0x33: {  	p0 =	seq.s32 s10, $0x1;
	s10 =	sld [smem:$0x3FB3];
	_ =	sdelay $0x3  }
0x34: {  	[smem:$0x3FB3] =	sst s10  }
0x35: {  	s10 =	sld [smem:$0x3FB2];
	_ =	sdelay $0x3  }
0x36: {  	p1 =	seq.s32 s10, $0x1;
	s10 =	sld [smem:$0x3FB3];
	_ =	sdelay $0x3  }
0x37: {  	[smem:$0x3FB3] =	sst s10  }
0x38: {  	s10 =	sld [smem:$0x3FB4]  }
0x39: {  	_ = 	snop;
	(pc) =	sbr.ind lr, $3  }
0x3a: {  	_ = 	snop  }
0x3b: {  	_ = 	snop  }
0x3c: {  	p2 =	seq.s32 s10, $0x1;
	s10 =	sld [smem:$0x3FB3]  }
0x3d: {  	_ =	shalt  }
0x3e: {  	_ =	shalt  }
0x3f: {  	_ =	shalt  }
0x40: {  	_ =	shalt  }
0x41: {  	_ =	shalt  }
0x42: {  	_ =	shalt  }
0x43: {  	_ =	shalt  }
0x44: {  	_ =	shalt  }
0x45: {  	_ =	shalt  }
0x46: {  	_ =	shalt  }
0x47: {  	_ =	shalt  }
0x48: {  	_ =	shalt  }
0x49: {  	_ =	shalt  }
0x4a: {  	_ =	shalt  }
0x4b: {  	_ =	shalt  }
0x4c: {  	_ =	shalt  }
0x4d: {  	_ =	shalt  }
0x4e: {  	_ =	shalt  }
0x4f: {  	_ =	shalt  }
0x50: {  	_ =	shalt  }
0x51: {  	_ =	shalt  }
0x52: {  	_ =	shalt  }
0x53: {  	_ =	shalt  }
0x54: {  	_ =	shalt  }
0x55: {  	_ =	shalt  }
0x56: {  	_ =	shalt  }
0x57: {  	_ =	shalt  }
0x58: {  	_ =	shalt  }
0x59: {  	_ =	shalt  }
0x5a: {  	_ =	shalt  }
0x5b: {  	_ =	shalt  }
0x5c: {  	_ =	shalt  }
0x5d: {  	_ =	shalt  }
0x5e: {  	_ =	shalt  }
0x5f: {  	_ =	shalt  }
0x60: {  	_ =	shalt  }
0x61: {  	_ =	shalt  }
0x62: {  	_ =	shalt  }
0x63: {  	_ =	shalt  }
0x64: {  	_ =	shalt  }
0x65: {  	_ =	shalt  }
0x66: {  	_ =	shalt  }
0x67: {  	_ =	shalt  }
0x68: {  	_ =	shalt  }
0x69: {  	_ =	shalt  }
0x6a: {  	_ =	shalt  }
0x6b: {  	_ =	shalt  }
0x6c: {  	_ =	shalt  }
0x6d: {  	_ =	shalt  }
0x6e: {  	_ =	shalt  }
0x6f: {  	_ =	shalt  }
0x70: {  	_ =	shalt  }
0x71: {  	_ =	shalt  }
0x72: {  	_ =	shalt  }
0x73: {  	_ =	shalt  }
0x74: {  	_ =	shalt  }
0x75: {  	_ =	shalt  }
0x76: {  	_ =	shalt  }
0x77: {  	_ =	shalt  }
0x78: {  	_ =	shalt  }
0x79: {  	_ =	shalt  }
0x7a: {  	_ =	shalt  }
0x7b: {  	_ =	shalt  }
0x7c: {  	_ =	shalt  }
0x7d: {  	_ =	shalt  }
0x7e: {  	_ =	shalt  }
0x7f: {  	_ =	shalt  }
0x80: {  	_ =	shalt  }
0x81: {  	_ =	shalt  }
0x82: {  	_ =	shalt  }
0x83: {  	_ =	shalt  }
0x84: {  	_ =	shalt  }
0x85: {  	_ =	shalt  }
0x86: {  	_ =	shalt  }
0x87: {  	_ =	shalt  }
.Lfunc_end0:
.L_simem_size_0:
called_computation.1_lowered:
.L_overlay_start_0:
0x88: {  	s2 =	sld [smem:$0x3FD9]  }
0x89: {  	s3 =	sld [smem:$0x3FFE];
	_ =	sdelay $0x1  }
0x8a: {  	s1 =	srdreg.scid  }
0x8b: {  	s0 =	sand.u32 $0x1, s1  }
0x8c: {  	s17 =	sshll.u32 s0, $0xA;
	s2 =	sadd.s32 s3, s2  }
0x8d: {  	s2 =	sadd.s32 s2, s17  }
0x8e: {  	[smem:$0x3FBF] =	sst s2  }
0x8f: {  	_ = 	snop  }
0x90: {  	(tm) =	ssettm $0x1  }
0x91: {  	s18 =	sld [smem:$0x3FFB];
	_ =	sdelay $0x3  }
0x92: {  	_ =	strace s18  }
0x93: {  	s2 =	sld [smem:$0x3FFC];
	_ =	sdelay $0x3  }
0x94: {  	_ =	strace s2  }
0x95: {  	s2 =	sld [smem:$0x3FFD];
	_ =	sdelay $0x3  }
0x96: {  	_ =	strace s2  }
0x97: {  	_ =	strace $0x8FFFFFFF  }
0x98: {  	s19 =	sld [smem:$0x3FDB];
	_ =	sdelay $0x1  }
0x99: {  	s20 =	simm.s32 $_scs_section_size  }
0x9a: {  	s4 =	simm.s32 $_size__tile_overlayer_lowered;
	s5 =	simm.s32 $_tile_overlayer_lowered  }
0x9b: {  	s6 =	simm.s32 $0x1BFF;
	s21 =	sshll.u32 s5, $0x1;
	s3 =	sadd.s32 s20, s19  }
0x9c: {  	s22 =	simm.s32 $0x0;
	s4 =	sshll.u32 s4, $0x1;
	s5 =	sadd.s32 s21, s3  }
0x9d: {  	[timem:s22], [sflag:s6] =	dma.local [hbm:s5], s4  }
0x9e: {  	_ =	swait.ge [sflag:s6], s4  }
0x9f: {  	s4 =	ssub.s32 $0x0, s4;
	[sflag:s6] =	ssyncset.done $0x0  }
0xa0: {  	[sflag:s6] =	ssyncadd.s32 s4;
	_ =	sdelay $0x1  }
0xa1: {  	s23 =	simm.s32 $0x1B8B  }
0xa2: {  	_ =	swait.ge [sflag:s23], $0x1  }
0xa3: {  	[sflag:s23] =	ssyncset.done $0x0  }
0xa4: {  	[sflag:s23] =	ssyncadd.s32 $0xFFFFFFFF  }
0xa5: {  	s4 =	sld [smem:$0x0]  }
0xa6: {  	s5 =	sand.u32 $0xFFFFFFFE, s1  }
0xa7: {  	p0 =	sne.s32 s1, s5  }
0xa8: {  	s5 =	sshll.u32 @p0 s5, $0xE  }
0xa9: {  	s5 =	sadd.s32 @p0 $0x11B8D, s5;
	s6 =	sshll.u32 @p0 s4, $0x11  }
0xaa: {  	s5 =	sor.u32 @p0 s6, s5  }
0xab: {  	[sflag:s5] =	ssyncadd.remote.s32 @p0 $0x1;
	_ =	sdelay $0x1  }
0xac: {  	s5 =	simm.s32 @p0 $0x1B8D  }
0xad: {  	_ =	swait.eq @p0 [sflag:s5], $0x1  }
0xae: {  	[sflag:s5] =	ssyncadd.s32 @p0 $0xFFFFFFFF  }
0xaf: {  	s6 =	sshll.u32 @!p0 s1, $0xE  }
0xb0: {  	s6 =	sor.u32 @!p0 $0x4000, s6;
	s5 =	simm.s32 @!p0 $0x1B8D  }
0xb1: {  	s4 =	sshll.u32 @!p0 s4, $0x11;
	s6 =	sadd.s32 @!p0 $0x11B8D, s6;
	_ =	swait.eq @!p0 [sflag:s5], $0x1  }
0xb2: {  	s4 =	sor.u32 @!p0 s4, s6;
	[sflag:s5] =	ssyncadd.s32 @!p0 $0xFFFFFFFF  }
0xb3: {  	s25 =	simm.s32 $0x1B8E;
	s24 =	sld [smem:$0x3FFE];
	[sflag:s4] =	ssyncadd.remote.s32 @!p0 $0x1  }
0xb4: {  	s26 =	simm.s32 $execute0_lowered;
	[smem:$0x3FD2] =	sst s25  }
0xb5: {  	s5 =	sshll.u32 s26, $0x1;
	_ =	strace $0x8000004C;
	[dreg:$0x1] =	wrdreg $0xFFFFFFFF  }
0xb6: {  	s28 =	simm.s32 $_size_execute0_lowered;
	s3 =	sadd.s32 s3, s5;
	[dreg:$0x0] =	wrdreg $0x0  }
0xb7: {  	s5 =	sshll.u32 s28, $0x1;
	[dreg:$0x2] =	wrdreg s3  }
0xb8: {  	[dreg:$0x3] =	wrdreg s5  }
0xb9: {  	[dreg:$0x4] =	wrdreg $0xC0  }
0xba: {  	_ =	task [dreg:s22], $0x5FFFF  }
0xbb: {  	[dreg:$0x1] =	wrdreg $0xFFFFFFFF  }
0xbc: {  	[dreg:$0x0] =	wrdreg $0x60  }
0xbd: {  	[dreg:$0x2] =	wrdreg s24  }
0xbe: {  	[dreg:$0x3] =	wrdreg $0x11E000  }
0xbf: {  	[dreg:$0x4] =	wrdreg $0x9  }
0xc0: {  	_ =	task.clear_ibuf [dreg:s22], $0x5FFFF;
	_ =	strace $0x9000004C  }
0xc1: {  	s29 =	simm.s32 $0x9;
	_ =	strace $0x8000004E  }
0xc2: {  	_ =	swait.ge [sflag:s29], $0x1  }
0xc3: {  	[sflag:s29] =	ssyncadd.s32 $0xFFFFFFFF  }
0xc4: {  	_ =	strace $0x9000004E  }
0xc5: {  	_ =	sfence  }
0xc6: {  	s30 =	sld [smem:$0x0];
	_ =	sdelay $0x2  }
0xc7: {  	s31 =	sshll.u32 s1, $0xD;
	s1 =	sshrl.u32 s1, $0x2  }
0xc8: {  	s4 =	sand.u32 $0x4000, s31;
	s1 =	sadd.s32 s1, s30  }
0xc9: {  	s0 =	sor.u32 s4, s0;
	s1 =	sshll.u32 s1, $0x11  }
0xca: {  	s0 =	sor.u32 s1, s0  }
0xcb: {  	s0 =	sadd.s32 $0x8F2B, s0  }
0xcc: {  	[sflag:s0] =	ssyncadd.remote.s32 $0x1  }
0xcd: {  	_ =	sfence.sel $0xFFFF  }
0xce: {  	[dreg:$0x0] =	wrdreg $0xFFFFFFFF;
	(pc) =	sbr.abs _section_cstart, $3  }
0xcf: {  	[dreg:$0x1] =	wrdreg $0xFFFFFFFF  }
0xd0: {  	_ =	task.clear_ibuf [dreg:s22], $0x2FFFF;
	_ =	strace $0x9FFFFFFF  }
0xd1: {  	(tm) =	ssettm $0x7FFFFFFF  }
tec
execute0_lowered:
.L_overlay_start_1:
0x0: {  	(tag) =	ssettag $0x1  }
0x1: {  	s6 =	rddreg [dreg:$0x0]  }
0x2: {  	s2 =	rddreg [dreg:$0x1]  }
0x3: {  	s1 =	stileid.u32;
	s5 =	srdreg.scid;
	s3 =	simm.s32 $0x0  }
0x4: {  	s14 =	simm.s32 $0x80;
	s15 =	simm.s32 $0x9E00;
	s16 =	simm.s32 $0xBE00  }
0x5: {  	s17 =	simm.s32 $0x100;
	s18 =	simm.s32 $0xDE00;
	s19 =	simm.s32 $0x1  }
0x6: {  	s20 =	simm.s32 $0x180;
	s22 =	simm.s32 $0x2;
	s4 =	smul.u32 $0x9E0, s1  }
0x7: {  	s23 =	simm.s32 $0x0;
	s7 =	sand.u32 $0x1, s5;
	s8 =	smul.u32 $0xA000, s1  }
0x8: {  	[smem:$0x7FF] =	sst s3;
	s31 =	sshll.u32 s1, $0x6;
	s5 =	smul.u32 $0xA0000, s7  }
0x9: {  	_ =	strace $0x8000004D;
	s10 =	ssub.s32 $0x2, s7;
	s21 =	smul.u32 $0x2800, s7  }
0xa: {  	s9 =	sadd.s32 s4, s6;
	s4 =	sadd.s32 $0xCE600, s6;
	s12 =	sshrl.u32 s10, $0x1  }
0xb: {  	s13 =	sadd.s32 s8, s2;
	s5 =	sadd.s32 s8, s5;
	s10 =	ssub.s32 s10, s12  }
0xc: {  	s7 =	sadd.s32 $0xBAA00, s9;
	s12 =	sor.u32 $0x1C03, s31;
	s13 =	sshrl.u32 s13, $0x3  }
0xd: {  	v0 =	vmov s21;
	s21 =	simm.s32 $0xFE00;
	s11 =	sshrl.u32 s5, $0x3;
	s5 =	sadd.s32 $0xD400, s6  }
0xe: {  	s11 =	sadd.s32 s11, s6;
	s6 =	sadd.s32 $0xC4800, s9;
	s9 =	smax.u32 s10, $0x1  }
0xf: {  	s10 =	simm.s32 $0x3;
	s8 =	sadd.s32 $0xF6600, s11;
	s11 =	simm.s32 $0x4F00  }
.LBB2_1:
0x10: {  	[tilespmem:s3], [sflag:$0x3] =	stream.linear.gather [hbm4b:s6+s3], $0x4F00, $0x38;
	[tilespmem:$0x1BE00] =	vst v63  }
0x11: {  	_ =	swait.ge [sflag:s10], $0x4F00  }
0x12: {  	[sflag:s10] =	ssyncset.done $0x0  }
0x13: {  	[sflag:s10] =	ssyncadd.s32 $0xFFFFB100  }
0x14: {  	[tilespmem:s11], [sflag:$0x3] =	stream.linear.gather [hbm4b:s7+s3], $0x4F00, $0x38;
	[tilespmem:$0x1BE00] =	vst v63  }
0x15: {  	p0 =	por $0x0, $0x0;
	s24 =	simm.s32 $0x7FFFB1;
	_ =	swait.ge [sflag:s10], $0x4F00  }
0x16: {  	s24 =	simm.s32 @!p0 $0x0;
	[sflag:s10] =	ssyncset.done $0x0  }
0x17: {  	s24 =	sadd.s32 $0x0, s24;
	[sflag:s10] =	ssyncadd.s32 $0xFFFFB100  }
0x18: {  	[spmem:s13], [sflag:s12] =	dma.local [hbm:s5], $0x1400  }
0x19: {  	s25 =	simm.s32 $0x2780;
	s24 =	sshll.u32 s24, $0x9;
	_ =	swait.ge [sflag:s10], $0x1400  }
0x1a: {  	s25 =	simm.s32 @!p0 $0x0;
	s24 =	sshra.s32 s24, $0x2;
	[sflag:s10] =	ssyncset.done $0x0  }
0x1b: {  	s24 =	sadd.s32 s24, s25;
	[sflag:s10] =	ssyncadd.s32 $0xFFFFEC00  }
0x1c: {  	v1 =	vld [tilespmem:s24+$0x0]  }
0x1d: {  	v2 =	vld [tilespmem:s24+$0x10]  }
0x1e: {  	v5 =	vld [tilespmem:s24+$0x30]  }
0x1f: {  	p0 =	por $0x0, $0x0;
	s25 =	simm.s32 $0x7FFFB1;
	v4 =	vld [tilespmem:s24+$0x20]  }
0x20: {  	s25 =	simm.s32 @!p0 $0x0  }
0x21: {  	s25 =	sadd.s32 $0x1, s25;
	v6 =	vld [tilespmem:s24+$0x40]  }
0x22: {  	s26 =	simm.s32 $0x2780;
	s25 =	sshll.u32 s25, $0x9;
	v3 =	vld [tilespmem:s24+$0x50];
	v1 =	vadd.s32 v0, v1  }
0x23: {  	s26 =	simm.s32 @!p0 $0x0;
	s25 =	sshra.s32 s25, $0x2;
	v7 =	vadd.s32 v0, v5;
	v5 =	vld [tilespmem:s24+$0x70];
	[tilespmem:s24+$0x0] =	vst v1;
	v1 =	vadd.s32 v0, v2  }
0x24: {  	s25 =	sadd.s32 s25, s26;
	[tilespmem:s24+$0x10] =	vst v1;
	v1 =	vadd.s32 v0, v4;
	v4 =	vld [tilespmem:s24+$0x60]  }
0x25: {  	v2 =	vld [tilespmem:s25+$0x0];
	[tilespmem:s24+$0x20] =	vst v1  }
0x26: {  	s26 =	simm.s32 $0x2;
	v6 =	vadd.s32 v0, v6;
	v1 =	vld [tilespmem:s25+$0x10];
	[tilespmem:s24+$0x30] =	vst v7  }
.LBB2_2:
0x27: {  	p1 =	sgt.u32 s26, $0x4E;
	s28 =	simm.s32 $0x7FFFB1  }
0x28: {  	p0 =	sne.s32 s26, $0x9D;
	v7 =	vld [tilespmem:s25+$0x20];
	[tilespmem:s24+$0x40] =	vst v6;
	v3 =	vadd.s32 v0, v3;
	s28 =	simm.s32 @!p1 $0x0  }
0x29: {  	v6 =	vld [tilespmem:s25+$0x30];
	[tilespmem:s24+$0x50] =	vst v3;
	v3 =	vadd.s32 v0, v4;
	s28 =	sadd.s32 s26, s28  }
0x2a: {  	v8 =	vld [tilespmem:s25+$0x40];
	[tilespmem:s24+$0x60] =	vst v3;
	v4 =	vadd.s32 v0, v5;
	s28 =	sshll.u32 s28, $0x9  }
.Ltmp0:
0x2b: {  	v2 =	vadd.s32 v0, v2;
	v3 =	vld [tilespmem:s25+$0x50];
	[tilespmem:s24+$0x70] =	vst v4;
	s24 =	smov.u32 s25;
	s25 =	simm.s32 $0x2780;
	(pc) =	sbr.rel @p0 .LBB2_2-.Ltmp0, $4  }
0x2c: {  	s25 =	simm.s32 @!p1 $0x0;
	s28 =	sshra.s32 s28, $0x2;
	[tilespmem:s24+$0x0] =	vst v2;
	v1 =	vadd.s32 v0, v1;
	v4 =	vld [tilespmem:s24+$0x60]  }
0x2d: {  	s25 =	sadd.s32 s28, s25;
	[tilespmem:s24+$0x10] =	vst v1;
	v1 =	vadd.s32 v0, v7;
	v5 =	vld [tilespmem:s24+$0x70]  }
0x2e: {  	v2 =	vld [tilespmem:s25+$0x0];
	[tilespmem:s24+$0x20] =	vst v1;
	v6 =	vadd.s32 v0, v6  }
0x2f: {  	s26 =	sadd.s32 $0x1, s26;
	v1 =	vld [tilespmem:s25+$0x10];
	[tilespmem:s24+$0x30] =	vst v6;
	v6 =	vadd.s32 v0, v8  }
0x30: {  	v7 =	vld [tilespmem:s25+$0x20];
	[tilespmem:s24+$0x40] =	vst v6;
	v3 =	vadd.s32 v0, v3  }
0x31: {  	v6 =	vld [tilespmem:s25+$0x30];
	[tilespmem:s24+$0x50] =	vst v3;
	v3 =	vadd.s32 v0, v4  }
0x32: {  	v62 =	vld [tilespmem:s25+$0x40];
	[tilespmem:s24+$0x60] =	vst v3;
	v3 =	vadd.s32 v0, v5  }
0x33: {  	v63 =	vld [tilespmem:s25+$0x50];
	v2 =	vadd.s32 v0, v2;
	[tilespmem:s24+$0x70] =	vst v3  }
0x34: {  	[tilespmem:s25+$0x0] =	vst v2;
	v1 =	vadd.s32 v0, v1;
	v2 =	vld [tilespmem:s25+$0x60]  }
0x35: {  	v3 =	vld [tilespmem:s25+$0x70];
	[tilespmem:s25+$0x10] =	vst v1;
	v1 =	vadd.s32 v0, v7  }
0x36: {  	[tilespmem:s25+$0x20] =	vst v1;
	v1 =	vadd.s32 v0, v6  }
0x37: {  	[tilespmem:s25+$0x30] =	vst v1;
	v1 =	vadd.s32 v0, v62  }
0x38: {  	[tilespmem:s25+$0x40] =	vst v1;
	v1 =	vadd.s32 v0, v63  }
0x39: {  	[tilespmem:s25+$0x50] =	vst v1;
	v1 =	vadd.s32 v0, v2  }
0x3a: {  	[tilespmem:s25+$0x60] =	vst v1;
	v1 =	vadd.s32 v0, v3  }
0x3b: {  	s26 =	simm.s32 $0x20000;
	p0 =	por $0x0, $0x0;
	[tilespmem:s25+$0x70] =	vst v1  }
0x3c: {  	s28 =	simm.s32 $0x7FFFB1;
	s29 =	simm.s32 $0x2780;
	[bflag:$0x0] =	sbarrier.arrive $0xFFFF  }
0x3d: {  	[tilespmem:s15], [sflag:$0x1] =	stream.indirect.gather [hbm4b:s4+s14], $0x40, s3, s14, $0xb8;
	[tilespmem:$0x1BE00] =	vst v63  }
0x3e: {  	s30 =	simm.s32 $0x8000;
	s28 =	simm.s32 @!p0 $0x0;
	s29 =	simm.s32 @!p0 $0x0  }
0x3f: {  	[tilespmem:s16], [sflag:$0x1] =	stream.indirect.gather [hbm4b:s4+s14], $0x40, s14, s14, $0xb8;
	[tilespmem:$0x1BE00] =	vst v63  }
0x40: {  	s30 =	sand.u32 $0x18000, s30;
	p0 =	por $0x0, $0x0;
	s28 =	sadd.s32 $0x4, s28  }
0x41: {  	[tilespmem:s18], [sflag:$0x1] =	stream.indirect.gather [hbm4b:s4+s14], $0x40, s17, s14, $0xb8;
	[tilespmem:$0x1BE00] =	vst v63  }
0x42: {  	s30 =	sshrl.u32 s30, $0x2;
	p1 =	por @!p0 $0x0, $0x0;
	_ =	swait.ge [sflag:s19], $0x2000  }
0x43: {  	s26 =	sand.u32 @!p0 $0x18000, s26;
	s28 =	sshll.u32 s28, $0x9;
	[sflag:s19] =	ssyncset.done $0x0  }
0x44: {  	s31 =	simm.s32 @!p0 $0x7FFFB1;
	s28 =	sadd.s32 $0xFFFFFA00, s28;
	[sflag:s19] =	ssyncadd.s32 $0xFFFFE000  }
0x45: {  	[spmem:s2] =	stream.indirect.scatter.add.f32 [tilespmem:s15], [sflag:$0x2], $0x40, s11, s14, $0xb8;
	[tilespmem:$0x1BE00] =	vst v63  }
0x46: {  	s24 =	simm.s32 $0x5;
	p1 =	por !p1, p0;
	s28 =	sshra.s32 s28, $0x2  }
0x47: {  	[tilespmem:s21], [sflag:$0x1] =	stream.indirect.gather [hbm4b:s4+s14], $0x40, s20, s14, $0xb8;
	[tilespmem:$0x1BE00] =	vst v63  }
0x48: {  	s28 =	sadd.s32 s28, s29;
	s29 =	sor.u32 $0x9E00, s30;
	_ =	swait.ge [sflag:s19], $0x2000  }
0x49: {  	s30 =	sadd.s32 $0x4F00, s28;
	s28 =	simm.s32 @!p0 $0x2780;
	[sflag:s19] =	ssyncset.done $0x0  }
0x4a: {  	s31 =	simm.s32 @p1 $0x0;
	s28 =	simm.s32 @p1 $0x0;
	[sflag:s19] =	ssyncadd.s32 $0xFFFFE000  }
0x4b: {  	[spmem:s2] =	stream.indirect.scatter.add.f32 [tilespmem:s29], [sflag:$0x2], $0x40, s30, s14, $0xb8;
	[tilespmem:$0x1BE00] =	vst v63  }
0x4c: {  	s25 =	simm.s32 $0x28000;
	s29 =	sadd.s32 @!p0 $0x4, s31;
	_ =	swait.ge [sflag:s22], $0x2000  }
0x4d: {  	s30 =	sshll.u32 @!p0 s29, $0x9;
	s29 =	simm.s32 @!p0 $0x80;
	[sflag:s22] =	ssyncset.done $0x0  }
.LBB2_4:
0x4e: {  	[sflag:s22] =	ssyncadd.s32 $0xFFFFE000;
	s26 =	sshrl.u32 @!p0 s26, $0x2  }
0x4f: {  	s30 =	sshra.s32 @!p0 s30, $0x2;
	s31 =	smov.u32 s24;
	s0 =	smov.u32 s25  }
0x50: {  	s24 =	sadd.s32 $0x1, s24;
	s26 =	sor.u32 @!p0 $0x9E00, s26;
	s28 =	sadd.s32 @!p0 s30, s28  }
0x51: {  	[tilespmem:s26], [sflag:$0x1] =	stream.indirect.gather @!p0 [hbm4b:s4+s29], $0x40, s28, s29, $0xb8;
	[tilespmem:$0x1BE00] =	vst v63  }
0x52: {  	p1 =	sne.s32 s24, $0xA1;
	s26 =	sadd.s32 $0xFFFFFFFD, s31  }
0x53: {  	s25 =	sadd.s32 $0x8000, s25;
	s28 =	simm.s32 $0x7FFFB1;
	p0 =	sgt.u32 s26, $0x4E  }
0x54: {  	s30 =	simm.s32 $0x2780;
	s29 =	sadd.s32 $0xFFFE8000, s0;
	s28 =	simm.s32 @!p0 $0x0  }
0x55: {  	s29 =	sand.u32 $0x18000, s29;
	s30 =	simm.s32 @!p0 $0x0;
	s28 =	sadd.s32 s31, s28  }
0x56: {  	p0 =	sgt.u32 s26, $0x9A;
	s28 =	sshll.u32 s28, $0x9;
	_ =	swait.ge [sflag:s19], $0x2000  }
0x57: {  	s29 =	sshrl.u32 s29, $0x2;
	p2 =	sgt.u32 @!p0 s26, $0x4B;
	s28 =	sadd.s32 $0xFFFFFA00, s28  }
0x58: {  	s26 =	sand.u32 @!p0 $0x18000, s0;
	s28 =	sshra.s32 s28, $0x2;
	[sflag:s19] =	ssyncset.done $0x0  }
0x59: {  	s0 =	sor.u32 $0x9E00, s29;
	p2 =	por !p2, p0;
	s28 =	sadd.s32 s28, s30  }
.Ltmp1:
0x5a: {  	s30 =	simm.s32 @!p0 $0x7FFFB1;
	s29 =	sadd.s32 $0x4F00, s28;
	(pc) =	sbr.rel @p1 .LBB2_4-.Ltmp1, $4  }
0x5b: {  	s30 =	simm.s32 @p2 $0x0;
	s28 =	simm.s32 @!p0 $0x2780;
	[sflag:s19] =	ssyncadd.s32 $0xFFFFE000  }
0x5c: {  	[spmem:s2] =	stream.indirect.scatter.add.f32 [tilespmem:s0], [sflag:$0x2], $0x40, s29, s14, $0xb8;
	[tilespmem:$0x1BE00] =	vst v63  }
0x5d: {  	s28 =	simm.s32 @p2 $0x0;
	s0 =	sadd.s32 @!p0 s31, s30;
	_ =	swait.ge [sflag:s22], $0x2000  }
0x5e: {  	s29 =	simm.s32 @!p0 $0x80;
	s30 =	sshll.u32 @!p0 s0, $0x9;
	[sflag:s22] =	ssyncset.done $0x0  }
0x5f: {  	s0 =	sshrl.u32 @!p0 s26, $0x2;
	s24 =	sshra.s32 @!p0 s30, $0x2  }
0x60: {  	[sflag:s22] =	ssyncadd.s32 $0xFFFFE000;
	s0 =	sor.u32 @!p0 $0x9E00, s0;
	s24 =	sadd.s32 @!p0 s24, s28  }
0x61: {  	[tilespmem:s0], [sflag:$0x1] =	stream.indirect.gather @!p0 [hbm4b:s4+s29], $0x40, s24, s29, $0xb8;
	[tilespmem:$0x1BE00] =	vst v63  }
0x62: {  	_ =	swait.ge [sflag:s22], $0x2000  }
0x63: {  	s23 =	sadd.s32 $0x1, s23;
	[sflag:s22] =	ssyncset.done $0x0  }
0x64: {  	p0 =	sne.s32 s23, s9;
	[sflag:s22] =	ssyncadd.s32 $0xFFFFE000  }
.Ltmp2:
0x65: {  	[bflag:$0x0] =	sbarrier.arrive $0xFFFF;
	(pc) =	sbr.rel @p0 .LBB2_1-.Ltmp2, $4  }
0x66: {  	[hbm:s8], [sflag:s12] =	dma.local [spmem:s13], $0x1400  }
0x67: {  	_ =	swait.ge [sflag:s10], $0x1400  }
0x68: {  	[sflag:s10] =	ssyncset.done $0x0  }
0x69: {  	[sflag:s10] =	ssyncadd.s32 $0xFFFFEC00  }
0x6a: {  	_ =	sfence.sel $0x180000  }
0x6b: {  	[bflag:$0x0] =	sbarrier.arrive $0xFFFF  }
0x6c: {  	_ =	strace $0x9000004D  }
0x6d: {  	[bflag:$0x2] =	sbarrier.arrive $0xFFFF  }
0x6e: {  	p0 =	sne.s32 s1, $0x0;
	s0 =	rddreg [dreg:$0x2]  }
0x6f: {  	s0 =	sadd.s32 @!p0 $0x100000, s0  }
0x70: {  	[sflag:s0] =	ssyncadd.tile.s32 @!p0 $0x1;
	_ =	shalt  }
.Lfunc_end2:
_tile_overlayer_lowered:
.L_overlay_start_2:
0x71: {  	(tag) =	ssettag $0x2  }
0x72: {  	s0 =	rddreg [dreg:$0x0];
	s2 =	stileid.u32  }
0x73: {  	s1 =	rddreg [dreg:$0x1];
	p0 =	sne.s32 s2, $0x0  }
0x74: {  	s3 =	rddreg [dreg:$0x2];
	[bflag:$0x3] =	sbarrier.arrive $0xFFFF;
	s2 =	simm.s32 @!p0 $0x1C03  }
0x75: {  	[timem:s3], [sflag:s2] =	dma.local @!p0 [hbm:s0], s1  }
0x76: {  	s0 =	simm.s32 @!p0 $0x3  }
0x77: {  	_ =	swait.ge @!p0 [sflag:s0], s1  }
0x78: {  	s1 =	ssub.s32 @!p0 $0x0, s1;
	[sflag:s0] =	ssyncset.done @!p0 $0x0  }
0x79: {  	[sflag:s0] =	ssyncadd.s32 @!p0 s1  }
0x7a: {  	[bflag:$0x3] =	sbarrier.arrive $0xFFFF  }
0x7b: {  	_ =	shalt  }

// kernel: kernel.13.cloned.1.call-start
scs
__scs_entry_jumppad:
0x0: {  	(pc) =	sbr.rel $0x88, $3  }
0x1: {  	(tag) =	ssettag $0x0;
	lr =	simm.s32 $0x1  }
0x2: {  	[smem:$0x3F98] =	sst lr;
	_ =	strace $0xD0000000  }
0x3: {  	_ = 	snop  }
0x4: {  	_ = 	snop  }
0x5: {  	_ = 	snop  }
0x6: {  	_ = 	snop  }
0x7: {  	_ = 	snop  }
__scs_overlays_trampoline_lowered:
0x8: {  	[smem:$0x3FA7] =	sst s0  }
0x9: {  	[smem:$0x3FA8] =	sst s1  }
0xa: {  	[smem:$0x3FA9] =	sst s2  }
0xb: {  	[smem:$0x3FAA] =	sst s3  }
0xc: {  	[smem:$0x3FAB] =	sst s4  }
0xd: {  	[smem:$0x3FAC] =	sst s5  }
0xe: {  	[smem:$0x3FAD] =	sst s6  }
0xf: {  	[smem:$0x3FAE] =	sst s7  }
0x10: {  	[smem:$0x3FAF] =	sst s8  }
0x11: {  	[smem:$0x3FB0] =	sst s9;
	s0 =	simm.s32 @!p0 $0x0  }
0x12: {  	s1 =	sld [smem:$0x3F96];
	s0 =	simm.s32 @p0 $0x1  }
0x13: {  	[smem:$0x3FB1] =	sst s0;
	s0 =	simm.s32 @!p1 $0x0  }
0x14: {  	s2 =	sld [smem:$0x3F95];
	s0 =	simm.s32 @p1 $0x1  }
0x15: {  	[smem:$0x3FB2] =	sst s0;
	s0 =	simm.s32 @!p2 $0x0  }
0x16: {  	s3 =	sld [smem:$0x3FDB];
	s0 =	simm.s32 @p2 $0x1  }
0x17: {  	s4 =	simm.s32 $0x1BF5;
	[smem:$0x3FB4] =	sst s0  }
0x18: {  	s0 =	sld [smem:$0x3F97];
	_ =	swait.ge [sflag:s4], $0x0  }
0x19: {  	s7 =	sld [smem:$0x3F98]  }
0x1a: {  	s8 =	sadd.s32 $0xFFFFE003, lr  }
0x1b: {  	s9 =	sadd.s32 $0xFFFFFEF7, lr;
	s5 =	simm.s32 $0xFFFFFFFF;
	p2 =	slt.u32 s8, $0xFFFFF086  }
0x1c: {  	p1 =	slt.u32 s9, $0xF7A;
	s5 =	simm.s32 @!p2 $0x0  }
0x1d: {  	s5 =	simm.s32 @p1 $0x1;
	p0 =	seq.s32 s7, s2  }
0x1e: {  	s7 =	smul.u32 @!p0 $0xF7A, s2;
	p2 =	seq.s32 @!p0 s5, $0x0  }
0x1f: {  	s9 =	smul.u32 $0xF7A, s1;
	s8 =	simm.s32 @!p0 $0x1BF5;
	p2 =	por !p2, p0  }
0x20: {  	[sflag:s8] =	ssyncset.s32 @!p0 $0xFFFFF086;
	s6 =	sadd.s32 @!p0 s3, s7;
	s7 =	simm.s32 @!p0 $0x108  }
0x21: {  	s3 =	sadd.s32 s3, s9;
	s6 =	sadd.s32 @!p0 $0x88, s6;
	s7 =	simm.s32 @p2 $0x1082  }
0x22: {  	[simem:s7], [sflag:s8] =	dma.local @!p0 [hbm:s6], $0xF7A  }
0x23: {  	s9 =	sor.u32 $0xD0000000, s2;
	s6 =	simm.s32 $0x108;
	_ =	swait.ge @!p0 [sflag:s8], $0x0  }
0x24: {  	s3 =	sadd.s32 $0x88, s3;
	s6 =	simm.s32 @!p1 $0x1082;
	[sflag:s4] =	ssyncset.s32 $0xFFFFF086  }
0x25: {  	[simem:s6], [sflag:s4] =	dma.local [hbm:s3], $0xF7A  }
0x26: {  	[smem:$0x3F98] =	sst s1;
	(tag) =	ssettag s2;
	_ =	strace s9  }
0x27: {  	s1 =	sld [smem:$0x3FA8]  }
0x28: {  	s2 =	sld [smem:$0x3FA9]  }
0x29: {  	s4 =	sld [smem:$0x3FAB]  }
0x2a: {  	p0 =	seq.s32 s5, $0x0;
	s5 =	sld [smem:$0x3FAC]  }
0x2b: {  	s6 =	sld [smem:$0x3FAD]  }
0x2c: {  	s7 =	sld [smem:$0x3FAE]  }
0x2d: {  	s3 =	simm.s32 $0x108;
	s8 =	sld [smem:$0x3FAF]  }
0x2e: {  	s3 =	simm.s32 @!p0 $0x1082;
	s9 =	sld [smem:$0x3FB0]  }
0x2f: {  	lr =	sadd.s32 s0, s3;
	s0 =	sld [smem:$0x3FA7]  }
0x30: {  	s3 =	sld [smem:$0x3FAA]  }
0x31: {  	[smem:$0x3FB3] =	sst s10  }
0x32: {  	s10 =	sld [smem:$0x3FB1];
	_ =	sdelay $0x3  }
0x33: {  	p0 =	seq.s32 s10, $0x1;
	s10 =	sld [smem:$0x3FB3];
	_ =	sdelay $0x3  }
0x34: {  	[smem:$0x3FB3] =	sst s10  }
0x35: {  	s10 =	sld [smem:$0x3FB2];
	_ =	sdelay $0x3  }
0x36: {  	p1 =	seq.s32 s10, $0x1;
	s10 =	sld [smem:$0x3FB3];
	_ =	sdelay $0x3  }
0x37: {  	[smem:$0x3FB3] =	sst s10  }
0x38: {  	s10 =	sld [smem:$0x3FB4]  }
0x39: {  	_ = 	snop;
	(pc) =	sbr.ind lr, $3  }
0x3a: {  	_ = 	snop  }
0x3b: {  	_ = 	snop  }
0x3c: {  	p2 =	seq.s32 s10, $0x1;
	s10 =	sld [smem:$0x3FB3]  }
0x3d: {  	_ =	shalt  }
0x3e: {  	_ =	shalt  }
0x3f: {  	_ =	shalt  }
0x40: {  	_ =	shalt  }
0x41: {  	_ =	shalt  }
0x42: {  	_ =	shalt  }
0x43: {  	_ =	shalt  }
0x44: {  	_ =	shalt  }
0x45: {  	_ =	shalt  }
0x46: {  	_ =	shalt  }
0x47: {  	_ =	shalt  }
0x48: {  	_ =	shalt  }
0x49: {  	_ =	shalt  }
0x4a: {  	_ =	shalt  }
0x4b: {  	_ =	shalt  }
0x4c: {  	_ =	shalt  }
0x4d: {  	_ =	shalt  }
0x4e: {  	_ =	shalt  }
0x4f: {  	_ =	shalt  }
0x50: {  	_ =	shalt  }
0x51: {  	_ =	shalt  }
0x52: {  	_ =	shalt  }
0x53: {  	_ =	shalt  }
0x54: {  	_ =	shalt  }
0x55: {  	_ =	shalt  }
0x56: {  	_ =	shalt  }
0x57: {  	_ =	shalt  }
0x58: {  	_ =	shalt  }
0x59: {  	_ =	shalt  }
0x5a: {  	_ =	shalt  }
0x5b: {  	_ =	shalt  }
0x5c: {  	_ =	shalt  }
0x5d: {  	_ =	shalt  }
0x5e: {  	_ =	shalt  }
0x5f: {  	_ =	shalt  }
0x60: {  	_ =	shalt  }
0x61: {  	_ =	shalt  }
0x62: {  	_ =	shalt  }
0x63: {  	_ =	shalt  }
0x64: {  	_ =	shalt  }
0x65: {  	_ =	shalt  }
0x66: {  	_ =	shalt  }
0x67: {  	_ =	shalt  }
0x68: {  	_ =	shalt  }
0x69: {  	_ =	shalt  }
0x6a: {  	_ =	shalt  }
0x6b: {  	_ =	shalt  }
0x6c: {  	_ =	shalt  }
0x6d: {  	_ =	shalt  }
0x6e: {  	_ =	shalt  }
0x6f: {  	_ =	shalt  }
0x70: {  	_ =	shalt  }
0x71: {  	_ =	shalt  }
0x72: {  	_ =	shalt  }
0x73: {  	_ =	shalt  }
0x74: {  	_ =	shalt  }
0x75: {  	_ =	shalt  }
0x76: {  	_ =	shalt  }
0x77: {  	_ =	shalt  }
0x78: {  	_ =	shalt  }
0x79: {  	_ =	shalt  }
0x7a: {  	_ =	shalt  }
0x7b: {  	_ =	shalt  }
0x7c: {  	_ =	shalt  }
0x7d: {  	_ =	shalt  }
0x7e: {  	_ =	shalt  }
0x7f: {  	_ =	shalt  }
0x80: {  	_ =	shalt  }
0x81: {  	_ =	shalt  }
0x82: {  	_ =	shalt  }
0x83: {  	_ =	shalt  }
0x84: {  	_ =	shalt  }
0x85: {  	_ =	shalt  }
0x86: {  	_ =	shalt  }
0x87: {  	_ =	shalt  }
.Lfunc_end0:
.L_simem_size_0:
called_computation.2_lowered:
.L_overlay_start_0:
0x88: {  	s2 =	sld [smem:$0x3FD9]  }
0x89: {  	s3 =	sld [smem:$0x3FFE];
	_ =	sdelay $0x1  }
0x8a: {  	s1 =	srdreg.scid  }
0x8b: {  	s0 =	sand.u32 $0x1, s1  }
0x8c: {  	s16 =	sshll.u32 s0, $0xA;
	s2 =	sadd.s32 s3, s2  }
0x8d: {  	s2 =	sadd.s32 s2, s16  }
0x8e: {  	[smem:$0x3FBF] =	sst s2  }
0x8f: {  	_ = 	snop  }
0x90: {  	(tm) =	ssettm $0x1  }
0x91: {  	s17 =	sld [smem:$0x3FFB];
	_ =	sdelay $0x3  }
0x92: {  	_ =	strace s17  }
0x93: {  	s2 =	sld [smem:$0x3FFC];
	_ =	sdelay $0x3  }
0x94: {  	_ =	strace s2  }
0x95: {  	s2 =	sld [smem:$0x3FFD];
	_ =	sdelay $0x3  }
0x96: {  	_ =	strace s2  }
0x97: {  	_ =	strace $0x8FFFFFFF  }
0x98: {  	s18 =	sld [smem:$0x3FDB];
	_ =	sdelay $0x1  }
0x99: {  	s19 =	simm.s32 $_scs_section_size  }
0x9a: {  	s4 =	simm.s32 $_size__tile_overlayer_lowered;
	s5 =	simm.s32 $_tile_overlayer_lowered  }
0x9b: {  	s22 =	simm.s32 $0x1BFF;
	s21 =	sshll.u32 s5, $0x1;
	s2 =	sadd.s32 s19, s18  }
0x9c: {  	s6 =	simm.s32 $0x0;
	s20 =	sshll.u32 s4, $0x1;
	s4 =	sadd.s32 s21, s2  }
0x9d: {  	[timem:s6], [sflag:s22] =	dma.local [hbm:s4], s20  }
0x9e: {  	_ =	swait.ge [sflag:s22], s20  }
0x9f: {  	s3 =	ssub.s32 $0x0, s20;
	[sflag:s22] =	ssyncset.done $0x0  }
0xa0: {  	[sflag:s22] =	ssyncadd.s32 s3;
	_ =	sdelay $0x1  }
0xa1: {  	s23 =	simm.s32 $0x1B8B  }
0xa2: {  	_ =	swait.ge [sflag:s23], $0x1  }
0xa3: {  	[sflag:s23] =	ssyncset.done $0x0  }
0xa4: {  	s25 =	simm.s32 $0x1B8E;
	s24 =	sld [smem:$0x3FFE];
	[sflag:s23] =	ssyncadd.s32 $0xFFFFFFFF  }
0xa5: {  	s26 =	simm.s32 $execute0_lowered;
	[smem:$0x3FD2] =	sst s25  }
0xa6: {  	s4 =	sshll.u32 s26, $0x1;
	_ =	strace $0x80000049;
	[dreg:$0x1] =	wrdreg $0xFFFFFFFF  }
0xa7: {  	s28 =	simm.s32 $_size_execute0_lowered;
	s2 =	sadd.s32 s2, s4;
	[dreg:$0x0] =	wrdreg $0x0  }
0xa8: {  	s4 =	sshll.u32 s28, $0x1;
	[dreg:$0x2] =	wrdreg s2  }
0xa9: {  	[dreg:$0x3] =	wrdreg s4  }
0xaa: {  	[dreg:$0x4] =	wrdreg $0xC0  }
0xab: {  	_ =	task [dreg:s6], $0x5FFFF  }
0xac: {  	[dreg:$0x1] =	wrdreg $0xFFFFFFFF  }
0xad: {  	[dreg:$0x0] =	wrdreg $0x60  }
0xae: {  	[dreg:$0x2] =	wrdreg s24  }
0xaf: {  	[dreg:$0x3] =	wrdreg $0x5D000  }
0xb0: {  	[dreg:$0x4] =	wrdreg $0xA  }
0xb1: {  	_ =	task.clear_ibuf [dreg:s6], $0x5FFFF;
	_ =	strace $0x90000049  }
0xb2: {  	s29 =	simm.s32 $0xA;
	_ =	strace $0x8000004B  }
0xb3: {  	_ =	swait.ge [sflag:s29], $0x1  }
0xb4: {  	[sflag:s29] =	ssyncadd.s32 $0xFFFFFFFF  }
0xb5: {  	_ =	strace $0x9000004B  }
0xb6: {  	_ =	sfence  }
0xb7: {  	s30 =	sld [smem:$0x0];
	_ =	sdelay $0x2  }
0xb8: {  	s31 =	sshll.u32 s1, $0xD;
	s1 =	sshrl.u32 s1, $0x2  }
0xb9: {  	s3 =	sand.u32 $0x4000, s31;
	s1 =	sadd.s32 s1, s30  }
0xba: {  	s0 =	sor.u32 s3, s0;
	s1 =	sshll.u32 s1, $0x11  }
0xbb: {  	s0 =	sor.u32 s1, s0  }
0xbc: {  	s0 =	sadd.s32 $0x8F2B, s0  }
0xbd: {  	[sflag:s0] =	ssyncadd.remote.s32 $0x1  }
0xbe: {  	_ =	sfence.sel $0xFFFF  }
0xbf: {  	[dreg:$0x0] =	wrdreg $0xFFFFFFFF;
	(pc) =	sbr.abs _section_cstart, $3  }
0xc0: {  	[dreg:$0x1] =	wrdreg $0xFFFFFFFF  }
0xc1: {  	_ =	task.clear_ibuf [dreg:s6], $0x2FFFF;
	_ =	strace $0x9FFFFFFF  }
0xc2: {  	(tm) =	ssettm $0x7FFFFFFF  }
0xc3: {  	_ =	shalt  }
tec
execute0_lowered:
.L_overlay_start_1:
0x0: {  	(tag) =	ssettag $0x1  }
0x1: {  	s0 =	srdreg.scid;
	s1 =	rddreg [dreg:$0x0]  }
0x2: {  	s12 =	stileid.u32;
	s2 =	rddreg [dreg:$0x1]  }
0x3: {  	s13 =	simm.s32 $0x2C00;
	s17 =	simm.s32 $0x80;
	s22 =	simm.s32 $0x2C80  }
0x4: {  	s25 =	simm.s32 $0x1;
	s26 =	simm.s32 $0x2;
	s30 =	simm.s32 $0x0  }
0x5: {  	s0 =	sand.u32 $0x1, s0;
	s5 =	sadd.s32 $0xCC00, s1;
	s8 =	smul.u32 $0x28000, s12  }
0x6: {  	s6 =	sadd.s32 $0xF400, s1;
	s11 =	smul.u32 $0x50000, s12;
	s7 =	sadd.s32 $0xD400, s1  }
0x7: {  	s31 =	sshll.u32 s12, $0x6;
	s3 =	sshll.u32 s0, $0x4;
	s10 =	sshll.u32 s0, $0x7  }
0x8: {  	s0 =	ssub.s32 $0x2, s0;
	s14 =	sor.u32 $0x1C03, s31;
	s4 =	sor.u32 s12, s3  }
0x9: {  	s3 =	simm.s32 $0x0;
	s8 =	sor.u32 s10, s8;
	s29 =	sshrl.u32 s0, $0x1  }
0xa: {  	s11 =	sshrl.u32 s11, $0x2;
	s12 =	simm.s32 $0x3;
	s4 =	smul.u32 $0x580, s4  }
0xb: {  	[smem:$0x7FF] =	sst s3;
	s8 =	sshrl.u32 s8, $0x3;
	s15 =	sadd.s32 s11, s2  }
0xc: {  	s0 =	ssub.s32 s0, s29;
	_ =	strace $0x8000004A;
	s16 =	sadd.s32 $0xA000, s15  }
0xd: {  	s11 =	smax.u32 s0, $0x1;
	s15 =	sshrl.u32 s15, $0x3;
	s9 =	sadd.s32 s4, s1  }
0xe: {  	s4 =	sadd.s32 $0xE800, s1;
	s1 =	sadd.s32 s8, s1;
	s16 =	sshrl.u32 s16, $0x3  }
0xf: {  	s8 =	sadd.s32 $0xFA00, s9;
	s9 =	sadd.s32 $0x1C00, s9;
	s10 =	sadd.s32 $0x6AA00, s1  }
.LBB2_1:
0x10: {  	[tilespmem:s3], [sflag:$0x3] =	stream.linear.gather [hbm4b:s8+s3], $0x2880, $0x38;
	[tilespmem:$0x19D00] =	vst v63  }
0x11: {  	_ =	swait.ge [sflag:s12], $0x2880  }
0x12: {  	[sflag:s12] =	ssyncset.done $0x0  }
0x13: {  	[sflag:s12] =	ssyncadd.s32 $0xFFFFD780  }
0x14: {  	[tilespmem:s13], [sflag:$0x3] =	stream.linear.gather [hbm4b:s9+s3], $0x2880, $0x38;
	[tilespmem:$0x19D00] =	vst v63  }
0x15: {  	_ =	swait.ge [sflag:s12], $0x2880  }
0x16: {  	[sflag:s12] =	ssyncset.done $0x0  }
0x17: {  	[sflag:s12] =	ssyncadd.s32 $0xFFFFD780  }
0x18: {  	[spmem:s15], [sflag:s14] =	dma.local [hbm:s7], $0x1400  }
0x19: {  	_ =	swait.ge [sflag:s12], $0x1400  }
0x1a: {  	[sflag:s12] =	ssyncset.done $0x0  }
0x1b: {  	[sflag:s12] =	ssyncadd.s32 $0xFFFFEC00  }
0x1c: {  	[spmem:s16], [sflag:s14] =	dma.local [hbm:s7], $0x1400  }
0x1d: {  	_ =	swait.ge [sflag:s12], $0x1400  }
0x1e: {  	[sflag:s12] =	ssyncset.done $0x0  }
0x1f: {  	[sflag:s12] =	ssyncadd.s32 $0xFFFFEC00  }
0x20: {  	s0 =	simm.s32 $0x5800;
	[bflag:$0x0] =	sbarrier.arrive $0xFFFF  }
0x21: {  	[tilespmem:s0], [sflag:$0x1] =	stream.indirect.gather [hbm4b:s4+s17], $0x1, s3, s17, $0xb8;
	[tilespmem:$0x19D00] =	vst v63  }
0x22: {  	s20 =	simm.s32 $0x5900  }
0x23: {  	[tilespmem:s20], [sflag:$0x1] =	stream.indirect.gather [hbm4b:s5+s17], $0x1, s13, s17, $0xb8;
	[tilespmem:$0x19D00] =	vst v63  }
0x24: {  	s21 =	simm.s32 $0x5A00  }
0x25: {  	[tilespmem:s21], [sflag:$0x1] =	stream.indirect.gather [hbm4b:s6+s17], $0x1, s13, s17, $0xb8;
	[tilespmem:$0x19D00] =	vst v63  }
0x26: {  	s23 =	simm.s32 $0x5880  }
0x27: {  	[tilespmem:s23], [sflag:$0x1] =	stream.indirect.gather [hbm4b:s4+s17], $0x1, s17, s17, $0xb8;
	[tilespmem:$0x19D00] =	vst v63  }
0x28: {  	s24 =	simm.s32 $0x5980  }
0x29: {  	[tilespmem:s24], [sflag:$0x1] =	stream.indirect.gather [hbm4b:s5+s17], $0x1, s22, s17, $0xb8;
	[tilespmem:$0x19D00] =	vst v63  }
0x2a: {  	s29 =	simm.s32 $0x5A80  }
0x2b: {  	[tilespmem:s29], [sflag:$0x1] =	stream.indirect.gather [hbm4b:s6+s17], $0x1, s22, s17, $0xb8;
	[tilespmem:$0x19D00] =	vst v63  }
0x2c: {  	_ =	swait.ge [sflag:s25], $0x80  }
0x2d: {  	[sflag:s25] =	ssyncset.done $0x0  }
0x2e: {  	[sflag:s25] =	ssyncadd.s32 $0xFFFFFF80  }
0x2f: {  	_ =	swait.ge [sflag:s25], $0x80  }
0x30: {  	[sflag:s25] =	ssyncset.done $0x0  }
0x31: {  	[sflag:s25] =	ssyncadd.s32 $0xFFFFFF80  }
0x32: {  	_ =	swait.ge [sflag:s25], $0x80  }
0x33: {  	p0 =	por $0x1, $0x1;
	[sflag:s25] =	ssyncset.done $0x0  }
0x34: {  	s0 =	simm.s32 @!p0 $0x2;
	[sflag:s25] =	ssyncadd.s32 $0xFFFFFF80  }
0x35: {  	_ =	swait.ge @!p0 [sflag:s0], $0x80  }
0x36: {  	[sflag:s0] =	ssyncset.done @!p0 $0x0  }
0x37: {  	s31 =	sand.u32 $0x80, s3;
	[sflag:s0] =	ssyncadd.s32 @!p0 $0xFFFFFF80  }
0x38: {  	s0 =	simm.s32 $0x100;
	v0 =	vld [tilespmem:s31+$0x5A00]  }
0x39: {  	v1 =	vld [tilespmem:s0+$0xFFFFFF00]  }
0x3a: {  	v2 =	vld [tilespmem:s31+$0x5800]  }
0x3b: {  	v3 =	vld [tilespmem:s31+$0x5900];
	_ =	sdelay $0x4  }
0x3c: {  	v36 =	vld [tilespmem:s31+$0x5910];
	v0 =	vadd.s32 v1, v0;
	v2 =	vmul.f32 v3, v2  }
0x3d: {  	v37 =	vld [tilespmem:s31+$0x5810];
	[tilespmem:s31+$0x5C00] =	vst v0  }
0x3e: {  	v38 =	vld [tilespmem:s31+$0x5A10];
	[tilespmem:s31+$0x5B00] =	vst v2  }
0x3f: {  	v39 =	vld [tilespmem:s0+$0xFFFFFF10];
	_ =	sdelay $0x2  }
0x40: {  	v0 =	vmul.f32 v36, v37  }
0x41: {  	v40 =	vld [tilespmem:s31+$0x5920]  }
0x42: {  	v42 =	vld [tilespmem:s31+$0x5820];
	[tilespmem:s31+$0x5B10] =	vst v0;
	v41 =	vadd.s32 v39, v38  }
0x43: {  	v43 =	vld [tilespmem:s31+$0x5A20];
	[tilespmem:s31+$0x5C10] =	vst v41  }
0x44: {  	v44 =	vld [tilespmem:s0+$0xFFFFFF20];
	_ =	sdelay $0x2  }
0x45: {  	v1 =	vmul.f32 v40, v42  }
0x46: {  	v4 =	vld [tilespmem:s31+$0x5930]  }
0x47: {  	v46 =	vld [tilespmem:s31+$0x5830];
	[tilespmem:s31+$0x5B20] =	vst v1;
	v0 =	vadd.s32 v44, v43  }
0x48: {  	v47 =	vld [tilespmem:s31+$0x5A30];
	[tilespmem:s31+$0x5C20] =	vst v0  }
0x49: {  	v48 =	vld [tilespmem:s0+$0xFFFFFF30];
	_ =	sdelay $0x2  }
0x4a: {  	v1 =	vmul.f32 v4, v46  }
0x4b: {  	v45 =	vld [tilespmem:s31+$0x5940]  }
0x4c: {  	v49 =	vld [tilespmem:s31+$0x5840];
	[tilespmem:s31+$0x5B30] =	vst v1;
	v0 =	vadd.s32 v48, v47  }
0x4d: {  	v51 =	vld [tilespmem:s31+$0x5A40];
	[tilespmem:s31+$0x5C30] =	vst v0  }
0x4e: {  	v52 =	vld [tilespmem:s0+$0xFFFFFF40];
	_ =	sdelay $0x2  }
0x4f: {  	v2 =	vmul.f32 v45, v49  }
0x50: {  	v50 =	vld [tilespmem:s31+$0x5950]  }
0x51: {  	v53 =	vld [tilespmem:s31+$0x5850];
	[tilespmem:s31+$0x5B40] =	vst v2;
	v0 =	vadd.s32 v52, v51  }
0x52: {  	v55 =	vld [tilespmem:s31+$0x5A50];
	[tilespmem:s31+$0x5C40] =	vst v0  }
0x53: {  	v56 =	vld [tilespmem:s0+$0xFFFFFF50];
	_ =	sdelay $0x2  }
0x54: {  	v1 =	vmul.f32 v50, v53  }
0x55: {  	v54 =	vld [tilespmem:s31+$0x5960]  }
0x56: {  	v57 =	vld [tilespmem:s31+$0x5860];
	[tilespmem:s31+$0x5B50] =	vst v1;
	v0 =	vadd.s32 v56, v55  }
0x57: {  	v59 =	vld [tilespmem:s31+$0x5A60];
	[tilespmem:s31+$0x5C50] =	vst v0  }
0x58: {  	v60 =	vld [tilespmem:s0+$0xFFFFFF60];
	_ =	sdelay $0x2  }
0x59: {  	v1 =	vmul.f32 v54, v57  }
0x5a: {  	v58 =	vld [tilespmem:s31+$0x5970]  }
0x5b: {  	v61 =	vld [tilespmem:s31+$0x5870];
	[tilespmem:s31+$0x5B60] =	vst v1;
	v0 =	vadd.s32 v60, v59  }
0x5c: {  	v62 =	vld [tilespmem:s31+$0x5A70];
	[tilespmem:s31+$0x5C60] =	vst v0  }
0x5d: {  	v63 =	vld [tilespmem:s0+$0xFFFFFF70];
	_ =	sdelay $0x2  }
0x5e: {  	v1 =	vmul.f32 v58, v61;
	_ =	sdelay $0x1  }
0x5f: {  	p1 =	por $0x0, $0x0;
	s19 =	simm.s32 $0x180;
	[tilespmem:s31+$0x5B70] =	vst v1;
	v0 =	vadd.s32 v63, v62  }
0x60: {  	s1 =	sor.u32 $0x5B00, s31;
	s18 =	sor.u32 $0x5C00, s31;
	s28 =	sor.u32 $0x5900, s31;
	[tilespmem:s31+$0x5C70] =	vst v0  }
0x61: {  	[spmem:s2] =	stream.indirect.scatter.add.f32 [tilespmem:s1], [sflag:$0x2], $0x1, s18, s17, $0xb8;
	[tilespmem:$0x19D00] =	vst v63  }
0x62: {  	s20 =	simm.s32 $0x2D00;
	s24 =	simm.s32 @!p1 $0x80;
	s1 =	sor.u32 $0x5800, s31  }
0x63: {  	[tilespmem:s1], [sflag:$0x1] =	stream.indirect.gather @!p1 [hbm4b:s4+s24], $0x1, s0, s24, $0xb8;
	[tilespmem:$0x19D00] =	vst v63  }
0x64: {  	s18 =	simm.s32 $0x80;
	s1 =	simm.s32 $0x2D00;
	s0 =	simm.s32 $0x1  }
.LBB2_2:
0x65: {  	s31 =	sor.u32 $0x5A00, s31;
	s1 =	sadd.s32 $0x80, s1  }
0x66: {  	s23 =	smov.u32 s0;
	s0 =	sadd.s32 $0x1, s0;
	s21 =	smov.u32 s19  }
0x67: {  	[tilespmem:s28], [sflag:$0x1] =	stream.indirect.gather @!p1 [hbm4b:s5+s24], $0x1, s20, s24, $0xb8;
	[tilespmem:$0x19D00] =	vst v63  }
0x68: {  	p0 =	sne.s32 s0, $0x51  }
0x69: {  	[tilespmem:s31], [sflag:$0x1] =	stream.indirect.gather @!p1 [hbm4b:s6+s24], $0x1, s20, s24, $0xb8;
	[tilespmem:$0x19D00] =	vst v63  }
0x6a: {  	s20 =	smov.u32 s1;
	_ =	swait.ge [sflag:s25], $0x80  }
0x6b: {  	[sflag:s25] =	ssyncset.done $0x0  }
0x6c: {  	[sflag:s25] =	ssyncadd.s32 $0xFFFFFF80  }
0x6d: {  	_ =	swait.ge [sflag:s25], $0x80  }
0x6e: {  	[sflag:s25] =	ssyncset.done $0x0  }
0x6f: {  	[sflag:s25] =	ssyncadd.s32 $0xFFFFFF80  }
0x70: {  	_ =	swait.ge [sflag:s25], $0x80  }
0x71: {  	p1 =	slt.u32 s23, $0x2;
	[sflag:s25] =	ssyncset.done $0x0  }
0x72: {  	s24 =	simm.s32 @!p1 $0x2;
	[sflag:s25] =	ssyncadd.s32 $0xFFFFFF80  }
0x73: {  	_ =	swait.ge @!p1 [sflag:s24], $0x80  }
0x74: {  	[sflag:s24] =	ssyncset.done @!p1 $0x0  }
0x75: {  	s31 =	sand.u32 $0x80, s18;
	[sflag:s24] =	ssyncadd.s32 @!p1 $0xFFFFFF80  }
0x76: {  	v0 =	vld [tilespmem:s31+$0x5A00]  }
0x77: {  	v1 =	vld [tilespmem:s19+$0xFFFFFF00]  }
0x78: {  	v2 =	vld [tilespmem:s31+$0x5800]  }
0x79: {  	v3 =	vld [tilespmem:s31+$0x5900];
	_ =	sdelay $0x2  }
0x7a: {  	v0 =	vadd.s32 v1, v0;
	_ =	sdelay $0x1  }
0x7b: {  	v1 =	vmul.f32 v3, v2;
	v2 =	vld [tilespmem:s31+$0x5910]  }
0x7c: {  	[tilespmem:s31+$0x5C00] =	vst v0;
	v0 =	vld [tilespmem:s31+$0x5810]  }
0x7d: {  	[tilespmem:s31+$0x5B00] =	vst v1;
	v1 =	vld [tilespmem:s31+$0x5A10]  }
0x7e: {  	v3 =	vld [tilespmem:s19+$0xFFFFFF10];
	_ =	sdelay $0x2  }
0x7f: {  	v0 =	vmul.f32 v2, v0  }
0x80: {  	v2 =	vld [tilespmem:s31+$0x5920]  }
0x81: {  	[tilespmem:s31+$0x5B10] =	vst v0;
	v0 =	vadd.s32 v3, v1;
	v1 =	vld [tilespmem:s31+$0x5820]  }
0x82: {  	[tilespmem:s31+$0x5C10] =	vst v0;
	v0 =	vld [tilespmem:s31+$0x5A20]  }
0x83: {  	v3 =	vld [tilespmem:s19+$0xFFFFFF20];
	_ =	sdelay $0x2  }
0x84: {  	v1 =	vmul.f32 v2, v1;
	v2 =	vld [tilespmem:s31+$0x5940]  }
0x85: {  	v4 =	vld [tilespmem:s31+$0x5930]  }
0x86: {  	[tilespmem:s31+$0x5B20] =	vst v1;
	v0 =	vadd.s32 v3, v0;
	v1 =	vld [tilespmem:s31+$0x5830]  }
0x87: {  	[tilespmem:s31+$0x5C20] =	vst v0;
	v0 =	vld [tilespmem:s31+$0x5A30]  }
0x88: {  	v3 =	vld [tilespmem:s19+$0xFFFFFF30]  }
0x89: {  	v5 =	vld [tilespmem:s31+$0x5840];
	_ =	sdelay $0x1  }
0x8a: {  	v1 =	vmul.f32 v4, v1;
	_ =	sdelay $0x1  }
0x8b: {  	[tilespmem:s31+$0x5B30] =	vst v1;
	v0 =	vadd.s32 v3, v0;
	v1 =	vld [tilespmem:s31+$0x5950]  }
0x8c: {  	[tilespmem:s31+$0x5C30] =	vst v0;
	v0 =	vld [tilespmem:s31+$0x5A40];
	v2 =	vmul.f32 v2, v5  }
0x8d: {  	v3 =	vld [tilespmem:s19+$0xFFFFFF40]  }
0x8e: {  	[tilespmem:s31+$0x5B40] =	vst v2;
	v2 =	vld [tilespmem:s31+$0x5850];
	_ =	sdelay $0x3  }
0x8f: {  	v0 =	vadd.s32 v3, v0;
	v3 =	vld [tilespmem:s31+$0x5960]  }
0x90: {  	[tilespmem:s31+$0x5C40] =	vst v0;
	v0 =	vld [tilespmem:s31+$0x5A50];
	v1 =	vmul.f32 v1, v2  }
0x91: {  	v2 =	vld [tilespmem:s19+$0xFFFFFF50]  }
0x92: {  	[tilespmem:s31+$0x5B50] =	vst v1;
	v1 =	vld [tilespmem:s31+$0x5860];
	_ =	sdelay $0x3  }
0x93: {  	v0 =	vadd.s32 v2, v0;
	v2 =	vld [tilespmem:s31+$0x5970]  }
0x94: {  	[tilespmem:s31+$0x5C50] =	vst v0;
	v0 =	vld [tilespmem:s31+$0x5A60];
	v1 =	vmul.f32 v3, v1  }
0x95: {  	v3 =	vld [tilespmem:s19+$0xFFFFFF60]  }
0x96: {  	[tilespmem:s31+$0x5B60] =	vst v1;
	v1 =	vld [tilespmem:s31+$0x5870];
	_ =	sdelay $0x3  }
0x97: {  	v0 =	vadd.s32 v3, v0  }
0x98: {  	[tilespmem:s31+$0x5C60] =	vst v0;
	v0 =	vld [tilespmem:s31+$0x5A70];
	v1 =	vmul.f32 v2, v1  }
0x99: {  	v2 =	vld [tilespmem:s19+$0xFFFFFF70]  }
0x9a: {  	[tilespmem:s31+$0x5B70] =	vst v1;
	_ =	sdelay $0x3  }
.Ltmp0:
0x9b: {  	s28 =	sor.u32 $0x5C00, s31;
	s24 =	sor.u32 $0x5B00, s31;
	v0 =	vadd.s32 v2, v0;
	(pc) =	sbr.rel @p0 .LBB2_2-.Ltmp0, $4  }
0x9c: {  	s18 =	sadd.s32 $0x80, s18;
	s29 =	sor.u32 $0x5800, s31;
	p1 =	sgt.u32 s23, $0x4E;
	[tilespmem:s31+$0x5C70] =	vst v0  }
0x9d: {  	[spmem:s2] =	stream.indirect.scatter.add.f32 [tilespmem:s24], [sflag:$0x2], $0x1, s28, s17, $0xb8;
	[tilespmem:$0x19D00] =	vst v63  }
0x9e: {  	s19 =	sadd.s32 $0x80, s19;
	s28 =	sor.u32 $0x5900, s31;
	s24 =	simm.s32 @!p1 $0x80  }
0x9f: {  	[tilespmem:s29], [sflag:$0x1] =	stream.indirect.gather @!p1 [hbm4b:s4+s24], $0x1, s21, s24, $0xb8;
	[tilespmem:$0x19D00] =	vst v63  }
0xa0: {  	[tilespmem:s28], [sflag:$0x1] =	stream.indirect.gather @!p1 [hbm4b:s5+s24], $0x1, s20, s24, $0xb8;
	[tilespmem:$0x19D00] =	vst v63  }
0xa1: {  	s0 =	sor.u32 $0x5A00, s31  }
0xa2: {  	[tilespmem:s0], [sflag:$0x1] =	stream.indirect.gather @!p1 [hbm4b:s6+s24], $0x1, s20, s24, $0xb8;
	[tilespmem:$0x19D00] =	vst v63  }
0xa3: {  	_ =	swait.ge [sflag:s26], $0x80  }
0xa4: {  	[sflag:s26] =	ssyncset.done $0x0  }
0xa5: {  	[sflag:s26] =	ssyncadd.s32 $0xFFFFFF80  }
0xa6: {  	_ =	swait.ge [sflag:s26], $0x80  }
0xa7: {  	s30 =	sadd.s32 $0x1, s30;
	[sflag:s26] =	ssyncset.done $0x0  }
0xa8: {  	s31 =	simm.s32 $0x20;
	p0 =	sne.s32 s30, s11;
	[sflag:s26] =	ssyncadd.s32 $0xFFFFFF80  }
.Ltmp1:
0xa9: {  	s1 =	simm.s32 $0x10;
	[bflag:$0x0] =	sbarrier.arrive $0xFFFF;
	(pc) =	sbr.rel @p0 .LBB2_1-.Ltmp1, $4  }
0xaa: {  	[hbm:s10@s31], [sflag:s14] =	dma.strided [spmem:s15@s1], $0x2800, s25, $0x10   }
0xab: {  	_ =	swait.ge [sflag:s12], $0x2800  }
0xac: {  	[sflag:s12] =	ssyncset.done $0x0  }
0xad: {  	[sflag:s12] =	ssyncadd.s32 $0xFFFFD800  }
0xae: {  	_ =	sfence.sel $0x180000  }
0xaf: {  	[bflag:$0x0] =	sbarrier.arrive $0xFFFF  }
0xb0: {  	_ =	strace $0x9000004A  }
0xb1: {  	s0 =	stileid.u32;
	[bflag:$0x2] =	sbarrier.arrive $0xFFFF  }
0xb2: {  	p0 =	sne.s32 s0, $0x0;
	s0 =	rddreg [dreg:$0x2]  }
0xb3: {  	s0 =	sadd.s32 @!p0 $0x100000, s0  }
0xb4: {  	[sflag:s0] =	ssyncadd.tile.s32 @!p0 $0x1;
	_ =	shalt  }
.Lfunc_end2:
_tile_overlayer_lowered:
.L_overlay_start_2:
0xb5: {  	(tag) =	ssettag $0x2  }
0xb6: {  	s0 =	rddreg [dreg:$0x0];
	s2 =	stileid.u32  }
0xb7: {  	s1 =	rddreg [dreg:$0x1];
	p0 =	sne.s32 s2, $0x0  }
0xb8: {  	s3 =	rddreg [dreg:$0x2];
	[bflag:$0x3] =	sbarrier.arrive $0xFFFF;
	s2 =	simm.s32 @!p0 $0x1C03  }
0xb9: {  	[timem:s3], [sflag:s2] =	dma.local @!p0 [hbm:s0], s1  }
0xba: {  	s0 =	simm.s32 @!p0 $0x3  }
0xbb: {  	_ =	swait.ge @!p0 [sflag:s0], s1  }
0xbc: {  	s1 =	ssub.s32 @!p0 $0x0, s1;
	[sflag:s0] =	ssyncset.done @!p0 $0x0  }
0xbd: {  	[sflag:s0] =	ssyncadd.s32 @!p0 s1  }
0xbe: {  	[bflag:$0x3] =	sbarrier.arrive $0xFFFF  }
0xbf: {  	_ =	shalt  }

// kernel: kernel.7.cloned.1.call-start
scs
__scs_entry_jumppad:
0x0: {  	(pc) =	sbr.rel $0x88, $3  }
0x1: {  	(tag) =	ssettag $0x0;
	lr =	simm.s32 $0x1  }
0x2: {  	[smem:$0x3F98] =	sst lr;
	_ =	strace $0xD0000000  }
0x3: {  	_ = 	snop  }
0x4: {  	_ = 	snop  }
0x5: {  	_ = 	snop  }
0x6: {  	_ = 	snop  }
0x7: {  	_ = 	snop  }
__scs_overlays_trampoline_lowered:
0x8: {  	[smem:$0x3FA7] =	sst s0  }
0x9: {  	[smem:$0x3FA8] =	sst s1  }
0xa: {  	[smem:$0x3FA9] =	sst s2  }
0xb: {  	[smem:$0x3FAA] =	sst s3  }
0xc: {  	[smem:$0x3FAB] =	sst s4  }
0xd: {  	[smem:$0x3FAC] =	sst s5  }
0xe: {  	[smem:$0x3FAD] =	sst s6  }
0xf: {  	[smem:$0x3FAE] =	sst s7  }
0x10: {  	[smem:$0x3FAF] =	sst s8  }
0x11: {  	[smem:$0x3FB0] =	sst s9;
	s0 =	simm.s32 @!p0 $0x0  }
0x12: {  	s1 =	sld [smem:$0x3F96];
	s0 =	simm.s32 @p0 $0x1  }
0x13: {  	[smem:$0x3FB1] =	sst s0;
	s0 =	simm.s32 @!p1 $0x0  }
0x14: {  	s2 =	sld [smem:$0x3F95];
	s0 =	simm.s32 @p1 $0x1  }
0x15: {  	[smem:$0x3FB2] =	sst s0;
	s0 =	simm.s32 @!p2 $0x0  }
0x16: {  	s3 =	sld [smem:$0x3FDB];
	s0 =	simm.s32 @p2 $0x1  }
0x17: {  	s4 =	simm.s32 $0x1BF5;
	[smem:$0x3FB4] =	sst s0  }
0x18: {  	s0 =	sld [smem:$0x3F97];
	_ =	swait.ge [sflag:s4], $0x0  }
0x19: {  	s7 =	sld [smem:$0x3F98]  }
0x1a: {  	s8 =	sadd.s32 $0xFFFFE003, lr  }
0x1b: {  	s9 =	sadd.s32 $0xFFFFFEF7, lr;
	s5 =	simm.s32 $0xFFFFFFFF;
	p2 =	slt.u32 s8, $0xFFFFF086  }
0x1c: {  	p1 =	slt.u32 s9, $0xF7A;
	s5 =	simm.s32 @!p2 $0x0  }
0x1d: {  	s5 =	simm.s32 @p1 $0x1;
	p0 =	seq.s32 s7, s2  }
0x1e: {  	s7 =	smul.u32 @!p0 $0xF7A, s2;
	p2 =	seq.s32 @!p0 s5, $0x0  }
0x1f: {  	s9 =	smul.u32 $0xF7A, s1;
	s8 =	simm.s32 @!p0 $0x1BF5;
	p2 =	por !p2, p0  }
0x20: {  	[sflag:s8] =	ssyncset.s32 @!p0 $0xFFFFF086;
	s6 =	sadd.s32 @!p0 s3, s7;
	s7 =	simm.s32 @!p0 $0x108  }
0x21: {  	s3 =	sadd.s32 s3, s9;
	s6 =	sadd.s32 @!p0 $0x88, s6;
	s7 =	simm.s32 @p2 $0x1082  }
0x22: {  	[simem:s7], [sflag:s8] =	dma.local @!p0 [hbm:s6], $0xF7A  }
0x23: {  	s9 =	sor.u32 $0xD0000000, s2;
	s6 =	simm.s32 $0x108;
	_ =	swait.ge @!p0 [sflag:s8], $0x0  }
0x24: {  	s3 =	sadd.s32 $0x88, s3;
	s6 =	simm.s32 @!p1 $0x1082;
	[sflag:s4] =	ssyncset.s32 $0xFFFFF086  }
0x25: {  	[simem:s6], [sflag:s4] =	dma.local [hbm:s3], $0xF7A  }
0x26: {  	[smem:$0x3F98] =	sst s1;
	(tag) =	ssettag s2;
	_ =	strace s9  }
0x27: {  	s1 =	sld [smem:$0x3FA8]  }
0x28: {  	s2 =	sld [smem:$0x3FA9]  }
0x29: {  	s4 =	sld [smem:$0x3FAB]  }
0x2a: {  	p0 =	seq.s32 s5, $0x0;
	s5 =	sld [smem:$0x3FAC]  }
0x2b: {  	s6 =	sld [smem:$0x3FAD]  }
0x2c: {  	s7 =	sld [smem:$0x3FAE]  }
0x2d: {  	s3 =	simm.s32 $0x108;
	s8 =	sld [smem:$0x3FAF]  }
0x2e: {  	s3 =	simm.s32 @!p0 $0x1082;
	s9 =	sld [smem:$0x3FB0]  }
0x2f: {  	lr =	sadd.s32 s0, s3;
	s0 =	sld [smem:$0x3FA7]  }
0x30: {  	s3 =	sld [smem:$0x3FAA]  }
0x31: {  	[smem:$0x3FB3] =	sst s10  }
0x32: {  	s10 =	sld [smem:$0x3FB1];
	_ =	sdelay $0x3  }
0x33: {  	p0 =	seq.s32 s10, $0x1;
	s10 =	sld [smem:$0x3FB3];
	_ =	sdelay $0x3  }
0x34: {  	[smem:$0x3FB3] =	sst s10  }
0x35: {  	s10 =	sld [smem:$0x3FB2];
	_ =	sdelay $0x3  }
0x36: {  	p1 =	seq.s32 s10, $0x1;
	s10 =	sld [smem:$0x3FB3];
	_ =	sdelay $0x3  }
0x37: {  	[smem:$0x3FB3] =	sst s10  }
0x38: {  	s10 =	sld [smem:$0x3FB4]  }
0x39: {  	_ = 	snop;
	(pc) =	sbr.ind lr, $3  }
0x3a: {  	_ = 	snop  }
0x3b: {  	_ = 	snop  }
0x3c: {  	p2 =	seq.s32 s10, $0x1;
	s10 =	sld [smem:$0x3FB3]  }
0x3d: {  	_ =	shalt  }
0x3e: {  	_ =	shalt  }
0x3f: {  	_ =	shalt  }
0x40: {  	_ =	shalt  }
0x41: {  	_ =	shalt  }
0x42: {  	_ =	shalt  }
0x43: {  	_ =	shalt  }
0x44: {  	_ =	shalt  }
0x45: {  	_ =	shalt  }
0x46: {  	_ =	shalt  }
0x47: {  	_ =	shalt  }
0x48: {  	_ =	shalt  }
0x49: {  	_ =	shalt  }
0x4a: {  	_ =	shalt  }
0x4b: {  	_ =	shalt  }
0x4c: {  	_ =	shalt  }
0x4d: {  	_ =	shalt  }
0x4e: {  	_ =	shalt  }
0x4f: {  	_ =	shalt  }
0x50: {  	_ =	shalt  }
0x51: {  	_ =	shalt  }
0x52: {  	_ =	shalt  }
0x53: {  	_ =	shalt  }
0x54: {  	_ =	shalt  }
0x55: {  	_ =	shalt  }
0x56: {  	_ =	shalt  }
0x57: {  	_ =	shalt  }
0x58: {  	_ =	shalt  }
0x59: {  	_ =	shalt  }
0x5a: {  	_ =	shalt  }
0x5b: {  	_ =	shalt  }
0x5c: {  	_ =	shalt  }
0x5d: {  	_ =	shalt  }
0x5e: {  	_ =	shalt  }
0x5f: {  	_ =	shalt  }
0x60: {  	_ =	shalt  }
0x61: {  	_ =	shalt  }
0x62: {  	_ =	shalt  }
0x63: {  	_ =	shalt  }
0x64: {  	_ =	shalt  }
0x65: {  	_ =	shalt  }
0x66: {  	_ =	shalt  }
0x67: {  	_ =	shalt  }
0x68: {  	_ =	shalt  }
0x69: {  	_ =	shalt  }
0x6a: {  	_ =	shalt  }
0x6b: {  	_ =	shalt  }
0x6c: {  	_ =	shalt  }
0x6d: {  	_ =	shalt  }
0x6e: {  	_ =	shalt  }
0x6f: {  	_ =	shalt  }
0x70: {  	_ =	shalt  }
0x71: {  	_ =	shalt  }
0x72: {  	_ =	shalt  }
0x73: {  	_ =	shalt  }
0x74: {  	_ =	shalt  }
0x75: {  	_ =	shalt  }
0x76: {  	_ =	shalt  }
0x77: {  	_ =	shalt  }
0x78: {  	_ =	shalt  }
0x79: {  	_ =	shalt  }
0x7a: {  	_ =	shalt  }
0x7b: {  	_ =	shalt  }
0x7c: {  	_ =	shalt  }
0x7d: {  	_ =	shalt  }
0x7e: {  	_ =	shalt  }
0x7f: {  	_ =	shalt  }
0x80: {  	_ =	shalt  }
0x81: {  	_ =	shalt  }
0x82: {  	_ =	shalt  }
0x83: {  	_ =	shalt  }
0x84: {  	_ =	shalt  }
0x85: {  	_ =	shalt  }
0x86: {  	_ =	shalt  }
0x87: {  	_ =	shalt  }
.Lfunc_end0:
.L_simem_size_0:
called_computation_lowered:
.L_overlay_start_0:
0x88: {  	s2 =	sld [smem:$0x3FD9]  }
0x89: {  	s3 =	sld [smem:$0x3FFE];
	_ =	sdelay $0x1  }
0x8a: {  	s1 =	srdreg.scid  }
0x8b: {  	s0 =	sand.u32 $0x1, s1  }
0x8c: {  	s16 =	sshll.u32 s0, $0xA;
	s2 =	sadd.s32 s3, s2  }
0x8d: {  	s2 =	sadd.s32 s2, s16  }
0x8e: {  	[smem:$0x3FBF] =	sst s2  }
0x8f: {  	_ = 	snop  }
0x90: {  	(tm) =	ssettm $0x1  }
0x91: {  	s17 =	sld [smem:$0x3FFB];
	_ =	sdelay $0x3  }
0x92: {  	_ =	strace s17  }
0x93: {  	s2 =	sld [smem:$0x3FFC];
	_ =	sdelay $0x3  }
0x94: {  	_ =	strace s2  }
0x95: {  	s2 =	sld [smem:$0x3FFD];
	_ =	sdelay $0x3  }
0x96: {  	_ =	strace s2  }
0x97: {  	_ =	strace $0x8FFFFFFF  }
0x98: {  	s18 =	sld [smem:$0x3FDB];
	_ =	sdelay $0x1  }
0x99: {  	s19 =	simm.s32 $_scs_section_size  }
0x9a: {  	s4 =	simm.s32 $_size__tile_overlayer_lowered;
	s5 =	simm.s32 $_tile_overlayer_lowered  }
0x9b: {  	s22 =	simm.s32 $0x1BFF;
	s21 =	sshll.u32 s5, $0x1;
	s2 =	sadd.s32 s19, s18  }
0x9c: {  	s6 =	simm.s32 $0x0;
	s20 =	sshll.u32 s4, $0x1;
	s4 =	sadd.s32 s21, s2  }
0x9d: {  	[timem:s6], [sflag:s22] =	dma.local [hbm:s4], s20  }
0x9e: {  	_ =	swait.ge [sflag:s22], s20  }
0x9f: {  	s3 =	ssub.s32 $0x0, s20;
	[sflag:s22] =	ssyncset.done $0x0  }
0xa0: {  	[sflag:s22] =	ssyncadd.s32 s3;
	_ =	sdelay $0x1  }
0xa1: {  	s23 =	simm.s32 $0x1B8B  }
0xa2: {  	_ =	swait.ge [sflag:s23], $0x1  }
0xa3: {  	[sflag:s23] =	ssyncset.done $0x0  }
0xa4: {  	s25 =	simm.s32 $0x1B8E;
	s24 =	sld [smem:$0x3FFE];
	[sflag:s23] =	ssyncadd.s32 $0xFFFFFFFF  }
0xa5: {  	s26 =	simm.s32 $execute0_lowered;
	[smem:$0x3FD2] =	sst s25  }
0xa6: {  	s4 =	sshll.u32 s26, $0x1;
	_ =	strace $0x80000046;
	[dreg:$0x1] =	wrdreg $0xFFFFFFFF  }
0xa7: {  	s28 =	simm.s32 $_size_execute0_lowered;
	s2 =	sadd.s32 s2, s4;
	[dreg:$0x0] =	wrdreg $0x0  }
0xa8: {  	s4 =	sshll.u32 s28, $0x1;
	[dreg:$0x2] =	wrdreg s2  }
0xa9: {  	[dreg:$0x3] =	wrdreg s4  }
0xaa: {  	[dreg:$0x4] =	wrdreg $0xC0  }
0xab: {  	_ =	task [dreg:s6], $0x5FFFF  }
0xac: {  	[dreg:$0x1] =	wrdreg $0xFFFFFFFF  }
0xad: {  	[dreg:$0x0] =	wrdreg $0x60  }
0xae: {  	[dreg:$0x2] =	wrdreg s24  }
0xaf: {  	[dreg:$0x3] =	wrdreg $0x2E800  }
0xb0: {  	[dreg:$0x4] =	wrdreg $0x31000  }
0xb1: {  	[dreg:$0x5] =	wrdreg $0x9  }
0xb2: {  	_ =	task.clear_ibuf [dreg:s6], $0x6FFFF;
	_ =	strace $0x90000046  }
0xb3: {  	s29 =	simm.s32 $0x9;
	_ =	strace $0x80000048  }
0xb4: {  	_ =	swait.ge [sflag:s29], $0x1  }
0xb5: {  	[sflag:s29] =	ssyncadd.s32 $0xFFFFFFFF  }
0xb6: {  	_ =	strace $0x90000048  }
0xb7: {  	_ =	sfence  }
0xb8: {  	s30 =	sld [smem:$0x0];
	_ =	sdelay $0x2  }
0xb9: {  	s31 =	sshll.u32 s1, $0xD;
	s1 =	sshrl.u32 s1, $0x2  }
0xba: {  	s3 =	sand.u32 $0x4000, s31;
	s1 =	sadd.s32 s1, s30  }
0xbb: {  	s0 =	sor.u32 s3, s0;
	s1 =	sshll.u32 s1, $0x11  }
0xbc: {  	s0 =	sor.u32 s1, s0  }
0xbd: {  	s0 =	sadd.s32 $0x8F2B, s0  }
0xbe: {  	[sflag:s0] =	ssyncadd.remote.s32 $0x1  }
0xbf: {  	_ =	sfence.sel $0xFFFF  }
0xc0: {  	[dreg:$0x0] =	wrdreg $0xFFFFFFFF;
	(pc) =	sbr.abs _section_cstart, $3  }
0xc1: {  	[dreg:$0x1] =	wrdreg $0xFFFFFFFF  }
0xc2: {  	_ =	task.clear_ibuf [dreg:s6], $0x2FFFF;
	_ =	strace $0x9FFFFFFF  }
0xc3: {  	(tm) =	ssettm $0x7FFFFFFF  }
tec
execute0_lowered:
.L_overlay_start_1:
0x0: {  	(tag) =	ssettag $0x1  }
0x1: {  	s5 =	rddreg [dreg:$0x0]  }
0x2: {  	s0 =	srdreg.scid;
	s1 =	rddreg [dreg:$0x1]  }
0x3: {  	s2 =	rddreg [dreg:$0x2];
	s10 =	stileid.u32;
	s3 =	simm.s32 $0x0  }
0x4: {  	s15 =	simm.s32 $0x80;
	s16 =	simm.s32 $0x2E00;
	s17 =	simm.s32 $0x2C80  }
0x5: {  	s18 =	simm.s32 $0x2D00;
	s19 =	simm.s32 $0x20;
	s20 =	simm.s32 $0x10  }
0x6: {  	s6 =	sand.u32 $0x1, s0;
	s0 =	rddreg [dreg:$0x3];
	s9 =	smul.u32 $0x500, s10  }
0x7: {  	s21 =	simm.s32 $0x0;
	[smem:$0x7FF] =	sst s3;
	s13 =	smul.u32 $0xA00, s10  }
0x8: {  	p0 =	sne.s32 s10, $0x0;
	s31 =	sshll.u32 s10, $0x6;
	s7 =	sshll.u32 s6, $0x4  }
0x9: {  	_ =	strace $0x80000047;
	s12 =	sshll.u32 s6, $0x7;
	s6 =	ssub.s32 $0x2, s6  }
0xa: {  	s4 =	sor.u32 s10, s7;
	s9 =	sor.u32 s12, s9;
	s29 =	sshrl.u32 s6, $0x1  }
0xb: {  	s14 =	sadd.s32 s7, s5;
	s30 =	sshrl.u32 s13, $0x2;
	s10 =	simm.s32 $0x1  }
0xc: {  	s8 =	smul.u32 $0x580, s4;
	s4 =	sshll.u32 s4, $0x6;
	s9 =	sshrl.u32 s9, $0x3  }
0xd: {  	s12 =	ssub.s32 s6, s29;
	s13 =	sadd.s32 s30, s1;
	s11 =	sadd.s32 s4, s5  }
0xe: {  	s4 =	sadd.s32 $0xD400, s5;
	s9 =	sadd.s32 s9, s5;
	s13 =	sshrl.u32 s13, $0x3  }
0xf: {  	s8 =	sadd.s32 s8, s5;
	s6 =	sadd.s32 $0xCC00, s11;
	s7 =	sadd.s32 $0xE800, s9  }
0x10: {  	s9 =	smax.u32 s12, $0x1;
	s11 =	simm.s32 $0x2C00;
	s12 =	sor.u32 $0x1C01, s31  }
0x11: {  	v0 =	vimm.f32 $1.000000000e+00;
	s5 =	sadd.s32 $0x1C00, s8;
	s8 =	sadd.s32 $0xF200, s14;
	s14 =	sshrl.u32 @!p0 s2, $0x3  }
.LBB2_1:
0x12: {  	[tilespmem:s3], [sflag:$0x1] =	stream.linear.gather [hbm4b:s5+s3], $0x2880, $0x38;
	[tilespmem:$0x3110] =	vst v63  }
0x13: {  	_ =	swait.ge [sflag:s10], $0x2880  }
0x14: {  	[sflag:s10] =	ssyncset.done $0x0  }
0x15: {  	[sflag:s10] =	ssyncadd.s32 $0xFFFFD780  }
0x16: {  	[tilespmem:s11], [sflag:$0x1] =	stream.linear.gather [hbm4b:s6+s3], $0x180, $0x38;
	[tilespmem:$0x3110] =	vst v63  }
0x17: {  	_ =	swait.ge [sflag:s10], $0x180  }
0x18: {  	[sflag:s10] =	ssyncset.done $0x0  }
0x19: {  	[sflag:s10] =	ssyncadd.s32 $0xFFFFFE80  }
0x1a: {  	[tilespmem:$0x2E00] =	vst v0  }
0x1b: {  	[tilespmem:$0x2E10] =	vst v0  }
0x1c: {  	[tilespmem:$0x2E20] =	vst v0  }
0x1d: {  	[tilespmem:$0x2E30] =	vst v0  }
0x1e: {  	[tilespmem:$0x2E40] =	vst v0  }
0x1f: {  	[tilespmem:$0x2E50] =	vst v0  }
0x20: {  	[tilespmem:$0x2E60] =	vst v0  }
0x21: {  	[tilespmem:$0x2E70] =	vst v0  }
0x22: {  	[spmem:s13], [sflag:s12] =	dma.local [hbm:s4], $0x50  }
0x23: {  	_ =	swait.ge [sflag:s10], $0x50  }
0x24: {  	[sflag:s10] =	ssyncset.done $0x0  }
0x25: {  	s22 =	simm.s32 @!p0 $0x1;
	[sflag:s10] =	ssyncadd.s32 $0xFFFFFFB0  }
0x26: {  	[spmem:s14], [sflag:s12] =	dma.local @!p0 [hbm:s4], $0x20  }
0x27: {  	_ =	swait.ge @!p0 [sflag:s22], $0x20  }
0x28: {  	[sflag:s22] =	ssyncset.done @!p0 $0x0  }
0x29: {  	[sflag:s22] =	ssyncadd.s32 @!p0 $0xFFFFFFE0  }
0x2a: {  	s31 =	simm.s32 $0x0;
	[bflag:$0x0] =	sbarrier.arrive $0xFFFF  }
0x2b: {  	[spmem:s1] =	stream.indirect.scatter.add.f32 [tilespmem:s16], [sflag:$0x1], $0x1, s31, s15, $0xb8;
	[tilespmem:$0x3110] =	vst v63  }
0x2c: {  	_ =	swait.ge [sflag:s10], $0x80  }
0x2d: {  	s22 =	simm.s32 $0x200;
	[sflag:s10] =	ssyncset.done $0x0  }
.LBB2_2:
0x2e: {  	s23 =	sshra.s32 s22, $0x2;
	[sflag:s10] =	ssyncadd.s32 $0xFFFFFF80;
	p1 =	sne.s32 s22, $0xA000  }
0x2f: {  	[spmem:s1] =	stream.indirect.scatter.add.f32 [tilespmem:s16], [sflag:$0x1], $0x1, s23, s15, $0xb8;
	[tilespmem:$0x3110] =	vst v63  }
.Ltmp0:
0x30: {  	_ = 	snop;
	(pc) =	sbr.rel @p1 .LBB2_2-.Ltmp0, $4  }
0x31: {  	_ = 	snop  }
0x32: {  	s22 =	sadd.s32 $0x200, s22  }
0x33: {  	_ =	swait.ge [sflag:s10], $0x80  }
0x34: {  	[sflag:s10] =	ssyncset.done $0x0  }
0x35: {  	[sflag:s10] =	ssyncadd.s32 $0xFFFFFF80  }
0x36: {  	[spmem:s2] =	stream.indirect.scatter.add.f32 [tilespmem:s16], [sflag:$0x1], $0x1, s11, s15, $0xb8;
	[tilespmem:$0x3110] =	vst v63  }
0x37: {  	_ =	swait.ge [sflag:s10], $0x80  }
0x38: {  	[sflag:s10] =	ssyncset.done $0x0  }
0x39: {  	[sflag:s10] =	ssyncadd.s32 $0xFFFFFF80  }
0x3a: {  	[spmem:s2] =	stream.indirect.scatter.add.f32 [tilespmem:s16], [sflag:$0x1], $0x1, s17, s15, $0xb8;
	[tilespmem:$0x3110] =	vst v63  }
0x3b: {  	_ =	swait.ge [sflag:s10], $0x80  }
0x3c: {  	[sflag:s10] =	ssyncset.done $0x0  }
0x3d: {  	[sflag:s10] =	ssyncadd.s32 $0xFFFFFF80  }
0x3e: {  	[spmem:s2] =	stream.indirect.scatter.add.f32 [tilespmem:s16], [sflag:$0x1], $0x1, s18, s15, $0xb8;
	[tilespmem:$0x3110] =	vst v63  }
0x3f: {  	_ =	swait.ge [sflag:s10], $0x80  }
0x40: {  	[sflag:s10] =	ssyncset.done $0x0  }
0x41: {  	[sflag:s10] =	ssyncadd.s32 $0xFFFFFF80  }
0x42: {  	[bflag:$0x0] =	sbarrier.arrive $0xFFFF  }
0x43: {  	[hbm:s7@s19], [sflag:s12] =	dma.strided [spmem:s13@s20], $0x50, s10, $0x10   }
0x44: {  	s22 =	simm.s32 @!p0 $0x1;
	s21 =	sadd.s32 $0x1, s21;
	_ =	swait.ge [sflag:s10], $0x50  }
0x45: {  	s23 =	simm.s32 @!p0 $0x20;
	p1 =	sne.s32 s21, s9;
	[sflag:s10] =	ssyncset.done $0x0  }
.Ltmp1:
0x46: {  	s24 =	simm.s32 @!p0 $0x10;
	[sflag:s10] =	ssyncadd.s32 $0xFFFFFFB0;
	(pc) =	sbr.rel @p1 .LBB2_1-.Ltmp1, $4  }
0x47: {  	[hbm:s8@s23], [sflag:s12] =	dma.strided @!p0 [spmem:s14@s24], $0x20, s22, $0x10   }
0x48: {  	_ =	swait.ge @!p0 [sflag:s22], $0x20  }
0x49: {  	[sflag:s22] =	ssyncset.done @!p0 $0x0  }
0x4a: {  	[sflag:s22] =	ssyncadd.s32 @!p0 $0xFFFFFFE0  }
0x4b: {  	_ =	sfence.sel $0x180000  }
0x4c: {  	[bflag:$0x0] =	sbarrier.arrive $0xFFFF  }
0x4d: {  	_ =	strace $0x90000047  }
0x4e: {  	s0 =	sadd.s32 @!p0 $0x100000, s0;
	[bflag:$0x2] =	sbarrier.arrive $0xFFFF  }
0x4f: {  	[sflag:s0] =	ssyncadd.tile.s32 @!p0 $0x1;
	_ =	shalt  }
.Lfunc_end2:
_tile_overlayer_lowered:
.L_overlay_start_2:
0x50: {  	(tag) =	ssettag $0x2  }
0x51: {  	s0 =	rddreg [dreg:$0x0];
	s2 =	stileid.u32  }
0x52: {  	s1 =	rddreg [dreg:$0x1];
	p0 =	sne.s32 s2, $0x0  }
0x53: {  	s3 =	rddreg [dreg:$0x2];
	[bflag:$0x3] =	sbarrier.arrive $0xFFFF;
	s2 =	simm.s32 @!p0 $0x1C01  }
0x54: {  	[timem:s3], [sflag:s2] =	dma.local @!p0 [hbm:s0], s1  }
0x55: {  	s0 =	simm.s32 @!p0 $0x1  }
0x56: {  	_ =	swait.ge @!p0 [sflag:s0], s1  }
0x57: {  	s1 =	ssub.s32 @!p0 $0x0, s1;
	[sflag:s0] =	ssyncset.done @!p0 $0x0  }
0x58: {  	[sflag:s0] =	ssyncadd.s32 @!p0 s1  }
0x59: {  	[bflag:$0x3] =	sbarrier.arrive $0xFFFF  }
0x5a: {  	_ =	shalt  }

</sc_bundles>
